<compile_context>
chip_gen: v7x
topology: tpu7x:2x2x1
jax: 0.10.2.dev20260603
libtpu: 0.0.44.dev20260713+nightly
codegen_flags: <defaults>
</compile_context>

<pallas_src>
import functools

import jax
import jax.numpy as jnp
from jax import lax
from jax.experimental import pallas as pl
from jax.experimental.pallas import tpu as pltpu
from jax.experimental.pallas import tpu_sc as plsc

B = 1024
D = 512
N = 100000
K = 32
G = 128
NP = 100352
NG = NP // G
NEG = -3.0e38
BIGI = 2**30

RT = 256
CB = 2048
NRB = B // RT
NCB = NP // CB
GPB = CB // G


def _k1_body(x_ref, w_ref, s_ref, gm_ref):
    j = pl.program_id(0)
    s = jnp.dot(x_ref[...], w_ref[...], preferred_element_type=jnp.float32)
    gcol = j * CB + lax.broadcasted_iota(jnp.int32, (RT, CB), 1)
    s = jnp.where(gcol < N, s, NEG)
    s3 = s.reshape(RT, GPB, G)
    s_ref[...] = s3
    gm_ref[...] = jnp.max(s3, axis=2)[None]


def _scores_and_groupmax(x, wt):
    return pl.pallas_call(
        _k1_body,
        grid=(NCB, NRB),
        in_specs=[
            pl.BlockSpec((RT, D), lambda j, i: (i, 0)),
            pl.BlockSpec((D, CB), lambda j, i: (0, j)),
        ],
        out_specs=[
            pl.BlockSpec((RT, GPB, G), lambda j, i: (i, j, 0)),
            pl.BlockSpec((1, RT, GPB), lambda j, i: (j, i, 0)),
        ],
        out_shape=[
            jax.ShapeDtypeStruct((B, NG, G), jnp.float32),
            jax.ShapeDtypeStruct((NCB, B, GPB), jnp.float32),
        ],
    )(x, wt)


def _k2_body(gm_ref, flat_ref, gid_ref):
    i = pl.program_id(0)
    lane = lax.broadcasted_iota(jnp.int32, (RT, NG), 1)
    row = i * RT + lax.broadcasted_iota(jnp.int32, (RT, 1), 0)
    kio = lax.broadcasted_iota(jnp.int32, (RT, K), 1)
    g0 = gm_ref[...]

    def step(k, carry):
        g, gids = carry
        m = jnp.max(g, axis=1, keepdims=True)
        c = jnp.min(jnp.where(g == m, lane, BIGI), axis=1, keepdims=True)
        gids = jnp.where(kio == k, c, gids)
        return jnp.where(lane == c, NEG, g), gids

    _, gids = lax.fori_loop(0, K, step,
                            (g0, jnp.zeros((RT, K), jnp.int32)))
    gid_ref[...] = gids
    flat_ref[...] = row * NG + gids


def _top_groups(gm):
    return pl.pallas_call(
        _k2_body,
        grid=(NRB,),
        in_specs=[pl.BlockSpec((RT, NG), lambda i: (i, 0))],
        out_specs=[
            pl.BlockSpec((RT, K), lambda i: (i, 0)),
            pl.BlockSpec((RT, K), lambda i: (i, 0)),
        ],
        out_shape=[
            jax.ShapeDtypeStruct((B, K), jnp.int32),
            jax.ShapeDtypeStruct((B, K), jnp.int32),
        ],
    )(gm)


NCAND = K * G


def _k4_body(cand_ref, gid_ref, vals_ref, idx_ref):
    gids = gid_ref[...]
    lane = lax.broadcasted_iota(jnp.int32, (RT, NCAND), 1)
    iglob = jnp.repeat(gids, G, axis=1) * G + lane % G
    kio = lax.broadcasted_iota(jnp.int32, (RT, K), 1)

    def step(k, carry):
        s, vals, idx = carry
        m = jnp.max(s, axis=1, keepdims=True)
        c = jnp.min(jnp.where(s == m, iglob, BIGI), axis=1, keepdims=True)
        vals = jnp.where(kio == k, m, vals)
        idx = jnp.where(kio == k, c, idx)
        return jnp.where(iglob == c, NEG, s), vals, idx

    _, vals, idx = lax.fori_loop(
        0, K, step,
        (cand_ref[...], jnp.zeros((RT, K), jnp.float32),
         jnp.zeros((RT, K), jnp.int32)))
    vals_ref[...] = vals
    idx_ref[...] = idx


def _top_candidates(cand, gids):
    return pl.pallas_call(
        _k4_body,
        grid=(NRB,),
        in_specs=[
            pl.BlockSpec((RT, NCAND), lambda i: (i, 0)),
            pl.BlockSpec((RT, K), lambda i: (i, 0)),
        ],
        out_specs=[
            pl.BlockSpec((RT, K), lambda i: (i, 0)),
            pl.BlockSpec((RT, K), lambda i: (i, 0)),
        ],
        out_shape=[
            jax.ShapeDtypeStruct((B, K), jnp.float32),
            jax.ShapeDtypeStruct((B, K), jnp.int32),
        ],
    )(cand, gids)


NW = 32


def _sc_gather(table, idx2d, rows_per_dma, n_dma, row_w):
    per_w = n_dma * rows_per_dma

    @functools.partial(
        pl.kernel,
        mesh=plsc.VectorSubcoreMesh(core_axis_name="c", subcore_axis_name="s"),
        out_type=jax.ShapeDtypeStruct((NW * per_w, row_w), jnp.float32),
        scratch_types=[
            pltpu.VMEM((n_dma, rows_per_dma), jnp.int32),
            pltpu.VMEM((rows_per_dma, row_w), jnp.float32),
            pltpu.VMEM((rows_per_dma, row_w), jnp.float32),
            pltpu.SemaphoreType.DMA,
            pltpu.SemaphoreType.DMA,
            pltpu.SemaphoreType.DMA,
            pltpu.SemaphoreType.DMA,
        ],
    )
    def k(tab_hbm, idx_hbm, out_hbm, idx_v, buf0, buf1, g0, g1, s0, s1):
        wid = lax.axis_index("s") * 2 + lax.axis_index("c")
        pltpu.sync_copy(idx_hbm.at[pl.ds(wid * n_dma, n_dma)], idx_v)
        bufs, gsems, ssems = (buf0, buf1), (g0, g1), (s0, s1)
        stores = [None, None]
        for c in range(n_dma):
            b = c % 2
            if stores[b] is not None:
                stores[b].wait()
            pltpu.async_copy(tab_hbm.at[idx_v.at[c]], bufs[b], gsems[b]).wait()
            stores[b] = pltpu.async_copy(
                bufs[b],
                out_hbm.at[pl.ds(wid * per_w + c * rows_per_dma, rows_per_dma)],
                ssems[b])
        for b in range(2):
            if stores[b] is not None:
                stores[b].wait()

    return k(table, idx2d)


def kernel(image_features, attr_features):
    wt = jnp.pad(attr_features, ((0, NP - N), (0, 0))).T
    scores, gm3 = _scores_and_groupmax(image_features, wt)
    gm = gm3.transpose(1, 0, 2).reshape(B, NG)
    flat_idx, gids = _top_groups(gm)
    seg_table = scores.reshape(B * NG, G)
    cand = _sc_gather(seg_table, flat_idx.reshape(NW * 8, 128), 128, 8, G)
    vals, idx = _top_candidates(cand.reshape(B, NCAND), gids)
    rows = _sc_gather(attr_features, idx.reshape(NW * 16, 64), 64, 16, D)
    return rows.reshape(B, K, D), vals

# --- scband reference (transcript-rebuilt; emitter-appended) ---
"""Pipeline reference for scband-attribute-retriever-65137474011221 (READ-ONLY COPY).

The authoritative reference and input builder live on the scoring server;
editing this copy changes nothing except your own understanding.
"""

import jax, jax.numpy as jnp
import numpy as np

N_CLS = 1000
N_ATTR_PER_CLS = 100
FEAT_DIM = 512
BATCH = 1024
TOP_K = 32

def setup_inputs(seed: int = 0) -> dict:
    key = jax.random.key(seed)
    k1, k2 = jax.random.split(key)
    image_features = jax.random.normal(k1, (BATCH, FEAT_DIM), dtype=jnp.float32)
    # attr_concept_features: (n_cls, n_attr_per_cls, feat_dim) flattened + L2-normalized
    attr_concept = jax.random.normal(k2, (N_CLS, N_ATTR_PER_CLS, FEAT_DIM), dtype=jnp.float32)
    attr_features = attr_concept.reshape(-1, FEAT_DIM)
    attr_features = attr_features / jnp.linalg.norm(attr_features, axis=-1, keepdims=True)
    return {"image_features": image_features, "attr_features": attr_features}

def reference(image_features, attr_features):
    # similarities: (B, n_attrs)
    similarities = image_features @ attr_features.T
    top_scores, top_indices = jax.lax.top_k(similarities, TOP_K)
    # gather: (B, top_k, feat_dim)
    top_attr_features = attr_features[top_indices]
    return (top_attr_features, top_scores)

if __name__ == "__main__":
    import jax
    _d = setup_inputs()
    print(jax.jit(kernel)(*tuple(_d.values())))

</pallas_src>

<mosaic_0001>
#map = affine_map<(d0, d1) -> (0, 0)>
module attributes {stable_mosaic.version = 14 : i64} {
  func.func @k(%arg0: i32, %arg1: i32, %arg2: memref<802816x128xf32, #tpu.memory_space<hbm>>, %arg3: memref<256x128xi32, #tpu.memory_space<hbm>>, %arg4: memref<32768x128xf32, #tpu.memory_space<hbm>>, %arg5: memref<8x128xi32, #tpu.memory_space<vmem>>, %arg6: memref<128x128xf32, #tpu.memory_space<vmem>>, %arg7: memref<128x128xf32, #tpu.memory_space<vmem>>, %arg8: memref<!tpu.dma_semaphore, #tpu.memory_space<semaphore_mem>>, %arg9: memref<!tpu.dma_semaphore, #tpu.memory_space<semaphore_mem>>, %arg10: memref<!tpu.dma_semaphore, #tpu.memory_space<semaphore_mem>>, %arg11: memref<!tpu.dma_semaphore, #tpu.memory_space<semaphore_mem>>) attributes {dimension_semantics = [#tpu.dimension_semantics<core_parallel>, #tpu.dimension_semantics<subcore_parallel>], iteration_bounds = array<i64: 2, 16>, scalar_prefetch = 0 : i64, scratch_operands = 7 : i64, tpu.core_type = #tpu.core_type<sc_vector_subcore>, window_params = [{transform_indices = #map}, {transform_indices = #map}, {transform_indices = #map}]} {
    %mul3A = arith.constant 2 : i32
    %mul3A_0 = arith.muli %arg1, %mul3A : i32
    %add3A = arith.addi %mul3A_0, %arg0 : i32
    %mul3A_1 = arith.constant 8 : i32
    %mul3A_2 = arith.muli %add3A, %mul3A_1 : i32
    "tpu.region"() ({
      %run_scoped3A = tpu.sem_alloc : memref<!tpu.dma_semaphore, #tpu.memory_space<semaphore_mem>>
      %dma_start3A_209 = arith.constant 0 : i32
      %dma_start3A_210 = tpu.memref_slice %arg3[%mul3A_2, %dma_start3A_209] : memref<256x128xi32, #tpu.memory_space<hbm>> -> memref<8x128xi32, #tpu.memory_space<hbm>>
      %dma_start3A_211 = arith.constant 0 : i32
      %dma_start3A_212 = tpu.memref_slice %arg3[%mul3A_2, %dma_start3A_211] : memref<256x128xi32, #tpu.memory_space<hbm>> -> memref<8x128xi32, #tpu.memory_space<hbm>>
      tpu.enqueue_dma source(%dma_start3A_212 : memref<8x128xi32, #tpu.memory_space<hbm>>) target(%arg5 : memref<8x128xi32, #tpu.memory_space<vmem>>) target_semaphore(%run_scoped3A : memref<!tpu.dma_semaphore, #tpu.memory_space<semaphore_mem>>)
      %dma_wait3A_213 = arith.constant 0 : i32
      %dma_wait3A_214 = tpu.memref_slice %arg3[%mul3A_2, %dma_wait3A_213] : memref<256x128xi32, #tpu.memory_space<hbm>> -> memref<8x128xi32, #tpu.memory_space<hbm>>
      %dma_wait3A_215 = arith.constant 0 : i32
      %dma_wait3A_216 = tpu.memref_slice %arg3[%mul3A_2, %dma_wait3A_215] : memref<256x128xi32, #tpu.memory_space<hbm>> -> memref<8x128xi32, #tpu.memory_space<hbm>>
      tpu.wait_dma2 semaphore(%run_scoped3A : memref<!tpu.dma_semaphore, #tpu.memory_space<semaphore_mem>>) src(%dma_wait3A_216 : memref<8x128xi32, #tpu.memory_space<hbm>>) dst(%arg5 : memref<8x128xi32, #tpu.memory_space<vmem>>)
      tpu.yield
    }) : () -> ()
    %dma_start3A = arith.constant 0 : i32
    %dma_start3A_3 = arith.constant 0 : i32
    %dma_start3A_4 = tpu.memref_slice %arg5[%dma_start3A, %dma_start3A_3] : memref<8x128xi32, #tpu.memory_space<vmem>> -> memref<1x128xi32, #tpu.memory_space<vmem>>
    %dma_start3A_5 = tpu.memref_squeeze %dma_start3A_4 : memref<1x128xi32, #tpu.memory_space<vmem>> -> memref<128xi32, #tpu.memory_space<vmem>>
    %dma_start3A_6 = arith.constant 0 : i32
    %dma_start3A_7 = arith.constant 0 : i32
    %dma_start3A_8 = tpu.memref_slice %arg2[%dma_start3A_6, %dma_start3A_7] : memref<802816x128xf32, #tpu.memory_space<hbm>> -> memref<802816x128xf32, #tpu.memory_space<hbm>>
    tpu.enqueue_indirect_dma source(%dma_start3A_8 : memref<802816x128xf32, #tpu.memory_space<hbm>>) target(%arg6 : memref<128x128xf32, #tpu.memory_space<vmem>>) offsets(%dma_start3A_5 : memref<128xi32, #tpu.memory_space<vmem>>) semaphore(%arg8 : memref<!tpu.dma_semaphore, #tpu.memory_space<semaphore_mem>>)
    %dma_wait3A = arith.constant 0 : i32
    %dma_wait3A_9 = arith.constant 0 : i32
    %dma_wait3A_10 = tpu.memref_slice %arg5[%dma_wait3A, %dma_wait3A_9] : memref<8x128xi32, #tpu.memory_space<vmem>> -> memref<1x128xi32, #tpu.memory_space<vmem>>
    %dma_wait3A_11 = tpu.memref_squeeze %dma_wait3A_10 : memref<1x128xi32, #tpu.memory_space<vmem>> -> memref<128xi32, #tpu.memory_space<vmem>>
    %dma_wait3A_12 = arith.constant 0 : i32
    %dma_wait3A_13 = arith.constant 0 : i32
    %dma_wait3A_14 = tpu.memref_slice %arg2[%dma_wait3A_12, %dma_wait3A_13] : memref<802816x128xf32, #tpu.memory_space<hbm>> -> memref<802816x128xf32, #tpu.memory_space<hbm>>
    tpu.wait_indirect_dma semaphore(%arg8 : memref<!tpu.dma_semaphore, #tpu.memory_space<semaphore_mem>>) src(%dma_wait3A_14 : memref<802816x128xf32, #tpu.memory_space<hbm>>) dst(%arg6 : memref<128x128xf32, #tpu.memory_space<vmem>>)
    %mul3A_15 = arith.constant 1024 : i32
    %mul3A_16 = arith.muli %add3A, %mul3A_15 : i32
    %add3A_17 = arith.constant 0 : i32
    %add3A_18 = arith.addi %mul3A_16, %add3A_17 : i32
    %dma_start3A_19 = arith.constant 0 : i32
    %dma_start3A_20 = tpu.memref_slice %arg4[%add3A_18, %dma_start3A_19] : memref<32768x128xf32, #tpu.memory_space<hbm>> -> memref<128x128xf32, #tpu.memory_space<hbm>>
    %dma_start3A_21 = arith.constant 0 : i32
    %dma_start3A_22 = tpu.memref_slice %arg4[%add3A_18, %dma_start3A_21] : memref<32768x128xf32, #tpu.memory_space<hbm>> -> memref<128x128xf32, #tpu.memory_space<hbm>>
    tpu.enqueue_dma source(%arg6 : memref<128x128xf32, #tpu.memory_space<vmem>>) target(%dma_start3A_22 : memref<128x128xf32, #tpu.memory_space<hbm>>) target_semaphore(%arg10 : memref<!tpu.dma_semaphore, #tpu.memory_space<semaphore_mem>>)
    %dma_start3A_23 = arith.constant 1 : i32
    %dma_start3A_24 = arith.constant 0 : i32
    %dma_start3A_25 = tpu.memref_slice %arg5[%dma_start3A_23, %dma_start3A_24] : memref<8x128xi32, #tpu.memory_space<vmem>> -> memref<1x128xi32, #tpu.memory_space<vmem>>
    %dma_start3A_26 = tpu.memref_squeeze %dma_start3A_25 : memref<1x128xi32, #tpu.memory_space<vmem>> -> memref<128xi32, #tpu.memory_space<vmem>>
    %dma_start3A_27 = arith.constant 0 : i32
    %dma_start3A_28 = arith.constant 0 : i32
    %dma_start3A_29 = tpu.memref_slice %arg2[%dma_start3A_27, %dma_start3A_28] : memref<802816x128xf32, #tpu.memory_space<hbm>> -> memref<802816x128xf32, #tpu.memory_space<hbm>>
    tpu.enqueue_indirect_dma source(%dma_start3A_29 : memref<802816x128xf32, #tpu.memory_space<hbm>>) target(%arg7 : memref<128x128xf32, #tpu.memory_space<vmem>>) offsets(%dma_start3A_26 : memref<128xi32, #tpu.memory_space<vmem>>) semaphore(%arg9 : memref<!tpu.dma_semaphore, #tpu.memory_space<semaphore_mem>>)
    %dma_wait3A_30 = arith.constant 1 : i32
    %dma_wait3A_31 = arith.constant 0 : i32
    %dma_wait3A_32 = tpu.memref_slice %arg5[%dma_wait3A_30, %dma_wait3A_31] : memref<8x128xi32, #tpu.memory_space<vmem>> -> memref<1x128xi32, #tpu.memory_space<vmem>>
    %dma_wait3A_33 = tpu.memref_squeeze %dma_wait3A_32 : memref<1x128xi32, #tpu.memory_space<vmem>> -> memref<128xi32, #tpu.memory_space<vmem>>
    %dma_wait3A_34 = arith.constant 0 : i32
    %dma_wait3A_35 = arith.constant 0 : i32
    %dma_wait3A_36 = tpu.memref_slice %arg2[%dma_wait3A_34, %dma_wait3A_35] : memref<802816x128xf32, #tpu.memory_space<hbm>> -> memref<802816x128xf32, #tpu.memory_space<hbm>>
    tpu.wait_indirect_dma semaphore(%arg9 : memref<!tpu.dma_semaphore, #tpu.memory_space<semaphore_mem>>) src(%dma_wait3A_36 : memref<802816x128xf32, #tpu.memory_space<hbm>>) dst(%arg7 : memref<128x128xf32, #tpu.memory_space<vmem>>)
    %mul3A_37 = arith.constant 1024 : i32
    %mul3A_38 = arith.muli %add3A, %mul3A_37 : i32
    %add3A_39 = arith.constant 128 : i32
    %add3A_40 = arith.addi %mul3A_38, %add3A_39 : i32
    %dma_start3A_41 = arith.constant 0 : i32
    %dma_start3A_42 = tpu.memref_slice %arg4[%add3A_40, %dma_start3A_41] : memref<32768x128xf32, #tpu.memory_space<hbm>> -> memref<128x128xf32, #tpu.memory_space<hbm>>
    %dma_start3A_43 = arith.constant 0 : i32
    %dma_start3A_44 = tpu.memref_slice %arg4[%add3A_40, %dma_start3A_43] : memref<32768x128xf32, #tpu.memory_space<hbm>> -> memref<128x128xf32, #tpu.memory_space<hbm>>
    tpu.enqueue_dma source(%arg7 : memref<128x128xf32, #tpu.memory_space<vmem>>) target(%dma_start3A_44 : memref<128x128xf32, #tpu.memory_space<hbm>>) target_semaphore(%arg11 : memref<!tpu.dma_semaphore, #tpu.memory_space<semaphore_mem>>)
    %dma_wait3A_45 = arith.constant 0 : i32
    %dma_wait3A_46 = tpu.memref_slice %arg4[%add3A_18, %dma_wait3A_45] : memref<32768x128xf32, #tpu.memory_space<hbm>> -> memref<128x128xf32, #tpu.memory_space<hbm>>
    %dma_wait3A_47 = arith.constant 0 : i32
    %dma_wait3A_48 = tpu.memref_slice %arg4[%add3A_18, %dma_wait3A_47] : memref<32768x128xf32, #tpu.memory_space<hbm>> -> memref<128x128xf32, #tpu.memory_space<hbm>>
    tpu.wait_dma2 semaphore(%arg10 : memref<!tpu.dma_semaphore, #tpu.memory_space<semaphore_mem>>) src(%arg6 : memref<128x128xf32, #tpu.memory_space<vmem>>) dst(%dma_wait3A_48 : memref<128x128xf32, #tpu.memory_space<hbm>>)
    %dma_start3A_49 = arith.constant 2 : i32
    %dma_start3A_50 = arith.constant 0 : i32
    %dma_start3A_51 = tpu.memref_slice %arg5[%dma_start3A_49, %dma_start3A_50] : memref<8x128xi32, #tpu.memory_space<vmem>> -> memref<1x128xi32, #tpu.memory_space<vmem>>
    %dma_start3A_52 = tpu.memref_squeeze %dma_start3A_51 : memref<1x128xi32, #tpu.memory_space<vmem>> -> memref<128xi32, #tpu.memory_space<vmem>>
    %dma_start3A_53 = arith.constant 0 : i32
    %dma_start3A_54 = arith.constant 0 : i32
    %dma_start3A_55 = tpu.memref_slice %arg2[%dma_start3A_53, %dma_start3A_54] : memref<802816x128xf32, #tpu.memory_space<hbm>> -> memref<802816x128xf32, #tpu.memory_space<hbm>>
    tpu.enqueue_indirect_dma source(%dma_start3A_55 : memref<802816x128xf32, #tpu.memory_space<hbm>>) target(%arg6 : memref<128x128xf32, #tpu.memory_space<vmem>>) offsets(%dma_start3A_52 : memref<128xi32, #tpu.memory_space<vmem>>) semaphore(%arg8 : memref<!tpu.dma_semaphore, #tpu.memory_space<semaphore_mem>>)
    %dma_wait3A_56 = arith.constant 2 : i32
    %dma_wait3A_57 = arith.constant 0 : i32
    %dma_wait3A_58 = tpu.memref_slice %arg5[%dma_wait3A_56, %dma_wait3A_57] : memref<8x128xi32, #tpu.memory_space<vmem>> -> memref<1x128xi32, #tpu.memory_space<vmem>>
    %dma_wait3A_59 = tpu.memref_squeeze %dma_wait3A_58 : memref<1x128xi32, #tpu.memory_space<vmem>> -> memref<128xi32, #tpu.memory_space<vmem>>
    %dma_wait3A_60 = arith.constant 0 : i32
    %dma_wait3A_61 = arith.constant 0 : i32
    %dma_wait3A_62 = tpu.memref_slice %arg2[%dma_wait3A_60, %dma_wait3A_61] : memref<802816x128xf32, #tpu.memory_space<hbm>> -> memref<802816x128xf32, #tpu.memory_space<hbm>>
    tpu.wait_indirect_dma semaphore(%arg8 : memref<!tpu.dma_semaphore, #tpu.memory_space<semaphore_mem>>) src(%dma_wait3A_62 : memref<802816x128xf32, #tpu.memory_space<hbm>>) dst(%arg6 : memref<128x128xf32, #tpu.memory_space<vmem>>)
    %mul3A_63 = arith.constant 1024 : i32
    %mul3A_64 = arith.muli %add3A, %mul3A_63 : i32
    %add3A_65 = arith.constant 256 : i32
    %add3A_66 = arith.addi %mul3A_64, %add3A_65 : i32
    %dma_start3A_67 = arith.constant 0 : i32
    %dma_start3A_68 = tpu.memref_slice %arg4[%add3A_66, %dma_start3A_67] : memref<32768x128xf32, #tpu.memory_space<hbm>> -> memref<128x128xf32, #tpu.memory_space<hbm>>
    %dma_start3A_69 = arith.constant 0 : i32
    %dma_start3A_70 = tpu.memref_slice %arg4[%add3A_66, %dma_start3A_69] : memref<32768x128xf32, #tpu.memory_space<hbm>> -> memref<128x128xf32, #tpu.memory_space<hbm>>
    tpu.enqueue_dma source(%arg6 : memref<128x128xf32, #tpu.memory_space<vmem>>) target(%dma_start3A_70 : memref<128x128xf32, #tpu.memory_space<hbm>>) target_semaphore(%arg10 : memref<!tpu.dma_semaphore, #tpu.memory_space<semaphore_mem>>)
    %dma_wait3A_71 = arith.constant 0 : i32
    %dma_wait3A_72 = tpu.memref_slice %arg4[%add3A_40, %dma_wait3A_71] : memref<32768x128xf32, #tpu.memory_space<hbm>> -> memref<128x128xf32, #tpu.memory_space<hbm>>
    %dma_wait3A_73 = arith.constant 0 : i32
    %dma_wait3A_74 = tpu.memref_slice %arg4[%add3A_40, %dma_wait3A_73] : memref<32768x128xf32, #tpu.memory_space<hbm>> -> memref<128x128xf32, #tpu.memory_space<hbm>>
    tpu.wait_dma2 semaphore(%arg11 : memref<!tpu.dma_semaphore, #tpu.memory_space<semaphore_mem>>) src(%arg7 : memref<128x128xf32, #tpu.memory_space<vmem>>) dst(%dma_wait3A_74 : memref<128x128xf32, #tpu.memory_space<hbm>>)
    %dma_start3A_75 = arith.constant 3 : i32
    %dma_start3A_76 = arith.constant 0 : i32
    %dma_start3A_77 = tpu.memref_slice %arg5[%dma_start3A_75, %dma_start3A_76] : memref<8x128xi32, #tpu.memory_space<vmem>> -> memref<1x128xi32, #tpu.memory_space<vmem>>
    %dma_start3A_78 = tpu.memref_squeeze %dma_start3A_77 : memref<1x128xi32, #tpu.memory_space<vmem>> -> memref<128xi32, #tpu.memory_space<vmem>>
    %dma_start3A_79 = arith.constant 0 : i32
    %dma_start3A_80 = arith.constant 0 : i32
    %dma_start3A_81 = tpu.memref_slice %arg2[%dma_start3A_79, %dma_start3A_80] : memref<802816x128xf32, #tpu.memory_space<hbm>> -> memref<802816x128xf32, #tpu.memory_space<hbm>>
    tpu.enqueue_indirect_dma source(%dma_start3A_81 : memref<802816x128xf32, #tpu.memory_space<hbm>>) target(%arg7 : memref<128x128xf32, #tpu.memory_space<vmem>>) offsets(%dma_start3A_78 : memref<128xi32, #tpu.memory_space<vmem>>) semaphore(%arg9 : memref<!tpu.dma_semaphore, #tpu.memory_space<semaphore_mem>>)
    %dma_wait3A_82 = arith.constant 3 : i32
    %dma_wait3A_83 = arith.constant 0 : i32
    %dma_wait3A_84 = tpu.memref_slice %arg5[%dma_wait3A_82, %dma_wait3A_83] : memref<8x128xi32, #tpu.memory_space<vmem>> -> memref<1x128xi32, #tpu.memory_space<vmem>>
    %dma_wait3A_85 = tpu.memref_squeeze %dma_wait3A_84 : memref<1x128xi32, #tpu.memory_space<vmem>> -> memref<128xi32, #tpu.memory_space<vmem>>
    %dma_wait3A_86 = arith.constant 0 : i32
    %dma_wait3A_87 = arith.constant 0 : i32
    %dma_wait3A_88 = tpu.memref_slice %arg2[%dma_wait3A_86, %dma_wait3A_87] : memref<802816x128xf32, #tpu.memory_space<hbm>> -> memref<802816x128xf32, #tpu.memory_space<hbm>>
    tpu.wait_indirect_dma semaphore(%arg9 : memref<!tpu.dma_semaphore, #tpu.memory_space<semaphore_mem>>) src(%dma_wait3A_88 : memref<802816x128xf32, #tpu.memory_space<hbm>>) dst(%arg7 : memref<128x128xf32, #tpu.memory_space<vmem>>)
    %mul3A_89 = arith.constant 1024 : i32
    %mul3A_90 = arith.muli %add3A, %mul3A_89 : i32
    %add3A_91 = arith.constant 384 : i32
    %add3A_92 = arith.addi %mul3A_90, %add3A_91 : i32
    %dma_start3A_93 = arith.constant 0 : i32
    %dma_start3A_94 = tpu.memref_slice %arg4[%add3A_92, %dma_start3A_93] : memref<32768x128xf32, #tpu.memory_space<hbm>> -> memref<128x128xf32, #tpu.memory_space<hbm>>
    %dma_start3A_95 = arith.constant 0 : i32
    %dma_start3A_96 = tpu.memref_slice %arg4[%add3A_92, %dma_start3A_95] : memref<32768x128xf32, #tpu.memory_space<hbm>> -> memref<128x128xf32, #tpu.memory_space<hbm>>
    tpu.enqueue_dma source(%arg7 : memref<128x128xf32, #tpu.memory_space<vmem>>) target(%dma_start3A_96 : memref<128x128xf32, #tpu.memory_space<hbm>>) target_semaphore(%arg11 : memref<!tpu.dma_semaphore, #tpu.memory_space<semaphore_mem>>)
    %dma_wait3A_97 = arith.constant 0 : i32
    %dma_wait3A_98 = tpu.memref_slice %arg4[%add3A_66, %dma_wait3A_97] : memref<32768x128xf32, #tpu.memory_space<hbm>> -> memref<128x128xf32, #tpu.memory_space<hbm>>
    %dma_wait3A_99 = arith.constant 0 : i32
    %dma_wait3A_100 = tpu.memref_slice %arg4[%add3A_66, %dma_wait3A_99] : memref<32768x128xf32, #tpu.memory_space<hbm>> -> memref<128x128xf32, #tpu.memory_space<hbm>>
    tpu.wait_dma2 semaphore(%arg10 : memref<!tpu.dma_semaphore, #tpu.memory_space<semaphore_mem>>) src(%arg6 : memref<128x128xf32, #tpu.memory_space<vmem>>) dst(%dma_wait3A_100 : memref<128x128xf32, #tpu.memory_space<hbm>>)
    %dma_start3A_101 = arith.constant 4 : i32
    %dma_start3A_102 = arith.constant 0 : i32
    %dma_start3A_103 = tpu.memref_slice %arg5[%dma_start3A_101, %dma_start3A_102] : memref<8x128xi32, #tpu.memory_space<vmem>> -> memref<1x128xi32, #tpu.memory_space<vmem>>
    %dma_start3A_104 = tpu.memref_squeeze %dma_start3A_103 : memref<1x128xi32, #tpu.memory_space<vmem>> -> memref<128xi32, #tpu.memory_space<vmem>>
    %dma_start3A_105 = arith.constant 0 : i32
    %dma_start3A_106 = arith.constant 0 : i32
    %dma_start3A_107 = tpu.memref_slice %arg2[%dma_start3A_105, %dma_start3A_106] : memref<802816x128xf32, #tpu.memory_space<hbm>> -> memref<802816x128xf32, #tpu.memory_space<hbm>>
    tpu.enqueue_indirect_dma source(%dma_start3A_107 : memref<802816x128xf32, #tpu.memory_space<hbm>>) target(%arg6 : memref<128x128xf32, #tpu.memory_space<vmem>>) offsets(%dma_start3A_104 : memref<128xi32, #tpu.memory_space<vmem>>) semaphore(%arg8 : memref<!tpu.dma_semaphore, #tpu.memory_space<semaphore_mem>>)
    %dma_wait3A_108 = arith.constant 4 : i32
    %dma_wait3A_109 = arith.constant 0 : i32
    %dma_wait3A_110 = tpu.memref_slice %arg5[%dma_wait3A_108, %dma_wait3A_109] : memref<8x128xi32, #tpu.memory_space<vmem>> -> memref<1x128xi32, #tpu.memory_space<vmem>>
    %dma_wait3A_111 = tpu.memref_squeeze %dma_wait3A_110 : memref<1x128xi32, #tpu.memory_space<vmem>> -> memref<128xi32, #tpu.memory_space<vmem>>
    %dma_wait3A_112 = arith.constant 0 : i32
    %dma_wait3A_113 = arith.constant 0 : i32
    %dma_wait3A_114 = tpu.memref_slice %arg2[%dma_wait3A_112, %dma_wait3A_113] : memref<802816x128xf32, #tpu.memory_space<hbm>> -> memref<802816x128xf32, #tpu.memory_space<hbm>>
    tpu.wait_indirect_dma semaphore(%arg8 : memref<!tpu.dma_semaphore, #tpu.memory_space<semaphore_mem>>) src(%dma_wait3A_114 : memref<802816x128xf32, #tpu.memory_space<hbm>>) dst(%arg6 : memref<128x128xf32, #tpu.memory_space<vmem>>)
    %mul3A_115 = arith.constant 1024 : i32
    %mul3A_116 = arith.muli %add3A, %mul3A_115 : i32
    %add3A_117 = arith.constant 512 : i32
    %add3A_118 = arith.addi %mul3A_116, %add3A_117 : i32
    %dma_start3A_119 = arith.constant 0 : i32
    %dma_start3A_120 = tpu.memref_slice %arg4[%add3A_118, %dma_start3A_119] : memref<32768x128xf32, #tpu.memory_space<hbm>> -> memref<128x128xf32, #tpu.memory_space<hbm>>
    %dma_start3A_121 = arith.constant 0 : i32
    %dma_start3A_122 = tpu.memref_slice %arg4[%add3A_118, %dma_start3A_121] : memref<32768x128xf32, #tpu.memory_space<hbm>> -> memref<128x128xf32, #tpu.memory_space<hbm>>
    tpu.enqueue_dma source(%arg6 : memref<128x128xf32, #tpu.memory_space<vmem>>) target(%dma_start3A_122 : memref<128x128xf32, #tpu.memory_space<hbm>>) target_semaphore(%arg10 : memref<!tpu.dma_semaphore, #tpu.memory_space<semaphore_mem>>)
    %dma_wait3A_123 = arith.constant 0 : i32
    %dma_wait3A_124 = tpu.memref_slice %arg4[%add3A_92, %dma_wait3A_123] : memref<32768x128xf32, #tpu.memory_space<hbm>> -> memref<128x128xf32, #tpu.memory_space<hbm>>
    %dma_wait3A_125 = arith.constant 0 : i32
    %dma_wait3A_126 = tpu.memref_slice %arg4[%add3A_92, %dma_wait3A_125] : memref<32768x128xf32, #tpu.memory_space<hbm>> -> memref<128x128xf32, #tpu.memory_space<hbm>>
    tpu.wait_dma2 semaphore(%arg11 : memref<!tpu.dma_semaphore, #tpu.memory_space<semaphore_mem>>) src(%arg7 : memref<128x128xf32, #tpu.memory_space<vmem>>) dst(%dma_wait3A_126 : memref<128x128xf32, #tpu.memory_space<hbm>>)
    %dma_start3A_127 = arith.constant 5 : i32
    %dma_start3A_128 = arith.constant 0 : i32
    %dma_start3A_129 = tpu.memref_slice %arg5[%dma_start3A_127, %dma_start3A_128] : memref<8x128xi32, #tpu.memory_space<vmem>> -> memref<1x128xi32, #tpu.memory_space<vmem>>
    %dma_start3A_130 = tpu.memref_squeeze %dma_start3A_129 : memref<1x128xi32, #tpu.memory_space<vmem>> -> memref<128xi32, #tpu.memory_space<vmem>>
    %dma_start3A_131 = arith.constant 0 : i32
    %dma_start3A_132 = arith.constant 0 : i32
    %dma_start3A_133 = tpu.memref_slice %arg2[%dma_start3A_131, %dma_start3A_132] : memref<802816x128xf32, #tpu.memory_space<hbm>> -> memref<802816x128xf32, #tpu.memory_space<hbm>>
    tpu.enqueue_indirect_dma source(%dma_start3A_133 : memref<802816x128xf32, #tpu.memory_space<hbm>>) target(%arg7 : memref<128x128xf32, #tpu.memory_space<vmem>>) offsets(%dma_start3A_130 : memref<128xi32, #tpu.memory_space<vmem>>) semaphore(%arg9 : memref<!tpu.dma_semaphore, #tpu.memory_space<semaphore_mem>>)
    %dma_wait3A_134 = arith.constant 5 : i32
    %dma_wait3A_135 = arith.constant 0 : i32
    %dma_wait3A_136 = tpu.memref_slice %arg5[%dma_wait3A_134, %dma_wait3A_135] : memref<8x128xi32, #tpu.memory_space<vmem>> -> memref<1x128xi32, #tpu.memory_space<vmem>>
    %dma_wait3A_137 = tpu.memref_squeeze %dma_wait3A_136 : memref<1x128xi32, #tpu.memory_space<vmem>> -> memref<128xi32, #tpu.memory_space<vmem>>
    %dma_wait3A_138 = arith.constant 0 : i32
    %dma_wait3A_139 = arith.constant 0 : i32
    %dma_wait3A_140 = tpu.memref_slice %arg2[%dma_wait3A_138, %dma_wait3A_139] : memref<802816x128xf32, #tpu.memory_space<hbm>> -> memref<802816x128xf32, #tpu.memory_space<hbm>>
    tpu.wait_indirect_dma semaphore(%arg9 : memref<!tpu.dma_semaphore, #tpu.memory_space<semaphore_mem>>) src(%dma_wait3A_140 : memref<802816x128xf32, #tpu.memory_space<hbm>>) dst(%arg7 : memref<128x128xf32, #tpu.memory_space<vmem>>)
    %mul3A_141 = arith.constant 1024 : i32
    %mul3A_142 = arith.muli %add3A, %mul3A_141 : i32
    %add3A_143 = arith.constant 640 : i32
    %add3A_144 = arith.addi %mul3A_142, %add3A_143 : i32
    %dma_start3A_145 = arith.constant 0 : i32
    %dma_start3A_146 = tpu.memref_slice %arg4[%add3A_144, %dma_start3A_145] : memref<32768x128xf32, #tpu.memory_space<hbm>> -> memref<128x128xf32, #tpu.memory_space<hbm>>
    %dma_start3A_147 = arith.constant 0 : i32
    %dma_start3A_148 = tpu.memref_slice %arg4[%add3A_144, %dma_start3A_147] : memref<32768x128xf32, #tpu.memory_space<hbm>> -> memref<128x128xf32, #tpu.memory_space<hbm>>
    tpu.enqueue_dma source(%arg7 : memref<128x128xf32, #tpu.memory_space<vmem>>) target(%dma_start3A_148 : memref<128x128xf32, #tpu.memory_space<hbm>>) target_semaphore(%arg11 : memref<!tpu.dma_semaphore, #tpu.memory_space<semaphore_mem>>)
    %dma_wait3A_149 = arith.constant 0 : i32
    %dma_wait3A_150 = tpu.memref_slice %arg4[%add3A_118, %dma_wait3A_149] : memref<32768x128xf32, #tpu.memory_space<hbm>> -> memref<128x128xf32, #tpu.memory_space<hbm>>
    %dma_wait3A_151 = arith.constant 0 : i32
    %dma_wait3A_152 = tpu.memref_slice %arg4[%add3A_118, %dma_wait3A_151] : memref<32768x128xf32, #tpu.memory_space<hbm>> -> memref<128x128xf32, #tpu.memory_space<hbm>>
    tpu.wait_dma2 semaphore(%arg10 : memref<!tpu.dma_semaphore, #tpu.memory_space<semaphore_mem>>) src(%arg6 : memref<128x128xf32, #tpu.memory_space<vmem>>) dst(%dma_wait3A_152 : memref<128x128xf32, #tpu.memory_space<hbm>>)
    %dma_start3A_153 = arith.constant 6 : i32
    %dma_start3A_154 = arith.constant 0 : i32
    %dma_start3A_155 = tpu.memref_slice %arg5[%dma_start3A_153, %dma_start3A_154] : memref<8x128xi32, #tpu.memory_space<vmem>> -> memref<1x128xi32, #tpu.memory_space<vmem>>
    %dma_start3A_156 = tpu.memref_squeeze %dma_start3A_155 : memref<1x128xi32, #tpu.memory_space<vmem>> -> memref<128xi32, #tpu.memory_space<vmem>>
    %dma_start3A_157 = arith.constant 0 : i32
    %dma_start3A_158 = arith.constant 0 : i32
    %dma_start3A_159 = tpu.memref_slice %arg2[%dma_start3A_157, %dma_start3A_158] : memref<802816x128xf32, #tpu.memory_space<hbm>> -> memref<802816x128xf32, #tpu.memory_space<hbm>>
    tpu.enqueue_indirect_dma source(%dma_start3A_159 : memref<802816x128xf32, #tpu.memory_space<hbm>>) target(%arg6 : memref<128x128xf32, #tpu.memory_space<vmem>>) offsets(%dma_start3A_156 : memref<128xi32, #tpu.memory_space<vmem>>) semaphore(%arg8 : memref<!tpu.dma_semaphore, #tpu.memory_space<semaphore_mem>>)
    %dma_wait3A_160 = arith.constant 6 : i32
    %dma_wait3A_161 = arith.constant 0 : i32
    %dma_wait3A_162 = tpu.memref_slice %arg5[%dma_wait3A_160, %dma_wait3A_161] : memref<8x128xi32, #tpu.memory_space<vmem>> -> memref<1x128xi32, #tpu.memory_space<vmem>>
    %dma_wait3A_163 = tpu.memref_squeeze %dma_wait3A_162 : memref<1x128xi32, #tpu.memory_space<vmem>> -> memref<128xi32, #tpu.memory_space<vmem>>
    %dma_wait3A_164 = arith.constant 0 : i32
    %dma_wait3A_165 = arith.constant 0 : i32
    %dma_wait3A_166 = tpu.memref_slice %arg2[%dma_wait3A_164, %dma_wait3A_165] : memref<802816x128xf32, #tpu.memory_space<hbm>> -> memref<802816x128xf32, #tpu.memory_space<hbm>>
    tpu.wait_indirect_dma semaphore(%arg8 : memref<!tpu.dma_semaphore, #tpu.memory_space<semaphore_mem>>) src(%dma_wait3A_166 : memref<802816x128xf32, #tpu.memory_space<hbm>>) dst(%arg6 : memref<128x128xf32, #tpu.memory_space<vmem>>)
    %mul3A_167 = arith.constant 1024 : i32
    %mul3A_168 = arith.muli %add3A, %mul3A_167 : i32
    %add3A_169 = arith.constant 768 : i32
    %add3A_170 = arith.addi %mul3A_168, %add3A_169 : i32
    %dma_start3A_171 = arith.constant 0 : i32
    %dma_start3A_172 = tpu.memref_slice %arg4[%add3A_170, %dma_start3A_171] : memref<32768x128xf32, #tpu.memory_space<hbm>> -> memref<128x128xf32, #tpu.memory_space<hbm>>
    %dma_start3A_173 = arith.constant 0 : i32
    %dma_start3A_174 = tpu.memref_slice %arg4[%add3A_170, %dma_start3A_173] : memref<32768x128xf32, #tpu.memory_space<hbm>> -> memref<128x128xf32, #tpu.memory_space<hbm>>
    tpu.enqueue_dma source(%arg6 : memref<128x128xf32, #tpu.memory_space<vmem>>) target(%dma_start3A_174 : memref<128x128xf32, #tpu.memory_space<hbm>>) target_semaphore(%arg10 : memref<!tpu.dma_semaphore, #tpu.memory_space<semaphore_mem>>)
    %dma_wait3A_175 = arith.constant 0 : i32
    %dma_wait3A_176 = tpu.memref_slice %arg4[%add3A_144, %dma_wait3A_175] : memref<32768x128xf32, #tpu.memory_space<hbm>> -> memref<128x128xf32, #tpu.memory_space<hbm>>
    %dma_wait3A_177 = arith.constant 0 : i32
    %dma_wait3A_178 = tpu.memref_slice %arg4[%add3A_144, %dma_wait3A_177] : memref<32768x128xf32, #tpu.memory_space<hbm>> -> memref<128x128xf32, #tpu.memory_space<hbm>>
    tpu.wait_dma2 semaphore(%arg11 : memref<!tpu.dma_semaphore, #tpu.memory_space<semaphore_mem>>) src(%arg7 : memref<128x128xf32, #tpu.memory_space<vmem>>) dst(%dma_wait3A_178 : memref<128x128xf32, #tpu.memory_space<hbm>>)
    %dma_start3A_179 = arith.constant 7 : i32
    %dma_start3A_180 = arith.constant 0 : i32
    %dma_start3A_181 = tpu.memref_slice %arg5[%dma_start3A_179, %dma_start3A_180] : memref<8x128xi32, #tpu.memory_space<vmem>> -> memref<1x128xi32, #tpu.memory_space<vmem>>
    %dma_start3A_182 = tpu.memref_squeeze %dma_start3A_181 : memref<1x128xi32, #tpu.memory_space<vmem>> -> memref<128xi32, #tpu.memory_space<vmem>>
    %dma_start3A_183 = arith.constant 0 : i32
    %dma_start3A_184 = arith.constant 0 : i32
    %dma_start3A_185 = tpu.memref_slice %arg2[%dma_start3A_183, %dma_start3A_184] : memref<802816x128xf32, #tpu.memory_space<hbm>> -> memref<802816x128xf32, #tpu.memory_space<hbm>>
    tpu.enqueue_indirect_dma source(%dma_start3A_185 : memref<802816x128xf32, #tpu.memory_space<hbm>>) target(%arg7 : memref<128x128xf32, #tpu.memory_space<vmem>>) offsets(%dma_start3A_182 : memref<128xi32, #tpu.memory_space<vmem>>) semaphore(%arg9 : memref<!tpu.dma_semaphore, #tpu.memory_space<semaphore_mem>>)
    %dma_wait3A_186 = arith.constant 7 : i32
    %dma_wait3A_187 = arith.constant 0 : i32
    %dma_wait3A_188 = tpu.memref_slice %arg5[%dma_wait3A_186, %dma_wait3A_187] : memref<8x128xi32, #tpu.memory_space<vmem>> -> memref<1x128xi32, #tpu.memory_space<vmem>>
    %dma_wait3A_189 = tpu.memref_squeeze %dma_wait3A_188 : memref<1x128xi32, #tpu.memory_space<vmem>> -> memref<128xi32, #tpu.memory_space<vmem>>
    %dma_wait3A_190 = arith.constant 0 : i32
    %dma_wait3A_191 = arith.constant 0 : i32
    %dma_wait3A_192 = tpu.memref_slice %arg2[%dma_wait3A_190, %dma_wait3A_191] : memref<802816x128xf32, #tpu.memory_space<hbm>> -> memref<802816x128xf32, #tpu.memory_space<hbm>>
    tpu.wait_indirect_dma semaphore(%arg9 : memref<!tpu.dma_semaphore, #tpu.memory_space<semaphore_mem>>) src(%dma_wait3A_192 : memref<802816x128xf32, #tpu.memory_space<hbm>>) dst(%arg7 : memref<128x128xf32, #tpu.memory_space<vmem>>)
    %mul3A_193 = arith.constant 1024 : i32
    %mul3A_194 = arith.muli %add3A, %mul3A_193 : i32
    %add3A_195 = arith.constant 896 : i32
    %add3A_196 = arith.addi %mul3A_194, %add3A_195 : i32
    %dma_start3A_197 = arith.constant 0 : i32
    %dma_start3A_198 = tpu.memref_slice %arg4[%add3A_196, %dma_start3A_197] : memref<32768x128xf32, #tpu.memory_space<hbm>> -> memref<128x128xf32, #tpu.memory_space<hbm>>
    %dma_start3A_199 = arith.constant 0 : i32
    %dma_start3A_200 = tpu.memref_slice %arg4[%add3A_196, %dma_start3A_199] : memref<32768x128xf32, #tpu.memory_space<hbm>> -> memref<128x128xf32, #tpu.memory_space<hbm>>
    tpu.enqueue_dma source(%arg7 : memref<128x128xf32, #tpu.memory_space<vmem>>) target(%dma_start3A_200 : memref<128x128xf32, #tpu.memory_space<hbm>>) target_semaphore(%arg11 : memref<!tpu.dma_semaphore, #tpu.memory_space<semaphore_mem>>)
    %dma_wait3A_201 = arith.constant 0 : i32
    %dma_wait3A_202 = tpu.memref_slice %arg4[%add3A_170, %dma_wait3A_201] : memref<32768x128xf32, #tpu.memory_space<hbm>> -> memref<128x128xf32, #tpu.memory_space<hbm>>
    %dma_wait3A_203 = arith.constant 0 : i32
    %dma_wait3A_204 = tpu.memref_slice %arg4[%add3A_170, %dma_wait3A_203] : memref<32768x128xf32, #tpu.memory_space<hbm>> -> memref<128x128xf32, #tpu.memory_space<hbm>>
    tpu.wait_dma2 semaphore(%arg10 : memref<!tpu.dma_semaphore, #tpu.memory_space<semaphore_mem>>) src(%arg6 : memref<128x128xf32, #tpu.memory_space<vmem>>) dst(%dma_wait3A_204 : memref<128x128xf32, #tpu.memory_space<hbm>>)
    %dma_wait3A_205 = arith.constant 0 : i32
    %dma_wait3A_206 = tpu.memref_slice %arg4[%add3A_196, %dma_wait3A_205] : memref<32768x128xf32, #tpu.memory_space<hbm>> -> memref<128x128xf32, #tpu.memory_space<hbm>>
    %dma_wait3A_207 = arith.constant 0 : i32
    %dma_wait3A_208 = tpu.memref_slice %arg4[%add3A_196, %dma_wait3A_207] : memref<32768x128xf32, #tpu.memory_space<hbm>> -> memref<128x128xf32, #tpu.memory_space<hbm>>
    tpu.wait_dma2 semaphore(%arg11 : memref<!tpu.dma_semaphore, #tpu.memory_space<semaphore_mem>>) src(%arg7 : memref<128x128xf32, #tpu.memory_space<vmem>>) dst(%dma_wait3A_208 : memref<128x128xf32, #tpu.memory_space<hbm>>)
    return
  }
}

#map = affine_map<(d0, d1) -> (0, 0)>
module attributes {stable_mosaic.version = 14 : i64} {
  func.func @k(%arg0: i32, %arg1: i32, %arg2: memref<100000x512xf32, #tpu.memory_space<hbm>>, %arg3: memref<512x64xi32, #tpu.memory_space<hbm>>, %arg4: memref<32768x512xf32, #tpu.memory_space<hbm>>, %arg5: memref<16x64xi32, #tpu.memory_space<vmem>>, %arg6: memref<64x512xf32, #tpu.memory_space<vmem>>, %arg7: memref<64x512xf32, #tpu.memory_space<vmem>>, %arg8: memref<!tpu.dma_semaphore, #tpu.memory_space<semaphore_mem>>, %arg9: memref<!tpu.dma_semaphore, #tpu.memory_space<semaphore_mem>>, %arg10: memref<!tpu.dma_semaphore, #tpu.memory_space<semaphore_mem>>, %arg11: memref<!tpu.dma_semaphore, #tpu.memory_space<semaphore_mem>>) attributes {dimension_semantics = [#tpu.dimension_semantics<core_parallel>, #tpu.dimension_semantics<subcore_parallel>], iteration_bounds = array<i64: 2, 16>, scalar_prefetch = 0 : i64, scratch_operands = 7 : i64, tpu.core_type = #tpu.core_type<sc_vector_subcore>, window_params = [{transform_indices = #map}, {transform_indices = #map}, {transform_indices = #map}]} {
    %mul3A = arith.constant 2 : i32
    %mul3A_0 = arith.muli %arg1, %mul3A : i32
    %add3A = arith.addi %mul3A_0, %arg0 : i32
    %mul3A_1 = arith.constant 16 : i32
    %mul3A_2 = arith.muli %add3A, %mul3A_1 : i32
    "tpu.region"() ({
      %run_scoped3A = tpu.sem_alloc : memref<!tpu.dma_semaphore, #tpu.memory_space<semaphore_mem>>
      %dma_start3A_417 = arith.constant 0 : i32
      %dma_start3A_418 = tpu.memref_slice %arg3[%mul3A_2, %dma_start3A_417] : memref<512x64xi32, #tpu.memory_space<hbm>> -> memref<16x64xi32, #tpu.memory_space<hbm>>
      %dma_start3A_419 = arith.constant 0 : i32
      %dma_start3A_420 = tpu.memref_slice %arg3[%mul3A_2, %dma_start3A_419] : memref<512x64xi32, #tpu.memory_space<hbm>> -> memref<16x64xi32, #tpu.memory_space<hbm>>
      tpu.enqueue_dma source(%dma_start3A_420 : memref<16x64xi32, #tpu.memory_space<hbm>>) target(%arg5 : memref<16x64xi32, #tpu.memory_space<vmem>>) target_semaphore(%run_scoped3A : memref<!tpu.dma_semaphore, #tpu.memory_space<semaphore_mem>>)
      %dma_wait3A_421 = arith.constant 0 : i32
      %dma_wait3A_422 = tpu.memref_slice %arg3[%mul3A_2, %dma_wait3A_421] : memref<512x64xi32, #tpu.memory_space<hbm>> -> memref<16x64xi32, #tpu.memory_space<hbm>>
      %dma_wait3A_423 = arith.constant 0 : i32
      %dma_wait3A_424 = tpu.memref_slice %arg3[%mul3A_2, %dma_wait3A_423] : memref<512x64xi32, #tpu.memory_space<hbm>> -> memref<16x64xi32, #tpu.memory_space<hbm>>
      tpu.wait_dma2 semaphore(%run_scoped3A : memref<!tpu.dma_semaphore, #tpu.memory_space<semaphore_mem>>) src(%dma_wait3A_424 : memref<16x64xi32, #tpu.memory_space<hbm>>) dst(%arg5 : memref<16x64xi32, #tpu.memory_space<vmem>>)
      tpu.yield
    }) : () -> ()
    %dma_start3A = arith.constant 0 : i32
    %dma_start3A_3 = arith.constant 0 : i32
    %dma_start3A_4 = tpu.memref_slice %arg5[%dma_start3A, %dma_start3A_3] : memref<16x64xi32, #tpu.memory_space<vmem>> -> memref<1x64xi32, #tpu.memory_space<vmem>>
    %dma_start3A_5 = tpu.memref_squeeze %dma_start3A_4 : memref<1x64xi32, #tpu.memory_space<vmem>> -> memref<64xi32, #tpu.memory_space<vmem>>
    %dma_start3A_6 = arith.constant 0 : i32
    %dma_start3A_7 = arith.constant 0 : i32
    %dma_start3A_8 = tpu.memref_slice %arg2[%dma_start3A_6, %dma_start3A_7] : memref<100000x512xf32, #tpu.memory_space<hbm>> -> memref<100000x512xf32, #tpu.memory_space<hbm>>
    tpu.enqueue_indirect_dma source(%dma_start3A_8 : memref<100000x512xf32, #tpu.memory_space<hbm>>) target(%arg6 : memref<64x512xf32, #tpu.memory_space<vmem>>) offsets(%dma_start3A_5 : memref<64xi32, #tpu.memory_space<vmem>>) semaphore(%arg8 : memref<!tpu.dma_semaphore, #tpu.memory_space<semaphore_mem>>)
    %dma_wait3A = arith.constant 0 : i32
    %dma_wait3A_9 = arith.constant 0 : i32
    %dma_wait3A_10 = tpu.memref_slice %arg5[%dma_wait3A, %dma_wait3A_9] : memref<16x64xi32, #tpu.memory_space<vmem>> -> memref<1x64xi32, #tpu.memory_space<vmem>>
    %dma_wait3A_11 = tpu.memref_squeeze %dma_wait3A_10 : memref<1x64xi32, #tpu.memory_space<vmem>> -> memref<64xi32, #tpu.memory_space<vmem>>
    %dma_wait3A_12 = arith.constant 0 : i32
    %dma_wait3A_13 = arith.constant 0 : i32
    %dma_wait3A_14 = tpu.memref_slice %arg2[%dma_wait3A_12, %dma_wait3A_13] : memref<100000x512xf32, #tpu.memory_space<hbm>> -> memref<100000x512xf32, #tpu.memory_space<hbm>>
    tpu.wait_indirect_dma semaphore(%arg8 : memref<!tpu.dma_semaphore, #tpu.memory_space<semaphore_mem>>) src(%dma_wait3A_14 : memref<100000x512xf32, #tpu.memory_space<hbm>>) dst(%arg6 : memref<64x512xf32, #tpu.memory_space<vmem>>)
    %mul3A_15 = arith.constant 1024 : i32
    %mul3A_16 = arith.muli %add3A, %mul3A_15 : i32
    %add3A_17 = arith.constant 0 : i32
    %add3A_18 = arith.addi %mul3A_16, %add3A_17 : i32
    %dma_start3A_19 = arith.constant 0 : i32
    %dma_start3A_20 = tpu.memref_slice %arg4[%add3A_18, %dma_start3A_19] : memref<32768x512xf32, #tpu.memory_space<hbm>> -> memref<64x512xf32, #tpu.memory_space<hbm>>
    %dma_start3A_21 = arith.constant 0 : i32
    %dma_start3A_22 = tpu.memref_slice %arg4[%add3A_18, %dma_start3A_21] : memref<32768x512xf32, #tpu.memory_space<hbm>> -> memref<64x512xf32, #tpu.memory_space<hbm>>
    tpu.enqueue_dma source(%arg6 : memref<64x512xf32, #tpu.memory_space<vmem>>) target(%dma_start3A_22 : memref<64x512xf32, #tpu.memory_space<hbm>>) target_semaphore(%arg10 : memref<!tpu.dma_semaphore, #tpu.memory_space<semaphore_mem>>)
    %dma_start3A_23 = arith.constant 1 : i32
    %dma_start3A_24 = arith.constant 0 : i32
    %dma_start3A_25 = tpu.memref_slice %arg5[%dma_start3A_23, %dma_start3A_24] : memref<16x64xi32, #tpu.memory_space<vmem>> -> memref<1x64xi32, #tpu.memory_space<vmem>>
    %dma_start3A_26 = tpu.memref_squeeze %dma_start3A_25 : memref<1x64xi32, #tpu.memory_space<vmem>> -> memref<64xi32, #tpu.memory_space<vmem>>
    %dma_start3A_27 = arith.constant 0 : i32
    %dma_start3A_28 = arith.constant 0 : i32
    %dma_start3A_29 = tpu.memref_slice %arg2[%dma_start3A_27, %dma_start3A_28] : memref<100000x512xf32, #tpu.memory_space<hbm>> -> memref<100000x512xf32, #tpu.memory_space<hbm>>
    tpu.enqueue_indirect_dma source(%dma_start3A_29 : memref<100000x512xf32, #tpu.memory_space<hbm>>) target(%arg7 : memref<64x512xf32, #tpu.memory_space<vmem>>) offsets(%dma_start3A_26 : memref<64xi32, #tpu.memory_space<vmem>>) semaphore(%arg9 : memref<!tpu.dma_semaphore, #tpu.memory_space<semaphore_mem>>)
    %dma_wait3A_30 = arith.constant 1 : i32
    %dma_wait3A_31 = arith.constant 0 : i32
    %dma_wait3A_32 = tpu.memref_slice %arg5[%dma_wait3A_30, %dma_wait3A_31] : memref<16x64xi32, #tpu.memory_space<vmem>> -> memref<1x64xi32, #tpu.memory_space<vmem>>
    %dma_wait3A_33 = tpu.memref_squeeze %dma_wait3A_32 : memref<1x64xi32, #tpu.memory_space<vmem>> -> memref<64xi32, #tpu.memory_space<vmem>>
    %dma_wait3A_34 = arith.constant 0 : i32
    %dma_wait3A_35 = arith.constant 0 : i32
    %dma_wait3A_36 = tpu.memref_slice %arg2[%dma_wait3A_34, %dma_wait3A_35] : memref<100000x512xf32, #tpu.memory_space<hbm>> -> memref<100000x512xf32, #tpu.memory_space<hbm>>
    tpu.wait_indirect_dma semaphore(%arg9 : memref<!tpu.dma_semaphore, #tpu.memory_space<semaphore_mem>>) src(%dma_wait3A_36 : memref<100000x512xf32, #tpu.memory_space<hbm>>) dst(%arg7 : memref<64x512xf32, #tpu.memory_space<vmem>>)
    %mul3A_37 = arith.constant 1024 : i32
    %mul3A_38 = arith.muli %add3A, %mul3A_37 : i32
    %add3A_39 = arith.constant 64 : i32
    %add3A_40 = arith.addi %mul3A_38, %add3A_39 : i32
    %dma_start3A_41 = arith.constant 0 : i32
    %dma_start3A_42 = tpu.memref_slice %arg4[%add3A_40, %dma_start3A_41] : memref<32768x512xf32, #tpu.memory_space<hbm>> -> memref<64x512xf32, #tpu.memory_space<hbm>>
    %dma_start3A_43 = arith.constant 0 : i32
    %dma_start3A_44 = tpu.memref_slice %arg4[%add3A_40, %dma_start3A_43] : memref<32768x512xf32, #tpu.memory_space<hbm>> -> memref<64x512xf32, #tpu.memory_space<hbm>>
    tpu.enqueue_dma source(%arg7 : memref<64x512xf32, #tpu.memory_space<vmem>>) target(%dma_start3A_44 : memref<64x512xf32, #tpu.memory_space<hbm>>) target_semaphore(%arg11 : memref<!tpu.dma_semaphore, #tpu.memory_space<semaphore_mem>>)
    %dma_wait3A_45 = arith.constant 0 : i32
    %dma_wait3A_46 = tpu.memref_slice %arg4[%add3A_18, %dma_wait3A_45] : memref<32768x512xf32, #tpu.memory_space<hbm>> -> memref<64x512xf32, #tpu.memory_space<hbm>>
    %dma_wait3A_47 = arith.constant 0 : i32
    %dma_wait3A_48 = tpu.memref_slice %arg4[%add3A_18, %dma_wait3A_47] : memref<32768x512xf32, #tpu.memory_space<hbm>> -> memref<64x512xf32, #tpu.memory_space<hbm>>
    tpu.wait_dma2 semaphore(%arg10 : memref<!tpu.dma_semaphore, #tpu.memory_space<semaphore_mem>>) src(%arg6 : memref<64x512xf32, #tpu.memory_space<vmem>>) dst(%dma_wait3A_48 : memref<64x512xf32, #tpu.memory_space<hbm>>)
    %dma_start3A_49 = arith.constant 2 : i32
    %dma_start3A_50 = arith.constant 0 : i32
    %dma_start3A_51 = tpu.memref_slice %arg5[%dma_start3A_49, %dma_start3A_50] : memref<16x64xi32, #tpu.memory_space<vmem>> -> memref<1x64xi32, #tpu.memory_space<vmem>>
    %dma_start3A_52 = tpu.memref_squeeze %dma_start3A_51 : memref<1x64xi32, #tpu.memory_space<vmem>> -> memref<64xi32, #tpu.memory_space<vmem>>
    %dma_start3A_53 = arith.constant 0 : i32
    %dma_start3A_54 = arith.constant 0 : i32
    %dma_start3A_55 = tpu.memref_slice %arg2[%dma_start3A_53, %dma_start3A_54] : memref<100000x512xf32, #tpu.memory_space<hbm>> -> memref<100000x512xf32, #tpu.memory_space<hbm>>
    tpu.enqueue_indirect_dma source(%dma_start3A_55 : memref<100000x512xf32, #tpu.memory_space<hbm>>) target(%arg6 : memref<64x512xf32, #tpu.memory_space<vmem>>) offsets(%dma_start3A_52 : memref<64xi32, #tpu.memory_space<vmem>>) semaphore(%arg8 : memref<!tpu.dma_semaphore, #tpu.memory_space<semaphore_mem>>)
    %dma_wait3A_56 = arith.constant 2 : i32
    %dma_wait3A_57 = arith.constant 0 : i32
    %dma_wait3A_58 = tpu.memref_slice %arg5[%dma_wait3A_56, %dma_wait3A_57] : memref<16x64xi32, #tpu.memory_space<vmem>> -> memref<1x64xi32, #tpu.memory_space<vmem>>
    %dma_wait3A_59 = tpu.memref_squeeze %dma_wait3A_58 : memref<1x64xi32, #tpu.memory_space<vmem>> -> memref<64xi32, #tpu.memory_space<vmem>>
    %dma_wait3A_60 = arith.constant 0 : i32
    %dma_wait3A_61 = arith.constant 0 : i32
    %dma_wait3A_62 = tpu.memref_slice %arg2[%dma_wait3A_60, %dma_wait3A_61] : memref<100000x512xf32, #tpu.memory_space<hbm>> -> memref<100000x512xf32, #tpu.memory_space<hbm>>
    tpu.wait_indirect_dma semaphore(%arg8 : memref<!tpu.dma_semaphore, #tpu.memory_space<semaphore_mem>>) src(%dma_wait3A_62 : memref<100000x512xf32, #tpu.memory_space<hbm>>) dst(%arg6 : memref<64x512xf32, #tpu.memory_space<vmem>>)
    %mul3A_63 = arith.constant 1024 : i32
    %mul3A_64 = arith.muli %add3A, %mul3A_63 : i32
    %add3A_65 = arith.constant 128 : i32
    %add3A_66 = arith.addi %mul3A_64, %add3A_65 : i32
    %dma_start3A_67 = arith.constant 0 : i32
    %dma_start3A_68 = tpu.memref_slice %arg4[%add3A_66, %dma_start3A_67] : memref<32768x512xf32, #tpu.memory_space<hbm>> -> memref<64x512xf32, #tpu.memory_space<hbm>>
    %dma_start3A_69 = arith.constant 0 : i32
    %dma_start3A_70 = tpu.memref_slice %arg4[%add3A_66, %dma_start3A_69] : memref<32768x512xf32, #tpu.memory_space<hbm>> -> memref<64x512xf32, #tpu.memory_space<hbm>>
    tpu.enqueue_dma source(%arg6 : memref<64x512xf32, #tpu.memory_space<vmem>>) target(%dma_start3A_70 : memref<64x512xf32, #tpu.memory_space<hbm>>) target_semaphore(%arg10 : memref<!tpu.dma_semaphore, #tpu.memory_space<semaphore_mem>>)
    %dma_wait3A_71 = arith.constant 0 : i32
    %dma_wait3A_72 = tpu.memref_slice %arg4[%add3A_40, %dma_wait3A_71] : memref<32768x512xf32, #tpu.memory_space<hbm>> -> memref<64x512xf32, #tpu.memory_space<hbm>>
    %dma_wait3A_73 = arith.constant 0 : i32
    %dma_wait3A_74 = tpu.memref_slice %arg4[%add3A_40, %dma_wait3A_73] : memref<32768x512xf32, #tpu.memory_space<hbm>> -> memref<64x512xf32, #tpu.memory_space<hbm>>
    tpu.wait_dma2 semaphore(%arg11 : memref<!tpu.dma_semaphore, #tpu.memory_space<semaphore_mem>>) src(%arg7 : memref<64x512xf32, #tpu.memory_space<vmem>>) dst(%dma_wait3A_74 : memref<64x512xf32, #tpu.memory_space<hbm>>)
    %dma_start3A_75 = arith.constant 3 : i32
    %dma_start3A_76 = arith.constant 0 : i32
    %dma_start3A_77 = tpu.memref_slice %arg5[%dma_start3A_75, %dma_start3A_76] : memref<16x64xi32, #tpu.memory_space<vmem>> -> memref<1x64xi32, #tpu.memory_space<vmem>>
    %dma_start3A_78 = tpu.memref_squeeze %dma_start3A_77 : memref<1x64xi32, #tpu.memory_space<vmem>> -> memref<64xi32, #tpu.memory_space<vmem>>
    %dma_start3A_79 = arith.constant 0 : i32
    %dma_start3A_80 = arith.constant 0 : i32
    %dma_start3A_81 = tpu.memref_slice %arg2[%dma_start3A_79, %dma_start3A_80] : memref<100000x512xf32, #tpu.memory_space<hbm>> -> memref<100000x512xf32, #tpu.memory_space<hbm>>
    tpu.enqueue_indirect_dma source(%dma_start3A_81 : memref<100000x512xf32, #tpu.memory_space<hbm>>) target(%arg7 : memref<64x512xf32, #tpu.memory_space<vmem>>) offsets(%dma_start3A_78 : memref<64xi32, #tpu.memory_space<vmem>>) semaphore(%arg9 : memref<!tpu.dma_semaphore, #tpu.memory_space<semaphore_mem>>)
    %dma_wait3A_82 = arith.constant 3 : i32
    %dma_wait3A_83 = arith.constant 0 : i32
    %dma_wait3A_84 = tpu.memref_slice %arg5[%dma_wait3A_82, %dma_wait3A_83] : memref<16x64xi32, #tpu.memory_space<vmem>> -> memref<1x64xi32, #tpu.memory_space<vmem>>
    %dma_wait3A_85 = tpu.memref_squeeze %dma_wait3A_84 : memref<1x64xi32, #tpu.memory_space<vmem>> -> memref<64xi32, #tpu.memory_space<vmem>>
    %dma_wait3A_86 = arith.constant 0 : i32
    %dma_wait3A_87 = arith.constant 0 : i32
    %dma_wait3A_88 = tpu.memref_slice %arg2[%dma_wait3A_86, %dma_wait3A_87] : memref<100000x512xf32, #tpu.memory_space<hbm>> -> memref<100000x512xf32, #tpu.memory_space<hbm>>
    tpu.wait_indirect_dma semaphore(%arg9 : memref<!tpu.dma_semaphore, #tpu.memory_space<semaphore_mem>>) src(%dma_wait3A_88 : memref<100000x512xf32, #tpu.memory_space<hbm>>) dst(%arg7 : memref<64x512xf32, #tpu.memory_space<vmem>>)
    %mul3A_89 = arith.constant 1024 : i32
    %mul3A_90 = arith.muli %add3A, %mul3A_89 : i32
    %add3A_91 = arith.constant 192 : i32
    %add3A_92 = arith.addi %mul3A_90, %add3A_91 : i32
    %dma_start3A_93 = arith.constant 0 : i32
    %dma_start3A_94 = tpu.memref_slice %arg4[%add3A_92, %dma_start3A_93] : memref<32768x512xf32, #tpu.memory_space<hbm>> -> memref<64x512xf32, #tpu.memory_space<hbm>>
    %dma_start3A_95 = arith.constant 0 : i32
    %dma_start3A_96 = tpu.memref_slice %arg4[%add3A_92, %dma_start3A_95] : memref<32768x512xf32, #tpu.memory_space<hbm>> -> memref<64x512xf32, #tpu.memory_space<hbm>>
    tpu.enqueue_dma source(%arg7 : memref<64x512xf32, #tpu.memory_space<vmem>>) target(%dma_start3A_96 : memref<64x512xf32, #tpu.memory_space<hbm>>) target_semaphore(%arg11 : memref<!tpu.dma_semaphore, #tpu.memory_space<semaphore_mem>>)
    %dma_wait3A_97 = arith.constant 0 : i32
    %dma_wait3A_98 = tpu.memref_slice %arg4[%add3A_66, %dma_wait3A_97] : memref<32768x512xf32, #tpu.memory_space<hbm>> -> memref<64x512xf32, #tpu.memory_space<hbm>>
    %dma_wait3A_99 = arith.constant 0 : i32
    %dma_wait3A_100 = tpu.memref_slice %arg4[%add3A_66, %dma_wait3A_99] : memref<32768x512xf32, #tpu.memory_space<hbm>> -> memref<64x512xf32, #tpu.memory_space<hbm>>
    tpu.wait_dma2 semaphore(%arg10 : memref<!tpu.dma_semaphore, #tpu.memory_space<semaphore_mem>>) src(%arg6 : memref<64x512xf32, #tpu.memory_space<vmem>>) dst(%dma_wait3A_100 : memref<64x512xf32, #tpu.memory_space<hbm>>)
    %dma_start3A_101 = arith.constant 4 : i32
    %dma_start3A_102 = arith.constant 0 : i32
    %dma_start3A_103 = tpu.memref_slice %arg5[%dma_start3A_101, %dma_start3A_102] : memref<16x64xi32, #tpu.memory_space<vmem>> -> memref<1x64xi32, #tpu.memory_space<vmem>>
    %dma_start3A_104 = tpu.memref_squeeze %dma_start3A_103 : memref<1x64xi32, #tpu.memory_space<vmem>> -> memref<64xi32, #tpu.memory_space<vmem>>
    %dma_start3A_105 = arith.constant 0 : i32
    %dma_start3A_106 = arith.constant 0 : i32
    %dma_start3A_107 = tpu.memref_slice %arg2[%dma_start3A_105, %dma_start3A_106] : memref<100000x512xf32, #tpu.memory_space<hbm>> -> memref<100000x512xf32, #tpu.memory_space<hbm>>
    tpu.enqueue_indirect_dma source(%dma_start3A_107 : memref<100000x512xf32, #tpu.memory_space<hbm>>) target(%arg6 : memref<64x512xf32, #tpu.memory_space<vmem>>) offsets(%dma_start3A_104 : memref<64xi32, #tpu.memory_space<vmem>>) semaphore(%arg8 : memref<!tpu.dma_semaphore, #tpu.memory_space<semaphore_mem>>)
    %dma_wait3A_108 = arith.constant 4 : i32
    %dma_wait3A_109 = arith.constant 0 : i32
    %dma_wait3A_110 = tpu.memref_slice %arg5[%dma_wait3A_108, %dma_wait3A_109] : memref<16x64xi32, #tpu.memory_space<vmem>> -> memref<1x64xi32, #tpu.memory_space<vmem>>
    %dma_wait3A_111 = tpu.memref_squeeze %dma_wait3A_110 : memref<1x64xi32, #tpu.memory_space<vmem>> -> memref<64xi32, #tpu.memory_space<vmem>>
    %dma_wait3A_112 = arith.constant 0 : i32
    %dma_wait3A_113 = arith.constant 0 : i32
    %dma_wait3A_114 = tpu.memref_slice %arg2[%dma_wait3A_112, %dma_wait3A_113] : memref<100000x512xf32, #tpu.memory_space<hbm>> -> memref<100000x512xf32, #tpu.memory_space<hbm>>
    tpu.wait_indirect_dma semaphore(%arg8 : memref<!tpu.dma_semaphore, #tpu.memory_space<semaphore_mem>>) src(%dma_wait3A_114 : memref<100000x512xf32, #tpu.memory_space<hbm>>) dst(%arg6 : memref<64x512xf32, #tpu.memory_space<vmem>>)
    %mul3A_115 = arith.constant 1024 : i32
    %mul3A_116 = arith.muli %add3A, %mul3A_115 : i32
    %add3A_117 = arith.constant 256 : i32
    %add3A_118 = arith.addi %mul3A_116, %add3A_117 : i32
    %dma_start3A_119 = arith.constant 0 : i32
    %dma_start3A_120 = tpu.memref_slice %arg4[%add3A_118, %dma_start3A_119] : memref<32768x512xf32, #tpu.memory_space<hbm>> -> memref<64x512xf32, #tpu.memory_space<hbm>>
    %dma_start3A_121 = arith.constant 0 : i32
    %dma_start3A_122 = tpu.memref_slice %arg4[%add3A_118, %dma_start3A_121] : memref<32768x512xf32, #tpu.memory_space<hbm>> -> memref<64x512xf32, #tpu.memory_space<hbm>>
    tpu.enqueue_dma source(%arg6 : memref<64x512xf32, #tpu.memory_space<vmem>>) target(%dma_start3A_122 : memref<64x512xf32, #tpu.memory_space<hbm>>) target_semaphore(%arg10 : memref<!tpu.dma_semaphore, #tpu.memory_space<semaphore_mem>>)
    %dma_wait3A_123 = arith.constant 0 : i32
    %dma_wait3A_124 = tpu.memref_slice %arg4[%add3A_92, %dma_wait3A_123] : memref<32768x512xf32, #tpu.memory_space<hbm>> -> memref<64x512xf32, #tpu.memory_space<hbm>>
    %dma_wait3A_125 = arith.constant 0 : i32
    %dma_wait3A_126 = tpu.memref_slice %arg4[%add3A_92, %dma_wait3A_125] : memref<32768x512xf32, #tpu.memory_space<hbm>> -> memref<64x512xf32, #tpu.memory_space<hbm>>
    tpu.wait_dma2 semaphore(%arg11 : memref<!tpu.dma_semaphore, #tpu.memory_space<semaphore_mem>>) src(%arg7 : memref<64x512xf32, #tpu.memory_space<vmem>>) dst(%dma_wait3A_126 : memref<64x512xf32, #tpu.memory_space<hbm>>)
    %dma_start3A_127 = arith.constant 5 : i32
    %dma_start3A_128 = arith.constant 0 : i32
    %dma_start3A_129 = tpu.memref_slice %arg5[%dma_start3A_127, %dma_start3A_128] : memref<16x64xi32, #tpu.memory_space<vmem>> -> memref<1x64xi32, #tpu.memory_space<vmem>>
    %dma_start3A_130 = tpu.memref_squeeze %dma_start3A_129 : memref<1x64xi32, #tpu.memory_space<vmem>> -> memref<64xi32, #tpu.memory_space<vmem>>
    %dma_start3A_131 = arith.constant 0 : i32
    %dma_start3A_132 = arith.constant 0 : i32
    %dma_start3A_133 = tpu.memref_slice %arg2[%dma_start3A_131, %dma_start3A_132] : memref<100000x512xf32, #tpu.memory_space<hbm>> -> memref<100000x512xf32, #tpu.memory_space<hbm>>
    tpu.enqueue_indirect_dma source(%dma_start3A_133 : memref<100000x512xf32, #tpu.memory_space<hbm>>) target(%arg7 : memref<64x512xf32, #tpu.memory_space<vmem>>) offsets(%dma_start3A_130 : memref<64xi32, #tpu.memory_space<vmem>>) semaphore(%arg9 : memref<!tpu.dma_semaphore, #tpu.memory_space<semaphore_mem>>)
    %dma_wait3A_134 = arith.constant 5 : i32
    %dma_wait3A_135 = arith.constant 0 : i32
    %dma_wait3A_136 = tpu.memref_slice %arg5[%dma_wait3A_134, %dma_wait3A_135] : memref<16x64xi32, #tpu.memory_space<vmem>> -> memref<1x64xi32, #tpu.memory_space<vmem>>
    %dma_wait3A_137 = tpu.memref_squeeze %dma_wait3A_136 : memref<1x64xi32, #tpu.memory_space<vmem>> -> memref<64xi32, #tpu.memory_space<vmem>>
    %dma_wait3A_138 = arith.constant 0 : i32
    %dma_wait3A_139 = arith.constant 0 : i32
    %dma_wait3A_140 = tpu.memref_slice %arg2[%dma_wait3A_138, %dma_wait3A_139] : memref<100000x512xf32, #tpu.memory_space<hbm>> -> memref<100000x512xf32, #tpu.memory_space<hbm>>
    tpu.wait_indirect_dma semaphore(%arg9 : memref<!tpu.dma_semaphore, #tpu.memory_space<semaphore_mem>>) src(%dma_wait3A_140 : memref<100000x512xf32, #tpu.memory_space<hbm>>) dst(%arg7 : memref<64x512xf32, #tpu.memory_space<vmem>>)
    %mul3A_141 = arith.constant 1024 : i32
    %mul3A_142 = arith.muli %add3A, %mul3A_141 : i32
    %add3A_143 = arith.constant 320 : i32
    %add3A_144 = arith.addi %mul3A_142, %add3A_143 : i32
    %dma_start3A_145 = arith.constant 0 : i32
    %dma_start3A_146 = tpu.memref_slice %arg4[%add3A_144, %dma_start3A_145] : memref<32768x512xf32, #tpu.memory_space<hbm>> -> memref<64x512xf32, #tpu.memory_space<hbm>>
    %dma_start3A_147 = arith.constant 0 : i32
    %dma_start3A_148 = tpu.memref_slice %arg4[%add3A_144, %dma_start3A_147] : memref<32768x512xf32, #tpu.memory_space<hbm>> -> memref<64x512xf32, #tpu.memory_space<hbm>>
    tpu.enqueue_dma source(%arg7 : memref<64x512xf32, #tpu.memory_space<vmem>>) target(%dma_start3A_148 : memref<64x512xf32, #tpu.memory_space<hbm>>) target_semaphore(%arg11 : memref<!tpu.dma_semaphore, #tpu.memory_space<semaphore_mem>>)
    %dma_wait3A_149 = arith.constant 0 : i32
    %dma_wait3A_150 = tpu.memref_slice %arg4[%add3A_118, %dma_wait3A_149] : memref<32768x512xf32, #tpu.memory_space<hbm>> -> memref<64x512xf32, #tpu.memory_space<hbm>>
    %dma_wait3A_151 = arith.constant 0 : i32
    %dma_wait3A_152 = tpu.memref_slice %arg4[%add3A_118, %dma_wait3A_151] : memref<32768x512xf32, #tpu.memory_space<hbm>> -> memref<64x512xf32, #tpu.memory_space<hbm>>
    tpu.wait_dma2 semaphore(%arg10 : memref<!tpu.dma_semaphore, #tpu.memory_space<semaphore_mem>>) src(%arg6 : memref<64x512xf32, #tpu.memory_space<vmem>>) dst(%dma_wait3A_152 : memref<64x512xf32, #tpu.memory_space<hbm>>)
    %dma_start3A_153 = arith.constant 6 : i32
    %dma_start3A_154 = arith.constant 0 : i32
    %dma_start3A_155 = tpu.memref_slice %arg5[%dma_start3A_153, %dma_start3A_154] : memref<16x64xi32, #tpu.memory_space<vmem>> -> memref<1x64xi32, #tpu.memory_space<vmem>>
    %dma_start3A_156 = tpu.memref_squeeze %dma_start3A_155 : memref<1x64xi32, #tpu.memory_space<vmem>> -> memref<64xi32, #tpu.memory_space<vmem>>
    %dma_start3A_157 = arith.constant 0 : i32
    %dma_start3A_158 = arith.constant 0 : i32
    %dma_start3A_159 = tpu.memref_slice %arg2[%dma_start3A_157, %dma_start3A_158] : memref<100000x512xf32, #tpu.memory_space<hbm>> -> memref<100000x512xf32, #tpu.memory_space<hbm>>
    tpu.enqueue_indirect_dma source(%dma_start3A_159 : memref<100000x512xf32, #tpu.memory_space<hbm>>) target(%arg6 : memref<64x512xf32, #tpu.memory_space<vmem>>) offsets(%dma_start3A_156 : memref<64xi32, #tpu.memory_space<vmem>>) semaphore(%arg8 : memref<!tpu.dma_semaphore, #tpu.memory_space<semaphore_mem>>)
    %dma_wait3A_160 = arith.constant 6 : i32
    %dma_wait3A_161 = arith.constant 0 : i32
    %dma_wait3A_162 = tpu.memref_slice %arg5[%dma_wait3A_160, %dma_wait3A_161] : memref<16x64xi32, #tpu.memory_space<vmem>> -> memref<1x64xi32, #tpu.memory_space<vmem>>
    %dma_wait3A_163 = tpu.memref_squeeze %dma_wait3A_162 : memref<1x64xi32, #tpu.memory_space<vmem>> -> memref<64xi32, #tpu.memory_space<vmem>>
    %dma_wait3A_164 = arith.constant 0 : i32
    %dma_wait3A_165 = arith.constant 0 : i32
    %dma_wait3A_166 = tpu.memref_slice %arg2[%dma_wait3A_164, %dma_wait3A_165] : memref<100000x512xf32, #tpu.memory_space<hbm>> -> memref<100000x512xf32, #tpu.memory_space<hbm>>
    tpu.wait_indirect_dma semaphore(%arg8 : memref<!tpu.dma_semaphore, #tpu.memory_space<semaphore_mem>>) src(%dma_wait3A_166 : memref<100000x512xf32, #tpu.memory_space<hbm>>) dst(%arg6 : memref<64x512xf32, #tpu.memory_space<vmem>>)
    %mul3A_167 = arith.constant 1024 : i32
    %mul3A_168 = arith.muli %add3A, %mul3A_167 : i32
    %add3A_169 = arith.constant 384 : i32
    %add3A_170 = arith.addi %mul3A_168, %add3A_169 : i32
    %dma_start3A_171 = arith.constant 0 : i32
    %dma_start3A_172 = tpu.memref_slice %arg4[%add3A_170, %dma_start3A_171] : memref<32768x512xf32, #tpu.memory_space<hbm>> -> memref<64x512xf32, #tpu.memory_space<hbm>>
    %dma_start3A_173 = arith.constant 0 : i32
    %dma_start3A_174 = tpu.memref_slice %arg4[%add3A_170, %dma_start3A_173] : memref<32768x512xf32, #tpu.memory_space<hbm>> -> memref<64x512xf32, #tpu.memory_space<hbm>>
    tpu.enqueue_dma source(%arg6 : memref<64x512xf32, #tpu.memory_space<vmem>>) target(%dma_start3A_174 : memref<64x512xf32, #tpu.memory_space<hbm>>) target_semaphore(%arg10 : memref<!tpu.dma_semaphore, #tpu.memory_space<semaphore_mem>>)
    %dma_wait3A_175 = arith.constant 0 : i32
    %dma_wait3A_176 = tpu.memref_slice %arg4[%add3A_144, %dma_wait3A_175] : memref<32768x512xf32, #tpu.memory_space<hbm>> -> memref<64x512xf32, #tpu.memory_space<hbm>>
    %dma_wait3A_177 = arith.constant 0 : i32
    %dma_wait3A_178 = tpu.memref_slice %arg4[%add3A_144, %dma_wait3A_177] : memref<32768x512xf32, #tpu.memory_space<hbm>> -> memref<64x512xf32, #tpu.memory_space<hbm>>
    tpu.wait_dma2 semaphore(%arg11 : memref<!tpu.dma_semaphore, #tpu.memory_space<semaphore_mem>>) src(%arg7 : memref<64x512xf32, #tpu.memory_space<vmem>>) dst(%dma_wait3A_178 : memref<64x512xf32, #tpu.memory_space<hbm>>)
    %dma_start3A_179 = arith.constant 7 : i32
    %dma_start3A_180 = arith.constant 0 : i32
    %dma_start3A_181 = tpu.memref_slice %arg5[%dma_start3A_179, %dma_start3A_180] : memref<16x64xi32, #tpu.memory_space<vmem>> -> memref<1x64xi32, #tpu.memory_space<vmem>>
    %dma_start3A_182 = tpu.memref_squeeze %dma_start3A_181 : memref<1x64xi32, #tpu.memory_space<vmem>> -> memref<64xi32, #tpu.memory_space<vmem>>
    %dma_start3A_183 = arith.constant 0 : i32
    %dma_start3A_184 = arith.constant 0 : i32
    %dma_start3A_185 = tpu.memref_slice %arg2[%dma_start3A_183, %dma_start3A_184] : memref<100000x512xf32, #tpu.memory_space<hbm>> -> memref<100000x512xf32, #tpu.memory_space<hbm>>
    tpu.enqueue_indirect_dma source(%dma_start3A_185 : memref<100000x512xf32, #tpu.memory_space<hbm>>) target(%arg7 : memref<64x512xf32, #tpu.memory_space<vmem>>) offsets(%dma_start3A_182 : memref<64xi32, #tpu.memory_space<vmem>>) semaphore(%arg9 : memref<!tpu.dma_semaphore, #tpu.memory_space<semaphore_mem>>)
    %dma_wait3A_186 = arith.constant 7 : i32
    %dma_wait3A_187 = arith.constant 0 : i32
    %dma_wait3A_188 = tpu.memref_slice %arg5[%dma_wait3A_186, %dma_wait3A_187] : memref<16x64xi32, #tpu.memory_space<vmem>> -> memref<1x64xi32, #tpu.memory_space<vmem>>
    %dma_wait3A_189 = tpu.memref_squeeze %dma_wait3A_188 : memref<1x64xi32, #tpu.memory_space<vmem>> -> memref<64xi32, #tpu.memory_space<vmem>>
    %dma_wait3A_190 = arith.constant 0 : i32
    %dma_wait3A_191 = arith.constant 0 : i32
    %dma_wait3A_192 = tpu.memref_slice %arg2[%dma_wait3A_190, %dma_wait3A_191] : memref<100000x512xf32, #tpu.memory_space<hbm>> -> memref<100000x512xf32, #tpu.memory_space<hbm>>
    tpu.wait_indirect_dma semaphore(%arg9 : memref<!tpu.dma_semaphore, #tpu.memory_space<semaphore_mem>>) src(%dma_wait3A_192 : memref<100000x512xf32, #tpu.memory_space<hbm>>) dst(%arg7 : memref<64x512xf32, #tpu.memory_space<vmem>>)
    %mul3A_193 = arith.constant 1024 : i32
    %mul3A_194 = arith.muli %add3A, %mul3A_193 : i32
    %add3A_195 = arith.constant 448 : i32
    %add3A_196 = arith.addi %mul3A_194, %add3A_195 : i32
    %dma_start3A_197 = arith.constant 0 : i32
    %dma_start3A_198 = tpu.memref_slice %arg4[%add3A_196, %dma_start3A_197] : memref<32768x512xf32, #tpu.memory_space<hbm>> -> memref<64x512xf32, #tpu.memory_space<hbm>>
    %dma_start3A_199 = arith.constant 0 : i32
    %dma_start3A_200 = tpu.memref_slice %arg4[%add3A_196, %dma_start3A_199] : memref<32768x512xf32, #tpu.memory_space<hbm>> -> memref<64x512xf32, #tpu.memory_space<hbm>>
    tpu.enqueue_dma source(%arg7 : memref<64x512xf32, #tpu.memory_space<vmem>>) target(%dma_start3A_200 : memref<64x512xf32, #tpu.memory_space<hbm>>) target_semaphore(%arg11 : memref<!tpu.dma_semaphore, #tpu.memory_space<semaphore_mem>>)
    %dma_wait3A_201 = arith.constant 0 : i32
    %dma_wait3A_202 = tpu.memref_slice %arg4[%add3A_170, %dma_wait3A_201] : memref<32768x512xf32, #tpu.memory_space<hbm>> -> memref<64x512xf32, #tpu.memory_space<hbm>>
    %dma_wait3A_203 = arith.constant 0 : i32
    %dma_wait3A_204 = tpu.memref_slice %arg4[%add3A_170, %dma_wait3A_203] : memref<32768x512xf32, #tpu.memory_space<hbm>> -> memref<64x512xf32, #tpu.memory_space<hbm>>
    tpu.wait_dma2 semaphore(%arg10 : memref<!tpu.dma_semaphore, #tpu.memory_space<semaphore_mem>>) src(%arg6 : memref<64x512xf32, #tpu.memory_space<vmem>>) dst(%dma_wait3A_204 : memref<64x512xf32, #tpu.memory_space<hbm>>)
    %dma_start3A_205 = arith.constant 8 : i32
    %dma_start3A_206 = arith.constant 0 : i32
    %dma_start3A_207 = tpu.memref_slice %arg5[%dma_start3A_205, %dma_start3A_206] : memref<16x64xi32, #tpu.memory_space<vmem>> -> memref<1x64xi32, #tpu.memory_space<vmem>>
    %dma_start3A_208 = tpu.memref_squeeze %dma_start3A_207 : memref<1x64xi32, #tpu.memory_space<vmem>> -> memref<64xi32, #tpu.memory_space<vmem>>
    %dma_start3A_209 = arith.constant 0 : i32
    %dma_start3A_210 = arith.constant 0 : i32
    %dma_start3A_211 = tpu.memref_slice %arg2[%dma_start3A_209, %dma_start3A_210] : memref<100000x512xf32, #tpu.memory_space<hbm>> -> memref<100000x512xf32, #tpu.memory_space<hbm>>
    tpu.enqueue_indirect_dma source(%dma_start3A_211 : memref<100000x512xf32, #tpu.memory_space<hbm>>) target(%arg6 : memref<64x512xf32, #tpu.memory_space<vmem>>) offsets(%dma_start3A_208 : memref<64xi32, #tpu.memory_space<vmem>>) semaphore(%arg8 : memref<!tpu.dma_semaphore, #tpu.memory_space<semaphore_mem>>)
    %dma_wait3A_212 = arith.constant 8 : i32
    %dma_wait3A_213 = arith.constant 0 : i32
    %dma_wait3A_214 = tpu.memref_slice %arg5[%dma_wait3A_212, %dma_wait3A_213] : memref<16x64xi32, #tpu.memory_space<vmem>> -> memref<1x64xi32, #tpu.memory_space<vmem>>
    %dma_wait3A_215 = tpu.memref_squeeze %dma_wait3A_214 : memref<1x64xi32, #tpu.memory_space<vmem>> -> memref<64xi32, #tpu.memory_space<vmem>>
    %dma_wait3A_216 = arith.constant 0 : i32
    %dma_wait3A_217 = arith.constant 0 : i32
    %dma_wait3A_218 = tpu.memref_slice %arg2[%dma_wait3A_216, %dma_wait3A_217] : memref<100000x512xf32, #tpu.memory_space<hbm>> -> memref<100000x512xf32, #tpu.memory_space<hbm>>
    tpu.wait_indirect_dma semaphore(%arg8 : memref<!tpu.dma_semaphore, #tpu.memory_space<semaphore_mem>>) src(%dma_wait3A_218 : memref<100000x512xf32, #tpu.memory_space<hbm>>) dst(%arg6 : memref<64x512xf32, #tpu.memory_space<vmem>>)
    %mul3A_219 = arith.constant 1024 : i32
    %mul3A_220 = arith.muli %add3A, %mul3A_219 : i32
    %add3A_221 = arith.constant 512 : i32
    %add3A_222 = arith.addi %mul3A_220, %add3A_221 : i32
    %dma_start3A_223 = arith.constant 0 : i32
    %dma_start3A_224 = tpu.memref_slice %arg4[%add3A_222, %dma_start3A_223] : memref<32768x512xf32, #tpu.memory_space<hbm>> -> memref<64x512xf32, #tpu.memory_space<hbm>>
    %dma_start3A_225 = arith.constant 0 : i32
    %dma_start3A_226 = tpu.memref_slice %arg4[%add3A_222, %dma_start3A_225] : memref<32768x512xf32, #tpu.memory_space<hbm>> -> memref<64x512xf32, #tpu.memory_space<hbm>>
    tpu.enqueue_dma source(%arg6 : memref<64x512xf32, #tpu.memory_space<vmem>>) target(%dma_start3A_226 : memref<64x512xf32, #tpu.memory_space<hbm>>) target_semaphore(%arg10 : memref<!tpu.dma_semaphore, #tpu.memory_space<semaphore_mem>>)
    %dma_wait3A_227 = arith.constant 0 : i32
    %dma_wait3A_228 = tpu.memref_slice %arg4[%add3A_196, %dma_wait3A_227] : memref<32768x512xf32, #tpu.memory_space<hbm>> -> memref<64x512xf32, #tpu.memory_space<hbm>>
    %dma_wait3A_229 = arith.constant 0 : i32
    %dma_wait3A_230 = tpu.memref_slice %arg4[%add3A_196, %dma_wait3A_229] : memref<32768x512xf32, #tpu.memory_space<hbm>> -> memref<64x512xf32, #tpu.memory_space<hbm>>
    tpu.wait_dma2 semaphore(%arg11 : memref<!tpu.dma_semaphore, #tpu.memory_space<semaphore_mem>>) src(%arg7 : memref<64x512xf32, #tpu.memory_space<vmem>>) dst(%dma_wait3A_230 : memref<64x512xf32, #tpu.memory_space<hbm>>)
    %dma_start3A_231 = arith.constant 9 : i32
    %dma_start3A_232 = arith.constant 0 : i32
    %dma_start3A_233 = tpu.memref_slice %arg5[%dma_start3A_231, %dma_start3A_232] : memref<16x64xi32, #tpu.memory_space<vmem>> -> memref<1x64xi32, #tpu.memory_space<vmem>>
    %dma_start3A_234 = tpu.memref_squeeze %dma_start3A_233 : memref<1x64xi32, #tpu.memory_space<vmem>> -> memref<64xi32, #tpu.memory_space<vmem>>
    %dma_start3A_235 = arith.constant 0 : i32
    %dma_start3A_236 = arith.constant 0 : i32
    %dma_start3A_237 = tpu.memref_slice %arg2[%dma_start3A_235, %dma_start3A_236] : memref<100000x512xf32, #tpu.memory_space<hbm>> -> memref<100000x512xf32, #tpu.memory_space<hbm>>
    tpu.enqueue_indirect_dma source(%dma_start3A_237 : memref<100000x512xf32, #tpu.memory_space<hbm>>) target(%arg7 : memref<64x512xf32, #tpu.memory_space<vmem>>) offsets(%dma_start3A_234 : memref<64xi32, #tpu.memory_space<vmem>>) semaphore(%arg9 : memref<!tpu.dma_semaphore, #tpu.memory_space<semaphore_mem>>)
    %dma_wait3A_238 = arith.constant 9 : i32
    %dma_wait3A_239 = arith.constant 0 : i32
    %dma_wait3A_240 = tpu.memref_slice %arg5[%dma_wait3A_238, %dma_wait3A_239] : memref<16x64xi32, #tpu.memory_space<vmem>> -> memref<1x64xi32, #tpu.memory_space<vmem>>
    %dma_wait3A_241 = tpu.memref_squeeze %dma_wait3A_240 : memref<1x64xi32, #tpu.memory_space<vmem>> -> memref<64xi32, #tpu.memory_space<vmem>>
    %dma_wait3A_242 = arith.constant 0 : i32
    %dma_wait3A_243 = arith.constant 0 : i32
    %dma_wait3A_244 = tpu.memref_slice %arg2[%dma_wait3A_242, %dma_wait3A_243] : memref<100000x512xf32, #tpu.memory_space<hbm>> -> memref<100000x512xf32, #tpu.memory_space<hbm>>
    tpu.wait_indirect_dma semaphore(%arg9 : memref<!tpu.dma_semaphore, #tpu.memory_space<semaphore_mem>>) src(%dma_wait3A_244 : memref<100000x512xf32, #tpu.memory_space<hbm>>) dst(%arg7 : memref<64x512xf32, #tpu.memory_space<vmem>>)
    %mul3A_245 = arith.constant 1024 : i32
    %mul3A_246 = arith.muli %add3A, %mul3A_245 : i32
    %add3A_247 = arith.constant 576 : i32
    %add3A_248 = arith.addi %mul3A_246, %add3A_247 : i32
    %dma_start3A_249 = arith.constant 0 : i32
    %dma_start3A_250 = tpu.memref_slice %arg4[%add3A_248, %dma_start3A_249] : memref<32768x512xf32, #tpu.memory_space<hbm>> -> memref<64x512xf32, #tpu.memory_space<hbm>>
    %dma_start3A_251 = arith.constant 0 : i32
    %dma_start3A_252 = tpu.memref_slice %arg4[%add3A_248, %dma_start3A_251] : memref<32768x512xf32, #tpu.memory_space<hbm>> -> memref<64x512xf32, #tpu.memory_space<hbm>>
    tpu.enqueue_dma source(%arg7 : memref<64x512xf32, #tpu.memory_space<vmem>>) target(%dma_start3A_252 : memref<64x512xf32, #tpu.memory_space<hbm>>) target_semaphore(%arg11 : memref<!tpu.dma_semaphore, #tpu.memory_space<semaphore_mem>>)
    %dma_wait3A_253 = arith.constant 0 : i32
    %dma_wait3A_254 = tpu.memref_slice %arg4[%add3A_222, %dma_wait3A_253] : memref<32768x512xf32, #tpu.memory_space<hbm>> -> memref<64x512xf32, #tpu.memory_space<hbm>>
    %dma_wait3A_255 = arith.constant 0 : i32
    %dma_wait3A_256 = tpu.memref_slice %arg4[%add3A_222, %dma_wait3A_255] : memref<32768x512xf32, #tpu.memory_space<hbm>> -> memref<64x512xf32, #tpu.memory_space<hbm>>
    tpu.wait_dma2 semaphore(%arg10 : memref<!tpu.dma_semaphore, #tpu.memory_space<semaphore_mem>>) src(%arg6 : memref<64x512xf32, #tpu.memory_space<vmem>>) dst(%dma_wait3A_256 : memref<64x512xf32, #tpu.memory_space<hbm>>)
    %dma_start3A_257 = arith.constant 10 : i32
    %dma_start3A_258 = arith.constant 0 : i32
    %dma_start3A_259 = tpu.memref_slice %arg5[%dma_start3A_257, %dma_start3A_258] : memref<16x64xi32, #tpu.memory_space<vmem>> -> memref<1x64xi32, #tpu.memory_space<vmem>>
    %dma_start3A_260 = tpu.memref_squeeze %dma_start3A_259 : memref<1x64xi32, #tpu.memory_space<vmem>> -> memref<64xi32, #tpu.memory_space<vmem>>
    %dma_start3A_261 = arith.constant 0 : i32
    %dma_start3A_262 = arith.constant 0 : i32
    %dma_start3A_263 = tpu.memref_slice %arg2[%dma_start3A_261, %dma_start3A_262] : memref<100000x512xf32, #tpu.memory_space<hbm>> -> memref<100000x512xf32, #tpu.memory_space<hbm>>
    tpu.enqueue_indirect_dma source(%dma_start3A_263 : memref<100000x512xf32, #tpu.memory_space<hbm>>) target(%arg6 : memref<64x512xf32, #tpu.memory_space<vmem>>) offsets(%dma_start3A_260 : memref<64xi32, #tpu.memory_space<vmem>>) semaphore(%arg8 : memref<!tpu.dma_semaphore, #tpu.memory_space<semaphore_mem>>)
    %dma_wait3A_264 = arith.constant 10 : i32
    %dma_wait3A_265 = arith.constant 0 : i32
    %dma_wait3A_266 = tpu.memref_slice %arg5[%dma_wait3A_264, %dma_wait3A_265] : memref<16x64xi32, #tpu.memory_space<vmem>> -> memref<1x64xi32, #tpu.memory_space<vmem>>
    %dma_wait3A_267 = tpu.memref_squeeze %dma_wait3A_266 : memref<1x64xi32, #tpu.memory_space<vmem>> -> memref<64xi32, #tpu.memory_space<vmem>>
    %dma_wait3A_268 = arith.constant 0 : i32
    %dma_wait3A_269 = arith.constant 0 : i32
    %dma_wait3A_270 = tpu.memref_slice %arg2[%dma_wait3A_268, %dma_wait3A_269] : memref<100000x512xf32, #tpu.memory_space<hbm>> -> memref<100000x512xf32, #tpu.memory_space<hbm>>
    tpu.wait_indirect_dma semaphore(%arg8 : memref<!tpu.dma_semaphore, #tpu.memory_space<semaphore_mem>>) src(%dma_wait3A_270 : memref<100000x512xf32, #tpu.memory_space<hbm>>) dst(%arg6 : memref<64x512xf32, #tpu.memory_space<vmem>>)
    %mul3A_271 = arith.constant 1024 : i32
    %mul3A_272 = arith.muli %add3A, %mul3A_271 : i32
    %add3A_273 = arith.constant 640 : i32
    %add3A_274 = arith.addi %mul3A_272, %add3A_273 : i32
    %dma_start3A_275 = arith.constant 0 : i32
    %dma_start3A_276 = tpu.memref_slice %arg4[%add3A_274, %dma_start3A_275] : memref<32768x512xf32, #tpu.memory_space<hbm>> -> memref<64x512xf32, #tpu.memory_space<hbm>>
    %dma_start3A_277 = arith.constant 0 : i32
    %dma_start3A_278 = tpu.memref_slice %arg4[%add3A_274, %dma_start3A_277] : memref<32768x512xf32, #tpu.memory_space<hbm>> -> memref<64x512xf32, #tpu.memory_space<hbm>>
    tpu.enqueue_dma source(%arg6 : memref<64x512xf32, #tpu.memory_space<vmem>>) target(%dma_start3A_278 : memref<64x512xf32, #tpu.memory_space<hbm>>) target_semaphore(%arg10 : memref<!tpu.dma_semaphore, #tpu.memory_space<semaphore_mem>>)
    %dma_wait3A_279 = arith.constant 0 : i32
    %dma_wait3A_280 = tpu.memref_slice %arg4[%add3A_248, %dma_wait3A_279] : memref<32768x512xf32, #tpu.memory_space<hbm>> -> memref<64x512xf32, #tpu.memory_space<hbm>>
    %dma_wait3A_281 = arith.constant 0 : i32
    %dma_wait3A_282 = tpu.memref_slice %arg4[%add3A_248, %dma_wait3A_281] : memref<32768x512xf32, #tpu.memory_space<hbm>> -> memref<64x512xf32, #tpu.memory_space<hbm>>
    tpu.wait_dma2 semaphore(%arg11 : memref<!tpu.dma_semaphore, #tpu.memory_space<semaphore_mem>>) src(%arg7 : memref<64x512xf32, #tpu.memory_space<vmem>>) dst(%dma_wait3A_282 : memref<64x512xf32, #tpu.memory_space<hbm>>)
    %dma_start3A_283 = arith.constant 11 : i32
    %dma_start3A_284 = arith.constant 0 : i32
    %dma_start3A_285 = tpu.memref_slice %arg5[%dma_start3A_283, %dma_start3A_284] : memref<16x64xi32, #tpu.memory_space<vmem>> -> memref<1x64xi32, #tpu.memory_space<vmem>>
    %dma_start3A_286 = tpu.memref_squeeze %dma_start3A_285 : memref<1x64xi32, #tpu.memory_space<vmem>> -> memref<64xi32, #tpu.memory_space<vmem>>
    %dma_start3A_287 = arith.constant 0 : i32
    %dma_start3A_288 = arith.constant 0 : i32
    %dma_start3A_289 = tpu.memref_slice %arg2[%dma_start3A_287, %dma_start3A_288] : memref<100000x512xf32, #tpu.memory_space<hbm>> -> memref<100000x512xf32, #tpu.memory_space<hbm>>
    tpu.enqueue_indirect_dma source(%dma_start3A_289 : memref<100000x512xf32, #tpu.memory_space<hbm>>) target(%arg7 : memref<64x512xf32, #tpu.memory_space<vmem>>) offsets(%dma_start3A_286 : memref<64xi32, #tpu.memory_space<vmem>>) semaphore(%arg9 : memref<!tpu.dma_semaphore, #tpu.memory_space<semaphore_mem>>)
    %dma_wait3A_290 = arith.constant 11 : i32
    %dma_wait3A_291 = arith.constant 0 : i32
    %dma_wait3A_292 = tpu.memref_slice %arg5[%dma_wait3A_290, %dma_wait3A_291] : memref<16x64xi32, #tpu.memory_space<vmem>> -> memref<1x64xi32, #tpu.memory_space<vmem>>
    %dma_wait3A_293 = tpu.memref_squeeze %dma_wait3A_292 : memref<1x64xi32, #tpu.memory_space<vmem>> -> memref<64xi32, #tpu.memory_space<vmem>>
    %dma_wait3A_294 = arith.constant 0 : i32
    %dma_wait3A_295 = arith.constant 0 : i32
    %dma_wait3A_296 = tpu.memref_slice %arg2[%dma_wait3A_294, %dma_wait3A_295] : memref<100000x512xf32, #tpu.memory_space<hbm>> -> memref<100000x512xf32, #tpu.memory_space<hbm>>
    tpu.wait_indirect_dma semaphore(%arg9 : memref<!tpu.dma_semaphore, #tpu.memory_space<semaphore_mem>>) src(%dma_wait3A_296 : memref<100000x512xf32, #tpu.memory_space<hbm>>) dst(%arg7 : memref<64x512xf32, #tpu.memory_space<vmem>>)
    %mul3A_297 = arith.constant 1024 : i32
    %mul3A_298 = arith.muli %add3A, %mul3A_297 : i32
    %add3A_299 = arith.constant 704 : i32
    %add3A_300 = arith.addi %mul3A_298, %add3A_299 : i32
    %dma_start3A_301 = arith.constant 0 : i32
    %dma_start3A_302 = tpu.memref_slice %arg4[%add3A_300, %dma_start3A_301] : memref<32768x512xf32, #tpu.memory_space<hbm>> -> memref<64x512xf32, #tpu.memory_space<hbm>>
    %dma_start3A_303 = arith.constant 0 : i32
    %dma_start3A_304 = tpu.memref_slice %arg4[%add3A_300, %dma_start3A_303] : memref<32768x512xf32, #tpu.memory_space<hbm>> -> memref<64x512xf32, #tpu.memory_space<hbm>>
    tpu.enqueue_dma source(%arg7 : memref<64x512xf32, #tpu.memory_space<vmem>>) target(%dma_start3A_304 : memref<64x512xf32, #tpu.memory_space<hbm>>) target_semaphore(%arg11 : memref<!tpu.dma_semaphore, #tpu.memory_space<semaphore_mem>>)
    %dma_wait3A_305 = arith.constant 0 : i32
    %dma_wait3A_306 = tpu.memref_slice %arg4[%add3A_274, %dma_wait3A_305] : memref<32768x512xf32, #tpu.memory_space<hbm>> -> memref<64x512xf32, #tpu.memory_space<hbm>>
    %dma_wait3A_307 = arith.constant 0 : i32
    %dma_wait3A_308 = tpu.memref_slice %arg4[%add3A_274, %dma_wait3A_307] : memref<32768x512xf32, #tpu.memory_space<hbm>> -> memref<64x512xf32, #tpu.memory_space<hbm>>
    tpu.wait_dma2 semaphore(%arg10 : memref<!tpu.dma_semaphore, #tpu.memory_space<semaphore_mem>>) src(%arg6 : memref<64x512xf32, #tpu.memory_space<vmem>>) dst(%dma_wait3A_308 : memref<64x512xf32, #tpu.memory_space<hbm>>)
    %dma_start3A_309 = arith.constant 12 : i32
    %dma_start3A_310 = arith.constant 0 : i32
    %dma_start3A_311 = tpu.memref_slice %arg5[%dma_start3A_309, %dma_start3A_310] : memref<16x64xi32, #tpu.memory_space<vmem>> -> memref<1x64xi32, #tpu.memory_space<vmem>>
    %dma_start3A_312 = tpu.memref_squeeze %dma_start3A_311 : memref<1x64xi32, #tpu.memory_space<vmem>> -> memref<64xi32, #tpu.memory_space<vmem>>
    %dma_start3A_313 = arith.constant 0 : i32
    %dma_start3A_314 = arith.constant 0 : i32
    %dma_start3A_315 = tpu.memref_slice %arg2[%dma_start3A_313, %dma_start3A_314] : memref<100000x512xf32, #tpu.memory_space<hbm>> -> memref<100000x512xf32, #tpu.memory_space<hbm>>
    tpu.enqueue_indirect_dma source(%dma_start3A_315 : memref<100000x512xf32, #tpu.memory_space<hbm>>) target(%arg6 : memref<64x512xf32, #tpu.memory_space<vmem>>) offsets(%dma_start3A_312 : memref<64xi32, #tpu.memory_space<vmem>>) semaphore(%arg8 : memref<!tpu.dma_semaphore, #tpu.memory_space<semaphore_mem>>)
    %dma_wait3A_316 = arith.constant 12 : i32
    %dma_wait3A_317 = arith.constant 0 : i32
    %dma_wait3A_318 = tpu.memref_slice %arg5[%dma_wait3A_316, %dma_wait3A_317] : memref<16x64xi32, #tpu.memory_space<vmem>> -> memref<1x64xi32, #tpu.memory_space<vmem>>
    %dma_wait3A_319 = tpu.memref_squeeze %dma_wait3A_318 : memref<1x64xi32, #tpu.memory_space<vmem>> -> memref<64xi32, #tpu.memory_space<vmem>>
    %dma_wait3A_320 = arith.constant 0 : i32
    %dma_wait3A_321 = arith.constant 0 : i32
    %dma_wait3A_322 = tpu.memref_slice %arg2[%dma_wait3A_320, %dma_wait3A_321] : memref<100000x512xf32, #tpu.memory_space<hbm>> -> memref<100000x512xf32, #tpu.memory_space<hbm>>
    tpu.wait_indirect_dma semaphore(%arg8 : memref<!tpu.dma_semaphore, #tpu.memory_space<semaphore_mem>>) src(%dma_wait3A_322 : memref<100000x512xf32, #tpu.memory_space<hbm>>) dst(%arg6 : memref<64x512xf32, #tpu.memory_space<vmem>>)
    %mul3A_323 = arith.constant 1024 : i32
    %mul3A_324 = arith.muli %add3A, %mul3A_323 : i32
    %add3A_325 = arith.constant 768 : i32
    %add3A_326 = arith.addi %mul3A_324, %add3A_325 : i32
    %dma_start3A_327 = arith.constant 0 : i32
    %dma_start3A_328 = tpu.memref_slice %arg4[%add3A_326, %dma_start3A_327] : memref<32768x512xf32, #tpu.memory_space<hbm>> -> memref<64x512xf32, #tpu.memory_space<hbm>>
    %dma_start3A_329 = arith.constant 0 : i32
    %dma_start3A_330 = tpu.memref_slice %arg4[%add3A_326, %dma_start3A_329] : memref<32768x512xf32, #tpu.memory_space<hbm>> -> memref<64x512xf32, #tpu.memory_space<hbm>>
    tpu.enqueue_dma source(%arg6 : memref<64x512xf32, #tpu.memory_space<vmem>>) target(%dma_start3A_330 : memref<64x512xf32, #tpu.memory_space<hbm>>) target_semaphore(%arg10 : memref<!tpu.dma_semaphore, #tpu.memory_space<semaphore_mem>>)
    %dma_wait3A_331 = arith.constant 0 : i32
    %dma_wait3A_332 = tpu.memref_slice %arg4[%add3A_300, %dma_wait3A_331] : memref<32768x512xf32, #tpu.memory_space<hbm>> -> memref<64x512xf32, #tpu.memory_space<hbm>>
    %dma_wait3A_333 = arith.constant 0 : i32
    %dma_wait3A_334 = tpu.memref_slice %arg4[%add3A_300, %dma_wait3A_333] : memref<32768x512xf32, #tpu.memory_space<hbm>> -> memref<64x512xf32, #tpu.memory_space<hbm>>
    tpu.wait_dma2 semaphore(%arg11 : memref<!tpu.dma_semaphore, #tpu.memory_space<semaphore_mem>>) src(%arg7 : memref<64x512xf32, #tpu.memory_space<vmem>>) dst(%dma_wait3A_334 : memref<64x512xf32, #tpu.memory_space<hbm>>)
    %dma_start3A_335 = arith.constant 13 : i32
    %dma_start3A_336 = arith.constant 0 : i32
    %dma_start3A_337 = tpu.memref_slice %arg5[%dma_start3A_335, %dma_start3A_336] : memref<16x64xi32, #tpu.memory_space<vmem>> -> memref<1x64xi32, #tpu.memory_space<vmem>>
    %dma_start3A_338 = tpu.memref_squeeze %dma_start3A_337 : memref<1x64xi32, #tpu.memory_space<vmem>> -> memref<64xi32, #tpu.memory_space<vmem>>
    %dma_start3A_339 = arith.constant 0 : i32
    %dma_start3A_340 = arith.constant 0 : i32
    %dma_start3A_341 = tpu.memref_slice %arg2[%dma_start3A_339, %dma_start3A_340] : memref<100000x512xf32, #tpu.memory_space<hbm>> -> memref<100000x512xf32, #tpu.memory_space<hbm>>
    tpu.enqueue_indirect_dma source(%dma_start3A_341 : memref<100000x512xf32, #tpu.memory_space<hbm>>) target(%arg7 : memref<64x512xf32, #tpu.memory_space<vmem>>) offsets(%dma_start3A_338 : memref<64xi32, #tpu.memory_space<vmem>>) semaphore(%arg9 : memref<!tpu.dma_semaphore, #tpu.memory_space<semaphore_mem>>)
    %dma_wait3A_342 = arith.constant 13 : i32
    %dma_wait3A_343 = arith.constant 0 : i32
    %dma_wait3A_344 = tpu.memref_slice %arg5[%dma_wait3A_342, %dma_wait3A_343] : memref<16x64xi32, #tpu.memory_space<vmem>> -> memref<1x64xi32, #tpu.memory_space<vmem>>
    %dma_wait3A_345 = tpu.memref_squeeze %dma_wait3A_344 : memref<1x64xi32, #tpu.memory_space<vmem>> -> memref<64xi32, #tpu.memory_space<vmem>>
    %dma_wait3A_346 = arith.constant 0 : i32
    %dma_wait3A_347 = arith.constant 0 : i32
    %dma_wait3A_348 = tpu.memref_slice %arg2[%dma_wait3A_346, %dma_wait3A_347] : memref<100000x512xf32, #tpu.memory_space<hbm>> -> memref<100000x512xf32, #tpu.memory_space<hbm>>
    tpu.wait_indirect_dma semaphore(%arg9 : memref<!tpu.dma_semaphore, #tpu.memory_space<semaphore_mem>>) src(%dma_wait3A_348 : memref<100000x512xf32, #tpu.memory_space<hbm>>) dst(%arg7 : memref<64x512xf32, #tpu.memory_space<vmem>>)
    %mul3A_349 = arith.constant 1024 : i32
    %mul3A_350 = arith.muli %add3A, %mul3A_349 : i32
    %add3A_351 = arith.constant 832 : i32
    %add3A_352 = arith.addi %mul3A_350, %add3A_351 : i32
    %dma_start3A_353 = arith.constant 0 : i32
    %dma_start3A_354 = tpu.memref_slice %arg4[%add3A_352, %dma_start3A_353] : memref<32768x512xf32, #tpu.memory_space<hbm>> -> memref<64x512xf32, #tpu.memory_space<hbm>>
    %dma_start3A_355 = arith.constant 0 : i32
    %dma_start3A_356 = tpu.memref_slice %arg4[%add3A_352, %dma_start3A_355] : memref<32768x512xf32, #tpu.memory_space<hbm>> -> memref<64x512xf32, #tpu.memory_space<hbm>>
    tpu.enqueue_dma source(%arg7 : memref<64x512xf32, #tpu.memory_space<vmem>>) target(%dma_start3A_356 : memref<64x512xf32, #tpu.memory_space<hbm>>) target_semaphore(%arg11 : memref<!tpu.dma_semaphore, #tpu.memory_space<semaphore_mem>>)
    %dma_wait3A_357 = arith.constant 0 : i32
    %dma_wait3A_358 = tpu.memref_slice %arg4[%add3A_326, %dma_wait3A_357] : memref<32768x512xf32, #tpu.memory_space<hbm>> -> memref<64x512xf32, #tpu.memory_space<hbm>>
    %dma_wait3A_359 = arith.constant 0 : i32
    %dma_wait3A_360 = tpu.memref_slice %arg4[%add3A_326, %dma_wait3A_359] : memref<32768x512xf32, #tpu.memory_space<hbm>> -> memref<64x512xf32, #tpu.memory_space<hbm>>
    tpu.wait_dma2 semaphore(%arg10 : memref<!tpu.dma_semaphore, #tpu.memory_space<semaphore_mem>>) src(%arg6 : memref<64x512xf32, #tpu.memory_space<vmem>>) dst(%dma_wait3A_360 : memref<64x512xf32, #tpu.memory_space<hbm>>)
    %dma_start3A_361 = arith.constant 14 : i32
    %dma_start3A_362 = arith.constant 0 : i32
    %dma_start3A_363 = tpu.memref_slice %arg5[%dma_start3A_361, %dma_start3A_362] : memref<16x64xi32, #tpu.memory_space<vmem>> -> memref<1x64xi32, #tpu.memory_space<vmem>>
    %dma_start3A_364 = tpu.memref_squeeze %dma_start3A_363 : memref<1x64xi32, #tpu.memory_space<vmem>> -> memref<64xi32, #tpu.memory_space<vmem>>
    %dma_start3A_365 = arith.constant 0 : i32
    %dma_start3A_366 = arith.constant 0 : i32
    %dma_start3A_367 = tpu.memref_slice %arg2[%dma_start3A_365, %dma_start3A_366] : memref<100000x512xf32, #tpu.memory_space<hbm>> -> memref<100000x512xf32, #tpu.memory_space<hbm>>
    tpu.enqueue_indirect_dma source(%dma_start3A_367 : memref<100000x512xf32, #tpu.memory_space<hbm>>) target(%arg6 : memref<64x512xf32, #tpu.memory_space<vmem>>) offsets(%dma_start3A_364 : memref<64xi32, #tpu.memory_space<vmem>>) semaphore(%arg8 : memref<!tpu.dma_semaphore, #tpu.memory_space<semaphore_mem>>)
    %dma_wait3A_368 = arith.constant 14 : i32
    %dma_wait3A_369 = arith.constant 0 : i32
    %dma_wait3A_370 = tpu.memref_slice %arg5[%dma_wait3A_368, %dma_wait3A_369] : memref<16x64xi32, #tpu.memory_space<vmem>> -> memref<1x64xi32, #tpu.memory_space<vmem>>
    %dma_wait3A_371 = tpu.memref_squeeze %dma_wait3A_370 : memref<1x64xi32, #tpu.memory_space<vmem>> -> memref<64xi32, #tpu.memory_space<vmem>>
    %dma_wait3A_372 = arith.constant 0 : i32
    %dma_wait3A_373 = arith.constant 0 : i32
    %dma_wait3A_374 = tpu.memref_slice %arg2[%dma_wait3A_372, %dma_wait3A_373] : memref<100000x512xf32, #tpu.memory_space<hbm>> -> memref<100000x512xf32, #tpu.memory_space<hbm>>
    tpu.wait_indirect_dma semaphore(%arg8 : memref<!tpu.dma_semaphore, #tpu.memory_space<semaphore_mem>>) src(%dma_wait3A_374 : memref<100000x512xf32, #tpu.memory_space<hbm>>) dst(%arg6 : memref<64x512xf32, #tpu.memory_space<vmem>>)
    %mul3A_375 = arith.constant 1024 : i32
    %mul3A_376 = arith.muli %add3A, %mul3A_375 : i32
    %add3A_377 = arith.constant 896 : i32
    %add3A_378 = arith.addi %mul3A_376, %add3A_377 : i32
    %dma_start3A_379 = arith.constant 0 : i32
    %dma_start3A_380 = tpu.memref_slice %arg4[%add3A_378, %dma_start3A_379] : memref<32768x512xf32, #tpu.memory_space<hbm>> -> memref<64x512xf32, #tpu.memory_space<hbm>>
    %dma_start3A_381 = arith.constant 0 : i32
    %dma_start3A_382 = tpu.memref_slice %arg4[%add3A_378, %dma_start3A_381] : memref<32768x512xf32, #tpu.memory_space<hbm>> -> memref<64x512xf32, #tpu.memory_space<hbm>>
    tpu.enqueue_dma source(%arg6 : memref<64x512xf32, #tpu.memory_space<vmem>>) target(%dma_start3A_382 : memref<64x512xf32, #tpu.memory_space<hbm>>) target_semaphore(%arg10 : memref<!tpu.dma_semaphore, #tpu.memory_space<semaphore_mem>>)
    %dma_wait3A_383 = arith.constant 0 : i32
    %dma_wait3A_384 = tpu.memref_slice %arg4[%add3A_352, %dma_wait3A_383] : memref<32768x512xf32, #tpu.memory_space<hbm>> -> memref<64x512xf32, #tpu.memory_space<hbm>>
    %dma_wait3A_385 = arith.constant 0 : i32
    %dma_wait3A_386 = tpu.memref_slice %arg4[%add3A_352, %dma_wait3A_385] : memref<32768x512xf32, #tpu.memory_space<hbm>> -> memref<64x512xf32, #tpu.memory_space<hbm>>
    tpu.wait_dma2 semaphore(%arg11 : memref<!tpu.dma_semaphore, #tpu.memory_space<semaphore_mem>>) src(%arg7 : memref<64x512xf32, #tpu.memory_space<vmem>>) dst(%dma_wait3A_386 : memref<64x512xf32, #tpu.memory_space<hbm>>)
    %dma_start3A_387 = arith.constant 15 : i32
    %dma_start3A_388 = arith.constant 0 : i32
    %dma_start3A_389 = tpu.memref_slice %arg5[%dma_start3A_387, %dma_start3A_388] : memref<16x64xi32, #tpu.memory_space<vmem>> -> memref<1x64xi32, #tpu.memory_space<vmem>>
    %dma_start3A_390 = tpu.memref_squeeze %dma_start3A_389 : memref<1x64xi32, #tpu.memory_space<vmem>> -> memref<64xi32, #tpu.memory_space<vmem>>
    %dma_start3A_391 = arith.constant 0 : i32
    %dma_start3A_392 = arith.constant 0 : i32
    %dma_start3A_393 = tpu.memref_slice %arg2[%dma_start3A_391, %dma_start3A_392] : memref<100000x512xf32, #tpu.memory_space<hbm>> -> memref<100000x512xf32, #tpu.memory_space<hbm>>
    tpu.enqueue_indirect_dma source(%dma_start3A_393 : memref<100000x512xf32, #tpu.memory_space<hbm>>) target(%arg7 : memref<64x512xf32, #tpu.memory_space<vmem>>) offsets(%dma_start3A_390 : memref<64xi32, #tpu.memory_space<vmem>>) semaphore(%arg9 : memref<!tpu.dma_semaphore, #tpu.memory_space<semaphore_mem>>)
    %dma_wait3A_394 = arith.constant 15 : i32
    %dma_wait3A_395 = arith.constant 0 : i32
    %dma_wait3A_396 = tpu.memref_slice %arg5[%dma_wait3A_394, %dma_wait3A_395] : memref<16x64xi32, #tpu.memory_space<vmem>> -> memref<1x64xi32, #tpu.memory_space<vmem>>
    %dma_wait3A_397 = tpu.memref_squeeze %dma_wait3A_396 : memref<1x64xi32, #tpu.memory_space<vmem>> -> memref<64xi32, #tpu.memory_space<vmem>>
    %dma_wait3A_398 = arith.constant 0 : i32
    %dma_wait3A_399 = arith.constant 0 : i32
    %dma_wait3A_400 = tpu.memref_slice %arg2[%dma_wait3A_398, %dma_wait3A_399] : memref<100000x512xf32, #tpu.memory_space<hbm>> -> memref<100000x512xf32, #tpu.memory_space<hbm>>
    tpu.wait_indirect_dma semaphore(%arg9 : memref<!tpu.dma_semaphore, #tpu.memory_space<semaphore_mem>>) src(%dma_wait3A_400 : memref<100000x512xf32, #tpu.memory_space<hbm>>) dst(%arg7 : memref<64x512xf32, #tpu.memory_space<vmem>>)
    %mul3A_401 = arith.constant 1024 : i32
    %mul3A_402 = arith.muli %add3A, %mul3A_401 : i32
    %add3A_403 = arith.constant 960 : i32
    %add3A_404 = arith.addi %mul3A_402, %add3A_403 : i32
    %dma_start3A_405 = arith.constant 0 : i32
    %dma_start3A_406 = tpu.memref_slice %arg4[%add3A_404, %dma_start3A_405] : memref<32768x512xf32, #tpu.memory_space<hbm>> -> memref<64x512xf32, #tpu.memory_space<hbm>>
    %dma_start3A_407 = arith.constant 0 : i32
    %dma_start3A_408 = tpu.memref_slice %arg4[%add3A_404, %dma_start3A_407] : memref<32768x512xf32, #tpu.memory_space<hbm>> -> memref<64x512xf32, #tpu.memory_space<hbm>>
    tpu.enqueue_dma source(%arg7 : memref<64x512xf32, #tpu.memory_space<vmem>>) target(%dma_start3A_408 : memref<64x512xf32, #tpu.memory_space<hbm>>) target_semaphore(%arg11 : memref<!tpu.dma_semaphore, #tpu.memory_space<semaphore_mem>>)
    %dma_wait3A_409 = arith.constant 0 : i32
    %dma_wait3A_410 = tpu.memref_slice %arg4[%add3A_378, %dma_wait3A_409] : memref<32768x512xf32, #tpu.memory_space<hbm>> -> memref<64x512xf32, #tpu.memory_space<hbm>>
    %dma_wait3A_411 = arith.constant 0 : i32
    %dma_wait3A_412 = tpu.memref_slice %arg4[%add3A_378, %dma_wait3A_411] : memref<32768x512xf32, #tpu.memory_space<hbm>> -> memref<64x512xf32, #tpu.memory_space<hbm>>
    tpu.wait_dma2 semaphore(%arg10 : memref<!tpu.dma_semaphore, #tpu.memory_space<semaphore_mem>>) src(%arg6 : memref<64x512xf32, #tpu.memory_space<vmem>>) dst(%dma_wait3A_412 : memref<64x512xf32, #tpu.memory_space<hbm>>)
    %dma_wait3A_413 = arith.constant 0 : i32
    %dma_wait3A_414 = tpu.memref_slice %arg4[%add3A_404, %dma_wait3A_413] : memref<32768x512xf32, #tpu.memory_space<hbm>> -> memref<64x512xf32, #tpu.memory_space<hbm>>
    %dma_wait3A_415 = arith.constant 0 : i32
    %dma_wait3A_416 = tpu.memref_slice %arg4[%add3A_404, %dma_wait3A_415] : memref<32768x512xf32, #tpu.memory_space<hbm>> -> memref<64x512xf32, #tpu.memory_space<hbm>>
    tpu.wait_dma2 semaphore(%arg11 : memref<!tpu.dma_semaphore, #tpu.memory_space<semaphore_mem>>) src(%arg7 : memref<64x512xf32, #tpu.memory_space<vmem>>) dst(%dma_wait3A_416 : memref<64x512xf32, #tpu.memory_space<hbm>>)
    return
  }
}

module attributes {stable_mosaic.version = 14 : i64} {
  func.func @_k1_body(%arg0: i32, %arg1: i32, %arg2: memref<256x512xf32, #tpu.memory_space<vmem>>, %arg3: memref<512x2048xf32, #tpu.memory_space<vmem>>, %arg4: memref<256x16x128xf32, #tpu.memory_space<vmem>>, %arg5: memref<1x256x16xf32, #tpu.memory_space<vmem>>) attributes {dimension_semantics = [#tpu.dimension_semantics<arbitrary>, #tpu.dimension_semantics<arbitrary>], iteration_bounds = array<i64: 49, 4>, scalar_prefetch = 0 : i64, scratch_operands = 0 : i64, tpu.core_type = #tpu.core_type<tc>, window_params = [{transform_indices = @transform_0, window_bounds = array<i64: 256, 512>}, {transform_indices = @transform_1, window_bounds = array<i64: 512, 2048>}, {transform_indices = @transform_2, window_bounds = array<i64: 256, 16, 128>}, {transform_indices = @transform_3, window_bounds = array<i64: 1, 256, 16>}]} {
    %get3A = arith.constant 0 : index
    %get3A_0 = arith.constant 0 : index
    %get3A_1 = vector.load %arg2[%get3A, %get3A_0] : memref<256x512xf32, #tpu.memory_space<vmem>>, vector<256x512xf32>
    %get3A_2 = arith.constant 0 : index
    %get3A_3 = arith.constant 0 : index
    %get3A_4 = vector.load %arg3[%get3A_2, %get3A_3] : memref<512x2048xf32, #tpu.memory_space<vmem>>, vector<512x2048xf32>
    %dot_general3A = arith.constant dense<0.000000e+00> : vector<256x2048xf32>
    %dot_general3A_5 = tpu.matmul %get3A_1, %get3A_4, %dot_general3A {dimension_numbers = #tpu.dot_dimension_numbers<[1], [0], [0], [1], [0, 0, 1, 1], [], []>, transpose_lhs_hint = false} : vector<256x512xf32>, vector<512x2048xf32>, vector<256x2048xf32> -> vector<256x2048xf32>
    %mul3A = arith.constant 2048 : i32
    %mul3A_6 = arith.muli %arg0, %mul3A : i32
    %iota3A = tpu.iota {dimensions = array<i32: 1>} : vector<256x2048xi32>
    %add3A = vector.broadcast %mul3A_6 : i32 to vector<256x2048xi32>
    %add3A_7 = arith.addi %add3A, %iota3A : vector<256x2048xi32>
    %lt3A = arith.constant 100000 : i32
    %lt3A_8 = vector.broadcast %lt3A : i32 to vector<256x2048xi32>
    %lt3A_9 = arith.cmpi slt, %add3A_7, %lt3A_8 : vector<256x2048xi32>
    %jit3A = arith.constant -3.000000e+38 : f32
    %broadcast_in_dim3A = vector.broadcast %jit3A : f32 to vector<256x2048xf32>
    %select_n3A = arith.select %lt3A_9, %dot_general3A_5, %broadcast_in_dim3A : vector<256x2048xi1>, vector<256x2048xf32>
    %reshape3A = vector.shape_cast %select_n3A : vector<256x2048xf32> to vector<256x16x128xf32>
    %swap3A = arith.constant 0 : index
    %swap3A_10 = arith.constant 0 : index
    %swap3A_11 = arith.constant 0 : index
    %swap3A_12 = vector.load %arg4[%swap3A, %swap3A_10, %swap3A_11] : memref<256x16x128xf32, #tpu.memory_space<vmem>>, vector<256x16x128xf32>
    tpu.vector_store %arg4[%swap3A, %swap3A_10, %swap3A_11], %reshape3A {strides = array<i32>} : memref<256x16x128xf32, #tpu.memory_space<vmem>>, vector<256x16x128xf32>,
    %reduce_max3A = arith.constant dense<0xFF800000> : vector<256x16xf32>
    %reduce_max3A_13 = vector.multi_reduction <maximumf>, %reshape3A, %reduce_max3A [2] : vector<256x16x128xf32> to vector<256x16xf32>
    %broadcast_in_dim3A_14 = vector.shape_cast %reduce_max3A_13 : vector<256x16xf32> to vector<1x256x16xf32>
    %swap3A_15 = arith.constant 0 : index
    %swap3A_16 = arith.constant 0 : index
    %swap3A_17 = arith.constant 0 : index
    %swap3A_18 = vector.load %arg5[%swap3A_15, %swap3A_16, %swap3A_17] : memref<1x256x16xf32, #tpu.memory_space<vmem>>, vector<1x256x16xf32>
    tpu.vector_store %arg5[%swap3A_15, %swap3A_16, %swap3A_17], %broadcast_in_dim3A_14 {strides = array<i32>} : memref<1x256x16xf32, #tpu.memory_space<vmem>>, vector<1x256x16xf32>,
    return
  }
  func.func @transform_0(%arg0: i32, %arg1: i32) -> (i32, i32) {
    %c0_i32 = arith.constant 0 : i32
    %c0_i32_0 = arith.constant 0 : i32
    return %arg1, %c0_i32 : i32, i32
  }
  func.func @transform_1(%arg0: i32, %arg1: i32) -> (i32, i32) {
    %c0_i32 = arith.constant 0 : i32
    %c0_i32_0 = arith.constant 0 : i32
    return %c0_i32, %arg0 : i32, i32
  }
  func.func @transform_2(%arg0: i32, %arg1: i32) -> (i32, i32, i32) {
    %c0_i32 = arith.constant 0 : i32
    %c0_i32_0 = arith.constant 0 : i32
    return %arg1, %arg0, %c0_i32 : i32, i32, i32
  }
  func.func @transform_3(%arg0: i32, %arg1: i32) -> (i32, i32, i32) {
    %c0_i32 = arith.constant 0 : i32
    %c0_i32_0 = arith.constant 0 : i32
    return %arg0, %arg1, %c0_i32 : i32, i32, i32
  }
}

module attributes {stable_mosaic.version = 14 : i64} {
  func.func @_k2_body(%arg0: i32, %arg1: memref<256x784xf32, #tpu.memory_space<vmem>>, %arg2: memref<256x32xi32, #tpu.memory_space<vmem>>, %arg3: memref<256x32xi32, #tpu.memory_space<vmem>>) attributes {dimension_semantics = [#tpu.dimension_semantics<arbitrary>], iteration_bounds = array<i64: 4>, scalar_prefetch = 0 : i64, scratch_operands = 0 : i64, tpu.core_type = #tpu.core_type<tc>, window_params = [{transform_indices = @transform_0, window_bounds = array<i64: 256, 784>}, {transform_indices = @transform_1, window_bounds = array<i64: 256, 32>}, {transform_indices = @transform_2, window_bounds = array<i64: 256, 32>}]} {
    %iota3A = tpu.iota {dimensions = array<i32: 1>} : vector<256x784xi32>
    %mul3A = arith.constant 256 : i32
    %mul3A_0 = arith.muli %arg0, %mul3A : i32
    %iota3A_1 = tpu.iota {dimensions = array<i32: 0>} : vector<256x1xi32>
    %add3A = vector.broadcast %mul3A_0 : i32 to vector<256x1xi32>
    %add3A_2 = arith.addi %add3A, %iota3A_1 : vector<256x1xi32>
    %iota3A_3 = tpu.iota {dimensions = array<i32: 1>} : vector<256x32xi32>
    %get3A = arith.constant 0 : index
    %get3A_4 = arith.constant 0 : index
    %get3A_5 = vector.load %arg1[%get3A, %get3A_4] : memref<256x784xf32, #tpu.memory_space<vmem>>, vector<256x784xf32>
    %broadcast_in_dim3A = arith.constant 0 : i32
    %broadcast_in_dim3A_6 = vector.broadcast %broadcast_in_dim3A : i32 to vector<256x32xi32>
    %scan3A = arith.constant 0 : i32
    %scan3A_7 = arith.constant 32 : i32
    %scan3A_8 = arith.addi %scan3A, %scan3A_7 : i32
    %scan3A_9 = arith.constant 1 : i32
    %scan3A_10:2 = scf.for %scan3A_22 = %scan3A to %scan3A_8 step %scan3A_9 iter_args(%scan3A_23 = %get3A_5, %scan3A_24 = %broadcast_in_dim3A_6) -> (vector<256x784xf32>, vector<256x32xi32>)  : i32 {
      %reduce_max3A = arith.constant dense<0xFF800000> : vector<256xf32>
      %reduce_max3A_25 = vector.multi_reduction <maximumf>, %scan3A_23, %reduce_max3A [1] : vector<256x784xf32> to vector<256xf32>
      %broadcast_in_dim3A_26 = vector.shape_cast %reduce_max3A_25 : vector<256xf32> to vector<256x1xf32>
      %eq3A = vector.broadcast %broadcast_in_dim3A_26 : vector<256x1xf32> to vector<256x784xf32>
      %eq3A_27 = arith.cmpf oeq, %scan3A_23, %eq3A : vector<256x784xf32>
      %jit3A = arith.constant 1073741824 : i32
      %broadcast_in_dim3A_28 = vector.broadcast %jit3A : i32 to vector<256x784xi32>
      %select_n3A = arith.select %eq3A_27, %iota3A, %broadcast_in_dim3A_28 : vector<256x784xi1>, vector<256x784xi32>
      %reduce_min3A = arith.constant dense<2147483647> : vector<256xi32>
      %reduce_min3A_29 = vector.multi_reduction <minsi>, %select_n3A, %reduce_min3A [1] : vector<256x784xi32> to vector<256xi32>
      %broadcast_in_dim3A_30 = vector.shape_cast %reduce_min3A_29 : vector<256xi32> to vector<256x1xi32>
      %eq3A_31 = vector.broadcast %scan3A_22 : i32 to vector<256x32xi32>
      %eq3A_32 = arith.cmpi eq, %iota3A_3, %eq3A_31 : vector<256x32xi32>
      %broadcast_in_dim3A_33 = vector.shape_cast %broadcast_in_dim3A_30 : vector<256x1xi32> to vector<256x1xi32>
      %broadcast_in_dim3A_34 = vector.broadcast %broadcast_in_dim3A_33 : vector<256x1xi32> to vector<256x32xi32>
      %select_n3A_35 = arith.select %eq3A_32, %broadcast_in_dim3A_34, %scan3A_24 : vector<256x32xi1>, vector<256x32xi32>
      %eq3A_36 = vector.broadcast %broadcast_in_dim3A_30 : vector<256x1xi32> to vector<256x784xi32>
      %eq3A_37 = arith.cmpi eq, %iota3A, %eq3A_36 : vector<256x784xi32>
      %jit3A_38 = arith.constant -3.000000e+38 : f32
      %broadcast_in_dim3A_39 = vector.broadcast %jit3A_38 : f32 to vector<256x784xf32>
      %select_n3A_40 = arith.select %eq3A_37, %broadcast_in_dim3A_39, %scan3A_23 : vector<256x784xi1>, vector<256x784xf32>
      scf.yield %select_n3A_40, %select_n3A_35 : vector<256x784xf32>, vector<256x32xi32>
    }
    %scan3A_11 = arith.constant 32 : i32
    %swap3A = arith.constant 0 : index
    %swap3A_12 = arith.constant 0 : index
    %swap3A_13 = vector.load %arg3[%swap3A, %swap3A_12] : memref<256x32xi32, #tpu.memory_space<vmem>>, vector<256x32xi32>
    tpu.vector_store %arg3[%swap3A, %swap3A_12], %scan3A_10#1 {strides = array<i32>} : memref<256x32xi32, #tpu.memory_space<vmem>>, vector<256x32xi32>,
    %mul3A_14 = arith.constant 784 : i32
    %mul3A_15 = vector.broadcast %mul3A_14 : i32 to vector<256x1xi32>
    %mul3A_16 = arith.muli %add3A_2, %mul3A_15 : vector<256x1xi32>
    %add3A_17 = vector.broadcast %mul3A_16 : vector<256x1xi32> to vector<256x32xi32>
    %add3A_18 = arith.addi %add3A_17, %scan3A_10#1 : vector<256x32xi32>
    %swap3A_19 = arith.constant 0 : index
    %swap3A_20 = arith.constant 0 : index
    %swap3A_21 = vector.load %arg2[%swap3A_19, %swap3A_20] : memref<256x32xi32, #tpu.memory_space<vmem>>, vector<256x32xi32>
    tpu.vector_store %arg2[%swap3A_19, %swap3A_20], %add3A_18 {strides = array<i32>} : memref<256x32xi32, #tpu.memory_space<vmem>>, vector<256x32xi32>,
    return
  }
  func.func @transform_0(%arg0: i32) -> (i32, i32) {
    %c0_i32 = arith.constant 0 : i32
    %c0_i32_0 = arith.constant 0 : i32
    return %arg0, %c0_i32 : i32, i32
  }
  func.func @transform_1(%arg0: i32) -> (i32, i32) {
    %c0_i32 = arith.constant 0 : i32
    %c0_i32_0 = arith.constant 0 : i32
    return %arg0, %c0_i32 : i32, i32
  }
  func.func @transform_2(%arg0: i32) -> (i32, i32) {
    %c0_i32 = arith.constant 0 : i32
    %c0_i32_0 = arith.constant 0 : i32
    return %arg0, %c0_i32 : i32, i32
  }
}

module attributes {stable_mosaic.version = 14 : i64} {
  func.func @_k4_body(%arg0: i32, %arg1: memref<256x4096xf32, #tpu.memory_space<vmem>>, %arg2: memref<256x32xi32, #tpu.memory_space<vmem>>, %arg3: memref<256x32xf32, #tpu.memory_space<vmem>>, %arg4: memref<256x32xi32, #tpu.memory_space<vmem>>) attributes {dimension_semantics = [#tpu.dimension_semantics<arbitrary>], iteration_bounds = array<i64: 4>, scalar_prefetch = 0 : i64, scratch_operands = 0 : i64, tpu.core_type = #tpu.core_type<tc>, window_params = [{transform_indices = @transform_0, window_bounds = array<i64: 256, 4096>}, {transform_indices = @transform_1, window_bounds = array<i64: 256, 32>}, {transform_indices = @transform_2, window_bounds = array<i64: 256, 32>}, {transform_indices = @transform_3, window_bounds = array<i64: 256, 32>}]} {
    %get3A = arith.constant 0 : index
    %get3A_0 = arith.constant 0 : index
    %get3A_1 = vector.load %arg2[%get3A, %get3A_0] : memref<256x32xi32, #tpu.memory_space<vmem>>, vector<256x32xi32>
    %iota3A = tpu.iota {dimensions = array<i32: 1>} : vector<256x4096xi32>
    %broadcast_in_dim3A = vector.shape_cast %get3A_1 : vector<256x32xi32> to vector<256x32x1xi32>
    %broadcast_in_dim3A_2 = vector.broadcast %broadcast_in_dim3A : vector<256x32x1xi32> to vector<256x32x128xi32>
    %reshape3A = vector.shape_cast %broadcast_in_dim3A_2 : vector<256x32x128xi32> to vector<256x4096xi32>
    %mul3A = arith.constant 128 : i32
    %mul3A_3 = vector.broadcast %mul3A : i32 to vector<256x4096xi32>
    %mul3A_4 = arith.muli %reshape3A, %mul3A_3 : vector<256x4096xi32>
    %jit3A = arith.constant 128 : i32
    %eq3A = arith.constant 0 : i32
    %eq3A_5 = arith.cmpi eq, %jit3A, %eq3A : i32
    %jit3A_6 = arith.constant 1 : i32
    %select_n3A = arith.select %eq3A_5, %jit3A_6, %jit3A : i32
    %rem3A = vector.broadcast %select_n3A : i32 to vector<256x4096xi32>
    %rem3A_7 = arith.remsi %iota3A, %rem3A : vector<256x4096xi32>
    %ne3A = arith.constant 0 : i32
    %ne3A_8 = vector.broadcast %ne3A : i32 to vector<256x4096xi32>
    %ne3A_9 = arith.cmpi ne, %rem3A_7, %ne3A_8 : vector<256x4096xi32>
    %lt3A = arith.constant 0 : i32
    %lt3A_10 = vector.broadcast %lt3A : i32 to vector<256x4096xi32>
    %lt3A_11 = arith.cmpi slt, %rem3A_7, %lt3A_10 : vector<256x4096xi32>
    %lt3A_12 = arith.constant 0 : i32
    %lt3A_13 = arith.cmpi slt, %select_n3A, %lt3A_12 : i32
    %ne3A_14 = vector.broadcast %lt3A_13 : i1 to vector<256x4096xi1>
    %ne3A_15 = vector.broadcast %ne3A_14 : vector<256x4096xi1> to vector<256x4096xi1>
    %ne3A_16 = arith.xori %lt3A_11, %ne3A_15 : vector<256x4096xi1>
    %and3A = arith.andi %ne3A_16, %ne3A_9 : vector<256x4096xi1>
    %add3A = vector.broadcast %select_n3A : i32 to vector<256x4096xi32>
    %add3A_17 = arith.addi %rem3A_7, %add3A : vector<256x4096xi32>
    %select_n3A_18 = arith.select %and3A, %add3A_17, %rem3A_7 : vector<256x4096xi1>, vector<256x4096xi32>
    %add3A_19 = arith.addi %mul3A_4, %select_n3A_18 : vector<256x4096xi32>
    %iota3A_20 = tpu.iota {dimensions = array<i32: 1>} : vector<256x32xi32>
    %get3A_21 = arith.constant 0 : index
    %get3A_22 = arith.constant 0 : index
    %get3A_23 = vector.load %arg1[%get3A_21, %get3A_22] : memref<256x4096xf32, #tpu.memory_space<vmem>>, vector<256x4096xf32>
    %broadcast_in_dim3A_24 = arith.constant 0.000000e+00 : f32
    %broadcast_in_dim3A_25 = vector.broadcast %broadcast_in_dim3A_24 : f32 to vector<256x32xf32>
    %broadcast_in_dim3A_26 = arith.constant 0 : i32
    %broadcast_in_dim3A_27 = vector.broadcast %broadcast_in_dim3A_26 : i32 to vector<256x32xi32>
    %scan3A = arith.constant 0 : i32
    %scan3A_28 = arith.constant 32 : i32
    %scan3A_29 = arith.addi %scan3A, %scan3A_28 : i32
    %scan3A_30 = arith.constant 1 : i32
    %scan3A_31:3 = scf.for %scan3A_38 = %scan3A to %scan3A_29 step %scan3A_30 iter_args(%scan3A_39 = %get3A_23, %scan3A_40 = %broadcast_in_dim3A_25, %scan3A_41 = %broadcast_in_dim3A_27) -> (vector<256x4096xf32>, vector<256x32xf32>, vector<256x32xi32>)  : i32 {
      %reduce_max3A = arith.constant dense<0xFF800000> : vector<256xf32>
      %reduce_max3A_42 = vector.multi_reduction <maximumf>, %scan3A_39, %reduce_max3A [1] : vector<256x4096xf32> to vector<256xf32>
      %broadcast_in_dim3A_43 = vector.shape_cast %reduce_max3A_42 : vector<256xf32> to vector<256x1xf32>
      %eq3A_44 = vector.broadcast %broadcast_in_dim3A_43 : vector<256x1xf32> to vector<256x4096xf32>
      %eq3A_45 = arith.cmpf oeq, %scan3A_39, %eq3A_44 : vector<256x4096xf32>
      %jit3A_46 = arith.constant 1073741824 : i32
      %broadcast_in_dim3A_47 = vector.broadcast %jit3A_46 : i32 to vector<256x4096xi32>
      %select_n3A_48 = arith.select %eq3A_45, %add3A_19, %broadcast_in_dim3A_47 : vector<256x4096xi1>, vector<256x4096xi32>
      %reduce_min3A = arith.constant dense<2147483647> : vector<256xi32>
      %reduce_min3A_49 = vector.multi_reduction <minsi>, %select_n3A_48, %reduce_min3A [1] : vector<256x4096xi32> to vector<256xi32>
      %broadcast_in_dim3A_50 = vector.shape_cast %reduce_min3A_49 : vector<256xi32> to vector<256x1xi32>
      %eq3A_51 = vector.broadcast %scan3A_38 : i32 to vector<256x32xi32>
      %eq3A_52 = arith.cmpi eq, %iota3A_20, %eq3A_51 : vector<256x32xi32>
      %broadcast_in_dim3A_53 = vector.shape_cast %broadcast_in_dim3A_43 : vector<256x1xf32> to vector<256x1xf32>
      %broadcast_in_dim3A_54 = vector.broadcast %broadcast_in_dim3A_53 : vector<256x1xf32> to vector<256x32xf32>
      %select_n3A_55 = arith.select %eq3A_52, %broadcast_in_dim3A_54, %scan3A_40 : vector<256x32xi1>, vector<256x32xf32>
      %eq3A_56 = vector.broadcast %scan3A_38 : i32 to vector<256x32xi32>
      %eq3A_57 = arith.cmpi eq, %iota3A_20, %eq3A_56 : vector<256x32xi32>
      %broadcast_in_dim3A_58 = vector.shape_cast %broadcast_in_dim3A_50 : vector<256x1xi32> to vector<256x1xi32>
      %broadcast_in_dim3A_59 = vector.broadcast %broadcast_in_dim3A_58 : vector<256x1xi32> to vector<256x32xi32>
      %select_n3A_60 = arith.select %eq3A_57, %broadcast_in_dim3A_59, %scan3A_41 : vector<256x32xi1>, vector<256x32xi32>
      %eq3A_61 = vector.broadcast %broadcast_in_dim3A_50 : vector<256x1xi32> to vector<256x4096xi32>
      %eq3A_62 = arith.cmpi eq, %add3A_19, %eq3A_61 : vector<256x4096xi32>
      %jit3A_63 = arith.constant -3.000000e+38 : f32
      %broadcast_in_dim3A_64 = vector.broadcast %jit3A_63 : f32 to vector<256x4096xf32>
      %select_n3A_65 = arith.select %eq3A_62, %broadcast_in_dim3A_64, %scan3A_39 : vector<256x4096xi1>, vector<256x4096xf32>
      scf.yield %select_n3A_65, %select_n3A_55, %select_n3A_60 : vector<256x4096xf32>, vector<256x32xf32>, vector<256x32xi32>
    }
    %scan3A_32 = arith.constant 32 : i32
    %swap3A = arith.constant 0 : index
    %swap3A_33 = arith.constant 0 : index
    %swap3A_34 = vector.load %arg3[%swap3A, %swap3A_33] : memref<256x32xf32, #tpu.memory_space<vmem>>, vector<256x32xf32>
    tpu.vector_store %arg3[%swap3A, %swap3A_33], %scan3A_31#1 {strides = array<i32>} : memref<256x32xf32, #tpu.memory_space<vmem>>, vector<256x32xf32>,
    %swap3A_35 = arith.constant 0 : index
    %swap3A_36 = arith.constant 0 : index
    %swap3A_37 = vector.load %arg4[%swap3A_35, %swap3A_36] : memref<256x32xi32, #tpu.memory_space<vmem>>, vector<256x32xi32>
    tpu.vector_store %arg4[%swap3A_35, %swap3A_36], %scan3A_31#2 {strides = array<i32>} : memref<256x32xi32, #tpu.memory_space<vmem>>, vector<256x32xi32>,
    return
  }
  func.func @transform_0(%arg0: i32) -> (i32, i32) {
    %c0_i32 = arith.constant 0 : i32
    %c0_i32_0 = arith.constant 0 : i32
    return %arg0, %c0_i32 : i32, i32
  }
  func.func @transform_1(%arg0: i32) -> (i32, i32) {
    %c0_i32 = arith.constant 0 : i32
    %c0_i32_0 = arith.constant 0 : i32
    return %arg0, %c0_i32 : i32, i32
  }
  func.func @transform_2(%arg0: i32) -> (i32, i32) {
    %c0_i32 = arith.constant 0 : i32
    %c0_i32_0 = arith.constant 0 : i32
    return %arg0, %c0_i32 : i32, i32
  }
  func.func @transform_3(%arg0: i32) -> (i32, i32) {
    %c0_i32 = arith.constant 0 : i32
    %c0_i32_0 = arith.constant 0 : i32
    return %arg0, %c0_i32 : i32, i32
  }
}

</mosaic_0001>

<sc_bundles>
// kernel: kernel.10.cloned.1.call-start
scs
__scs_entry_jumppad:
0x0: {  	(pc) =	sbr.rel $0x88, $3  }
0x1: {  	(tag) =	ssettag $0x0;
	lr =	simm.s32 $0x1  }
0x2: {  	[smem:$0x3F9F] =	sst lr;
	_ =	strace $0xD0000000  }
0x3: {  	_ = 	snop  }
0x4: {  	_ = 	snop  }
0x5: {  	_ = 	snop  }
0x6: {  	_ = 	snop  }
0x7: {  	_ = 	snop  }
__scs_overlays_trampoline_lowered:
0x8: {  	[smem:$0x3FAE] =	sst s0  }
0x9: {  	[smem:$0x3FAF] =	sst s1  }
0xa: {  	[smem:$0x3FB0] =	sst s2  }
0xb: {  	[smem:$0x3FB1] =	sst s3  }
0xc: {  	[smem:$0x3FB2] =	sst s4  }
0xd: {  	[smem:$0x3FB3] =	sst s5  }
0xe: {  	[smem:$0x3FB4] =	sst s6  }
0xf: {  	[smem:$0x3FB5] =	sst s7  }
0x10: {  	[smem:$0x3FB6] =	sst s8  }
0x11: {  	[smem:$0x3FB7] =	sst s9;
	s0 =	simm.s32 @!p0 $0x0  }
0x12: {  	s1 =	sld [smem:$0x3F9D];
	s0 =	simm.s32 @p0 $0x1  }
0x13: {  	[smem:$0x3FB8] =	sst s0;
	s0 =	simm.s32 @!p1 $0x0  }
0x14: {  	s2 =	sld [smem:$0x3F9C];
	s0 =	simm.s32 @p1 $0x1  }
0x15: {  	[smem:$0x3FB9] =	sst s0;
	s0 =	simm.s32 @!p2 $0x0  }
0x16: {  	s3 =	sld [smem:$0x3FDB];
	s0 =	simm.s32 @p2 $0x1  }
0x17: {  	s4 =	simm.s32 $0x1BF5;
	[smem:$0x3FBB] =	sst s0  }
0x18: {  	s0 =	sld [smem:$0x3F9E];
	_ =	swait.ge [sflag:s4], $0x0  }
0x19: {  	s7 =	sld [smem:$0x3F9F]  }
0x1a: {  	s8 =	sadd.s32 $0xFFFFE003, lr  }
0x1b: {  	s9 =	sadd.s32 $0xFFFFFEF7, lr;
	s5 =	simm.s32 $0xFFFFFFFF;
	p2 =	slt.u32 s8, $0xFFFFF086  }
0x1c: {  	p1 =	slt.u32 s9, $0xF7A;
	s5 =	simm.s32 @!p2 $0x0  }
0x1d: {  	s5 =	simm.s32 @p1 $0x1;
	p0 =	seq.s32 s7, s2  }
0x1e: {  	s7 =	smul.u32 @!p0 $0xF7A, s2;
	p2 =	seq.s32 @!p0 s5, $0x0  }
0x1f: {  	s9 =	smul.u32 $0xF7A, s1;
	s8 =	simm.s32 @!p0 $0x1BF5;
	p2 =	por !p2, p0  }
0x20: {  	[sflag:s8] =	ssyncset.s32 @!p0 $0xFFFFF086;
	s6 =	sadd.s32 @!p0 s3, s7;
	s7 =	simm.s32 @!p0 $0x108  }
0x21: {  	s3 =	sadd.s32 s3, s9;
	s6 =	sadd.s32 @!p0 $0x88, s6;
	s7 =	simm.s32 @p2 $0x1082  }
0x22: {  	[simem:s7], [sflag:s8] =	dma.local @!p0 [hbm:s6], $0xF7A  }
0x23: {  	s9 =	sor.u32 $0xD0000000, s2;
	s6 =	simm.s32 $0x108;
	_ =	swait.ge @!p0 [sflag:s8], $0x0  }
0x24: {  	s3 =	sadd.s32 $0x88, s3;
	s6 =	simm.s32 @!p1 $0x1082;
	[sflag:s4] =	ssyncset.s32 $0xFFFFF086  }
0x25: {  	[simem:s6], [sflag:s4] =	dma.local [hbm:s3], $0xF7A  }
0x26: {  	[smem:$0x3F9F] =	sst s1;
	(tag) =	ssettag s2;
	_ =	strace s9  }
0x27: {  	s1 =	sld [smem:$0x3FAF]  }
0x28: {  	s2 =	sld [smem:$0x3FB0]  }
0x29: {  	s4 =	sld [smem:$0x3FB2]  }
0x2a: {  	p0 =	seq.s32 s5, $0x0;
	s5 =	sld [smem:$0x3FB3]  }
0x2b: {  	s6 =	sld [smem:$0x3FB4]  }
0x2c: {  	s7 =	sld [smem:$0x3FB5]  }
0x2d: {  	s3 =	simm.s32 $0x108;
	s8 =	sld [smem:$0x3FB6]  }
0x2e: {  	s3 =	simm.s32 @!p0 $0x1082;
	s9 =	sld [smem:$0x3FB7]  }
0x2f: {  	lr =	sadd.s32 s0, s3;
	s0 =	sld [smem:$0x3FAE]  }
0x30: {  	s3 =	sld [smem:$0x3FB1]  }
0x31: {  	[smem:$0x3FBA] =	sst s10  }
0x32: {  	s10 =	sld [smem:$0x3FB8];
	_ =	sdelay $0x3  }
0x33: {  	p0 =	seq.s32 s10, $0x1;
	s10 =	sld [smem:$0x3FBA];
	_ =	sdelay $0x3  }
0x34: {  	[smem:$0x3FBA] =	sst s10  }
0x35: {  	s10 =	sld [smem:$0x3FB9];
	_ =	sdelay $0x3  }
0x36: {  	p1 =	seq.s32 s10, $0x1;
	s10 =	sld [smem:$0x3FBA];
	_ =	sdelay $0x3  }
0x37: {  	[smem:$0x3FBA] =	sst s10  }
0x38: {  	s10 =	sld [smem:$0x3FBB]  }
0x39: {  	_ = 	snop;
	(pc) =	sbr.ind lr, $3  }
0x3a: {  	_ = 	snop  }
0x3b: {  	_ = 	snop  }
0x3c: {  	p2 =	seq.s32 s10, $0x1;
	s10 =	sld [smem:$0x3FBA]  }
0x3d: {  	_ =	shalt  }
0x3e: {  	_ =	shalt  }
0x3f: {  	_ =	shalt  }
0x40: {  	_ =	shalt  }
0x41: {  	_ =	shalt  }
0x42: {  	_ =	shalt  }
0x43: {  	_ =	shalt  }
0x44: {  	_ =	shalt  }
0x45: {  	_ =	shalt  }
0x46: {  	_ =	shalt  }
0x47: {  	_ =	shalt  }
0x48: {  	_ =	shalt  }
0x49: {  	_ =	shalt  }
0x4a: {  	_ =	shalt  }
0x4b: {  	_ =	shalt  }
0x4c: {  	_ =	shalt  }
0x4d: {  	_ =	shalt  }
0x4e: {  	_ =	shalt  }
0x4f: {  	_ =	shalt  }
0x50: {  	_ =	shalt  }
0x51: {  	_ =	shalt  }
0x52: {  	_ =	shalt  }
0x53: {  	_ =	shalt  }
0x54: {  	_ =	shalt  }
0x55: {  	_ =	shalt  }
0x56: {  	_ =	shalt  }
0x57: {  	_ =	shalt  }
0x58: {  	_ =	shalt  }
0x59: {  	_ =	shalt  }
0x5a: {  	_ =	shalt  }
0x5b: {  	_ =	shalt  }
0x5c: {  	_ =	shalt  }
0x5d: {  	_ =	shalt  }
0x5e: {  	_ =	shalt  }
0x5f: {  	_ =	shalt  }
0x60: {  	_ =	shalt  }
0x61: {  	_ =	shalt  }
0x62: {  	_ =	shalt  }
0x63: {  	_ =	shalt  }
0x64: {  	_ =	shalt  }
0x65: {  	_ =	shalt  }
0x66: {  	_ =	shalt  }
0x67: {  	_ =	shalt  }
0x68: {  	_ =	shalt  }
0x69: {  	_ =	shalt  }
0x6a: {  	_ =	shalt  }
0x6b: {  	_ =	shalt  }
0x6c: {  	_ =	shalt  }
0x6d: {  	_ =	shalt  }
0x6e: {  	_ =	shalt  }
0x6f: {  	_ =	shalt  }
0x70: {  	_ =	shalt  }
0x71: {  	_ =	shalt  }
0x72: {  	_ =	shalt  }
0x73: {  	_ =	shalt  }
0x74: {  	_ =	shalt  }
0x75: {  	_ =	shalt  }
0x76: {  	_ =	shalt  }
0x77: {  	_ =	shalt  }
0x78: {  	_ =	shalt  }
0x79: {  	_ =	shalt  }
0x7a: {  	_ =	shalt  }
0x7b: {  	_ =	shalt  }
0x7c: {  	_ =	shalt  }
0x7d: {  	_ =	shalt  }
0x7e: {  	_ =	shalt  }
0x7f: {  	_ =	shalt  }
0x80: {  	_ =	shalt  }
0x81: {  	_ =	shalt  }
0x82: {  	_ =	shalt  }
0x83: {  	_ =	shalt  }
0x84: {  	_ =	shalt  }
0x85: {  	_ =	shalt  }
0x86: {  	_ =	shalt  }
0x87: {  	_ =	shalt  }
.Lfunc_end0:
.L_simem_size_0:
called_computation.1_lowered:
.L_overlay_start_0:
0x88: {  	s2 =	sld [smem:$0x3FD9]  }
0x89: {  	s3 =	sld [smem:$0x3FFE];
	_ =	sdelay $0x1  }
0x8a: {  	s1 =	srdreg.scid  }
0x8b: {  	s0 =	sand.u32 $0x1, s1  }
0x8c: {  	s14 =	sshll.u32 s0, $0xA;
	s2 =	sadd.s32 s3, s2  }
0x8d: {  	s2 =	sadd.s32 s2, s14  }
0x8e: {  	[smem:$0x3FC6] =	sst s2  }
0x8f: {  	_ = 	snop  }
0x90: {  	s2 =	sld [smem:$0x3FD0];
	_ =	sdelay $0x2  }
0x91: {  	s4 =	simm.s32 $0xA;
	s5 =	simm.s32 $0x10;
	s15 =	sld [smem:$0x3FC8]  }
0x92: {  	[smem:s5], [sflag:s4] =	dma.local [hbm:s2], $0x1  }
0x93: {  	_ =	swait.eq [sflag:s4], $0x1  }
0x94: {  	[sflag:s4] =	ssyncset.done $0x0  }
0x95: {  	[sflag:s4] =	ssyncadd.s32 $0xFFFFFFFF  }
0x96: {  	s16 =	sld [smem:$0x10];
	(tm) =	ssettm $0x1  }
0x97: {  	s17 =	sld [smem:$0x3FFB];
	_ =	sdelay $0x3  }
0x98: {  	_ =	strace s17  }
0x99: {  	s4 =	sld [smem:$0x3FFC];
	_ =	sdelay $0x3  }
0x9a: {  	_ =	strace s4  }
0x9b: {  	s4 =	sld [smem:$0x3FFD];
	_ =	sdelay $0x3  }
0x9c: {  	_ =	strace s4  }
0x9d: {  	_ =	strace $0x8FFFFFFF  }
0x9e: {  	s18 =	sld [smem:$0x3FDB];
	_ =	sdelay $0x1  }
0x9f: {  	s19 =	simm.s32 $_scs_section_size  }
0xa0: {  	s6 =	simm.s32 $_size__tile_overlayer_lowered;
	s7 =	simm.s32 $_tile_overlayer_lowered  }
0xa1: {  	s22 =	simm.s32 $0x1BFF;
	s21 =	sshll.u32 s7, $0x1;
	s4 =	sadd.s32 s19, s18  }
0xa2: {  	s8 =	simm.s32 $0x0;
	s20 =	sshll.u32 s6, $0x1;
	s6 =	sadd.s32 s21, s4  }
0xa3: {  	[timem:s8], [sflag:s22] =	dma.local [hbm:s6], s20  }
0xa4: {  	_ =	swait.ge [sflag:s22], s20  }
0xa5: {  	s5 =	ssub.s32 $0x0, s20;
	[sflag:s22] =	ssyncset.done $0x0  }
0xa6: {  	[sflag:s22] =	ssyncadd.s32 s5;
	_ =	sdelay $0x1  }
0xa7: {  	s23 =	simm.s32 $0x1B8B  }
0xa8: {  	_ =	swait.ge [sflag:s23], $0x1  }
0xa9: {  	[sflag:s23] =	ssyncset.done $0x0  }
0xaa: {  	s25 =	simm.s32 $0x1B8E;
	s24 =	sld [smem:$0x3FFE];
	[sflag:s23] =	ssyncadd.s32 $0xFFFFFFFF  }
0xab: {  	s26 =	simm.s32 $execute0_lowered;
	[smem:$0x3FD2] =	sst s25  }
0xac: {  	s6 =	sshll.u32 s26, $0x1;
	_ =	strace $0x80000049;
	[dreg:$0x1] =	wrdreg $0xFFFFFFFF  }
0xad: {  	s28 =	simm.s32 $_size_execute0_lowered;
	s4 =	sadd.s32 s4, s6;
	[dreg:$0x0] =	wrdreg $0x0  }
0xae: {  	s6 =	sshll.u32 s28, $0x1;
	[dreg:$0x2] =	wrdreg s4  }
0xaf: {  	[dreg:$0x3] =	wrdreg s6  }
0xb0: {  	[dreg:$0x4] =	wrdreg $0xC0  }
0xb1: {  	_ =	task [dreg:s8], $0x5FFFF  }
0xb2: {  	[dreg:$0x1] =	wrdreg $0xFFFFFFFF  }
0xb3: {  	[dreg:$0x0] =	wrdreg $0x60  }
0xb4: {  	[dreg:$0x2] =	wrdreg s15  }
0xb5: {  	[dreg:$0x3] =	wrdreg s24  }
0xb6: {  	[dreg:$0x4] =	wrdreg s16  }
0xb7: {  	[dreg:$0x5] =	wrdreg $0x9  }
0xb8: {  	_ =	task.clear_ibuf [dreg:s8], $0x6FFFF;
	_ =	strace $0x90000049  }
0xb9: {  	s29 =	simm.s32 $0x9;
	_ =	strace $0x8000004B  }
0xba: {  	_ =	swait.ge [sflag:s29], $0x1  }
0xbb: {  	[sflag:s29] =	ssyncadd.s32 $0xFFFFFFFF  }
0xbc: {  	_ =	strace $0x9000004B  }
0xbd: {  	_ =	sfence  }
0xbe: {  	s30 =	sld [smem:$0x0];
	_ =	sdelay $0x2  }
0xbf: {  	s31 =	sshll.u32 s1, $0xD;
	s1 =	sshrl.u32 s1, $0x2  }
0xc0: {  	s3 =	sand.u32 $0x4000, s31;
	s1 =	sadd.s32 s1, s30  }
0xc1: {  	s0 =	sor.u32 s3, s0;
	s1 =	sshll.u32 s1, $0x11  }
0xc2: {  	s0 =	sor.u32 s1, s0  }
0xc3: {  	s0 =	sadd.s32 $0x8F2B, s0  }
0xc4: {  	[sflag:s0] =	ssyncadd.remote.s32 $0x1  }
0xc5: {  	_ =	sfence.sel $0xFFFF  }
0xc6: {  	[dreg:$0x0] =	wrdreg $0xFFFFFFFF;
	(pc) =	sbr.abs _section_cstart, $3  }
0xc7: {  	[dreg:$0x1] =	wrdreg $0xFFFFFFFF  }
0xc8: {  	_ =	task.clear_ibuf [dreg:s8], $0x2FFFF;
	_ =	strace $0x9FFFFFFF  }
0xc9: {  	(tm) =	ssettm $0x7FFFFFFF  }
tec
execute0_lowered:
.L_overlay_start_1:
0x0: {  	(tag) =	ssettag $0x1  }
0x1: {  	s1 =	rddreg [dreg:$0x0]  }
0x2: {  	s0 =	srdreg.scid;
	s3 =	stileid.u32  }
0x3: {  	s2 =	rddreg [dreg:$0x1];
	s0 =	sand.u32 $0x1, s0;
	s3 =	sshll.u32 s3, $0x1  }
0x4: {  	s4 =	rddreg [dreg:$0x2];
	s5 =	sor.u32 s0, s3  }
0x5: {  	s3 =	simm.s32 $0x0;
	s6 =	sshll.u32 s5, $0x8;
	s5 =	sshll.u32 s5, $0x10  }
0x6: {  	[smem:$0x7FF] =	sst s3;
	s2 =	sadd.s32 s6, s2;
	s14 =	sadd.s32 s4, s5  }
0x7: {  	_ =	strace $0x8000004A;
	s2 =	sadd.s32 $0x5600, s2;
	[dreg:$0x14] =	wrdreg s14  }
0x8: {  	s15 =	sadd.s32 $0x1000, s14;
	[dreg:$0x4] =	wrdreg s2  }
0x9: {  	s16 =	sadd.s32 $0x2000, s14;
	[dreg:$0x5] =	wrdreg s15  }
0xa: {  	s17 =	sadd.s32 $0x3000, s14;
	[dreg:$0x6] =	wrdreg s16  }
0xb: {  	s18 =	sadd.s32 $0x4000, s14;
	[dreg:$0x7] =	wrdreg s17  }
0xc: {  	s19 =	sadd.s32 $0x5000, s14;
	[dreg:$0x8] =	wrdreg s18  }
0xd: {  	s20 =	sadd.s32 $0x6000, s14;
	[dreg:$0x9] =	wrdreg s19  }
0xe: {  	s21 =	sadd.s32 $0x7000, s14;
	[dreg:$0xa] =	wrdreg s20  }
0xf: {  	s22 =	sadd.s32 $0x8000, s14;
	[dreg:$0xb] =	wrdreg s21  }
0x10: {  	s23 =	sadd.s32 $0x9000, s14;
	[dreg:$0xc] =	wrdreg s22  }
0x11: {  	s8 =	simm.s32 $0x800;
	s24 =	sadd.s32 $0xA000, s14;
	[dreg:$0xd] =	wrdreg s23  }
0x12: {  	s0 =	ssub.s32 $0x2, s0;
	s25 =	sadd.s32 $0xB000, s14;
	[dreg:$0xe] =	wrdreg s24  }
0x13: {  	s28 =	sshrl.u32 s0, $0x1;
	s26 =	sadd.s32 $0xC000, s14;
	[dreg:$0xf] =	wrdreg s25  }
0x14: {  	s0 =	ssub.s32 s0, s28;
	s29 =	sadd.s32 $0xD000, s14;
	[dreg:$0x10] =	wrdreg s26  }
0x15: {  	s5 =	sadd.s32 $0x100, s1;
	s30 =	sadd.s32 $0xE000, s14;
	[dreg:$0x11] =	wrdreg s29  }
0x16: {  	v2 =	vlaneseq.u32;
	s31 =	sadd.s32 $0xF000, s14;
	s0 =	smax.u32 s0, $0x1;
	[dreg:$0x12] =	wrdreg s30  }
0x17: {  	vm0 =	vmmov $0xffff;
	v1 =	vshrl.u32 v2, $0x3;
	[dreg:$0x13] =	wrdreg s31;
	s24 =	simm.s32 $0x1;
	s25 =	simm.s32 $0x8800  }
0x18: {  	v0 =	vand.u32 $0x7, v2;
	v2 =	vor.u32 $0x8, v2;
	v1 =	vmul.u32 $0x8, v1;
	s15 =	simm.s32 $0x2;
	s16 =	simm.s32 $0x3;
	s17 =	simm.s32 $0x4  }
.LBB2_1:
0x19: {  	[dreg:$0x15] =	wrdreg s0  }
0x1a: {  	s18 =	rddreg [dreg:$0x4];
	s23 =	simm.s32 $0x5  }
0x1b: {  	[tilespmem:s3], [sflag:$0x5] =	stream.linear.gather [hbm4b:s18+s3], $0x800, $0x38;
	[tilespmem:$0x10800] =	vst v63  }
0x1c: {  	_ =	swait.ge [sflag:s23], $0x800  }
0x1d: {  	[sflag:s23] =	ssyncset.done $0x0  }
0x1e: {  	[sflag:s23] =	ssyncadd.s32 $0xFFFFF800  }
0x1f: {  	v3 =	vld [tilespmem:$0x0];
	_ =	sdelay $0x4  }
0x20: {  	v4 =	vshll.u32 v3, $0x2  }
0x21: {  	v3 =	vand.u32 $0x7, v3;
	v4 =	vand.u32 $0xFFFFFFE0, v4  }
0x22: {  	v3 =	vor.u32 v3, v4  }
0x23: {  	v4 =	vperm.xlane v3, v0;
	_ =	sdelay $0x1  }
0x24: {  	v4 =	vadd.s32 v1, v4;
	_ =	sdelay $0x1  }
0x25: {  	v3 =	vperm.xlane v3, v2;
	_ =	sdelay $0x1  }
0x26: {  	v3 =	vadd.s32 v1, v3  }
0x27: {  	[tilespmem:s8], [sflag:$0x1] =	stream.indirect_vreg.gather [hbm4b:s1+s3], $0x80, v4, vm0, $0xb8;
	[tilespmem:$0x10800] =	vst v63  }
0x28: {  	s26 =	simm.s32 $0x1000  }
0x29: {  	[tilespmem:s26], [sflag:$0x1] =	stream.indirect_vreg.gather [hbm4b:s5+s3], $0x80, v4, vm0, $0xb8;
	[tilespmem:$0x10800] =	vst v63  }
0x2a: {  	s28 =	simm.s32 $0x1800  }
0x2b: {  	[tilespmem:s28], [sflag:$0x1] =	stream.indirect_vreg.gather [hbm4b:s1+s3], $0x80, v3, vm0, $0xb8;
	[tilespmem:$0x10800] =	vst v63  }
0x2c: {  	s29 =	simm.s32 $0x2000  }
0x2d: {  	[tilespmem:s29], [sflag:$0x1] =	stream.indirect_vreg.gather [hbm4b:s5+s3], $0x80, v3, vm0, $0xb8;
	[tilespmem:$0x10800] =	vst v63  }
0x2e: {  	v3 =	vld [tilespmem:$0x10];
	_ =	sdelay $0x4  }
0x2f: {  	v57 =	vshll.u32 v3, $0x2  }
0x30: {  	v3 =	vand.u32 $0x7, v3;
	v4 =	vand.u32 $0xFFFFFFE0, v57  }
0x31: {  	v3 =	vor.u32 v3, v4  }
0x32: {  	v4 =	vperm.xlane v3, v0;
	_ =	sdelay $0x1  }
0x33: {  	v4 =	vadd.s32 v1, v4;
	_ =	sdelay $0x1  }
0x34: {  	v3 =	vperm.xlane v3, v2;
	_ =	sdelay $0x1  }
0x35: {  	s30 =	simm.s32 $0x2800;
	v3 =	vadd.s32 v1, v3  }
0x36: {  	[tilespmem:s30], [sflag:$0x1] =	stream.indirect_vreg.gather [hbm4b:s1+s3], $0x80, v4, vm0, $0xb8;
	[tilespmem:$0x10800] =	vst v63  }
0x37: {  	s31 =	simm.s32 $0x3000  }
0x38: {  	[tilespmem:s31], [sflag:$0x1] =	stream.indirect_vreg.gather [hbm4b:s5+s3], $0x80, v4, vm0, $0xb8;
	[tilespmem:$0x10800] =	vst v63  }
0x39: {  	s2 =	simm.s32 $0x3800  }
0x3a: {  	[tilespmem:s2], [sflag:$0x1] =	stream.indirect_vreg.gather [hbm4b:s1+s3], $0x80, v3, vm0, $0xb8;
	[tilespmem:$0x10800] =	vst v63  }
0x3b: {  	s4 =	simm.s32 $0x4000  }
0x3c: {  	[tilespmem:s4], [sflag:$0x1] =	stream.indirect_vreg.gather [hbm4b:s5+s3], $0x80, v3, vm0, $0xb8;
	[tilespmem:$0x10800] =	vst v63  }
0x3d: {  	v3 =	vld [tilespmem:$0x20];
	_ =	sdelay $0x4  }
0x3e: {  	v58 =	vshll.u32 v3, $0x2  }
0x3f: {  	v3 =	vand.u32 $0x7, v3;
	v4 =	vand.u32 $0xFFFFFFE0, v58  }
0x40: {  	v3 =	vor.u32 v3, v4  }
0x41: {  	v4 =	vperm.xlane v3, v0;
	_ =	sdelay $0x1  }
0x42: {  	v4 =	vadd.s32 v1, v4;
	_ =	sdelay $0x1  }
0x43: {  	v3 =	vperm.xlane v3, v2;
	_ =	sdelay $0x1  }
0x44: {  	s6 =	simm.s32 $0x4800;
	v3 =	vadd.s32 v1, v3  }
0x45: {  	[tilespmem:s6], [sflag:$0x1] =	stream.indirect_vreg.gather [hbm4b:s1+s3], $0x80, v4, vm0, $0xb8;
	[tilespmem:$0x10800] =	vst v63  }
0x46: {  	s7 =	simm.s32 $0x5000  }
0x47: {  	[tilespmem:s7], [sflag:$0x1] =	stream.indirect_vreg.gather [hbm4b:s5+s3], $0x80, v4, vm0, $0xb8;
	[tilespmem:$0x10800] =	vst v63  }
0x48: {  	s9 =	simm.s32 $0x5800  }
0x49: {  	[tilespmem:s9], [sflag:$0x1] =	stream.indirect_vreg.gather [hbm4b:s1+s3], $0x80, v3, vm0, $0xb8;
	[tilespmem:$0x10800] =	vst v63  }
0x4a: {  	s10 =	simm.s32 $0x6000  }
0x4b: {  	[tilespmem:s10], [sflag:$0x1] =	stream.indirect_vreg.gather [hbm4b:s5+s3], $0x80, v3, vm0, $0xb8;
	[tilespmem:$0x10800] =	vst v63  }
0x4c: {  	v3 =	vld [tilespmem:$0x30];
	_ =	sdelay $0x4  }
0x4d: {  	v59 =	vshll.u32 v3, $0x2  }
0x4e: {  	v3 =	vand.u32 $0x7, v3;
	v4 =	vand.u32 $0xFFFFFFE0, v59  }
0x4f: {  	v3 =	vor.u32 v3, v4  }
0x50: {  	v4 =	vperm.xlane v3, v0;
	_ =	sdelay $0x1  }
0x51: {  	v4 =	vadd.s32 v1, v4;
	_ =	sdelay $0x1  }
0x52: {  	v3 =	vperm.xlane v3, v2;
	_ =	sdelay $0x1  }
0x53: {  	s12 =	simm.s32 $0x6800;
	v3 =	vadd.s32 v1, v3  }
0x54: {  	[tilespmem:s12], [sflag:$0x1] =	stream.indirect_vreg.gather [hbm4b:s1+s3], $0x80, v4, vm0, $0xb8;
	[tilespmem:$0x10800] =	vst v63  }
0x55: {  	s14 =	simm.s32 $0x7000  }
0x56: {  	[tilespmem:s14], [sflag:$0x1] =	stream.indirect_vreg.gather [hbm4b:s5+s3], $0x80, v4, vm0, $0xb8;
	[tilespmem:$0x10800] =	vst v63  }
0x57: {  	s18 =	simm.s32 $0x7800  }
0x58: {  	[tilespmem:s18], [sflag:$0x1] =	stream.indirect_vreg.gather [hbm4b:s1+s3], $0x80, v3, vm0, $0xb8;
	[tilespmem:$0x10800] =	vst v63  }
0x59: {  	s19 =	simm.s32 $0x8000  }
0x5a: {  	[tilespmem:s19], [sflag:$0x1] =	stream.indirect_vreg.gather [hbm4b:s5+s3], $0x80, v3, vm0, $0xb8;
	[tilespmem:$0x10800] =	vst v63  }
0x5b: {  	_ =	swait.ge [sflag:s24], $0x8000  }
0x5c: {  	[sflag:s24] =	ssyncset.done $0x0  }
0x5d: {  	s20 =	rddreg [dreg:$0x14];
	[sflag:s24] =	ssyncadd.s32 $0xFFFF8000  }
0x5e: {  	[hbm4b:s20+s3] =	stream.linear.scatter [tilespmem:s8], [sflag:$0x3], $0x8000, $0x38;
	[tilespmem:$0x10800] =	vst v63  }
0x5f: {  	v3 =	vld [tilespmem:$0x80];
	_ =	sdelay $0x4  }
0x60: {  	v60 =	vshll.u32 v3, $0x2  }
0x61: {  	v3 =	vand.u32 $0x7, v3;
	v4 =	vand.u32 $0xFFFFFFE0, v60  }
0x62: {  	v3 =	vor.u32 v3, v4  }
0x63: {  	v4 =	vperm.xlane v3, v0;
	_ =	sdelay $0x1  }
0x64: {  	v4 =	vadd.s32 v1, v4;
	_ =	sdelay $0x1  }
0x65: {  	v3 =	vperm.xlane v3, v2;
	_ =	sdelay $0x1  }
0x66: {  	v3 =	vadd.s32 v1, v3  }
0x67: {  	[tilespmem:s25], [sflag:$0x2] =	stream.indirect_vreg.gather [hbm4b:s1+s3], $0x80, v4, vm0, $0xb8;
	[tilespmem:$0x10800] =	vst v63  }
0x68: {  	s21 =	simm.s32 $0x9000  }
0x69: {  	[tilespmem:s21], [sflag:$0x2] =	stream.indirect_vreg.gather [hbm4b:s5+s3], $0x80, v4, vm0, $0xb8;
	[tilespmem:$0x10800] =	vst v63  }
0x6a: {  	s31 =	simm.s32 $0x9800  }
0x6b: {  	[tilespmem:s31], [sflag:$0x2] =	stream.indirect_vreg.gather [hbm4b:s1+s3], $0x80, v3, vm0, $0xb8;
	[tilespmem:$0x10800] =	vst v63  }
0x6c: {  	s2 =	simm.s32 $0xA000  }
0x6d: {  	[tilespmem:s2], [sflag:$0x2] =	stream.indirect_vreg.gather [hbm4b:s5+s3], $0x80, v3, vm0, $0xb8;
	[tilespmem:$0x10800] =	vst v63  }
0x6e: {  	v3 =	vld [tilespmem:$0x90];
	_ =	sdelay $0x4  }
0x6f: {  	v61 =	vshll.u32 v3, $0x2  }
0x70: {  	v3 =	vand.u32 $0x7, v3;
	v4 =	vand.u32 $0xFFFFFFE0, v61  }
0x71: {  	v3 =	vor.u32 v3, v4  }
0x72: {  	v4 =	vperm.xlane v3, v0;
	_ =	sdelay $0x1  }
0x73: {  	v4 =	vadd.s32 v1, v4;
	_ =	sdelay $0x1  }
0x74: {  	v3 =	vperm.xlane v3, v2;
	_ =	sdelay $0x1  }
0x75: {  	s4 =	simm.s32 $0xA800;
	v3 =	vadd.s32 v1, v3  }
0x76: {  	[tilespmem:s4], [sflag:$0x2] =	stream.indirect_vreg.gather [hbm4b:s1+s3], $0x80, v4, vm0, $0xb8;
	[tilespmem:$0x10800] =	vst v63  }
0x77: {  	s6 =	simm.s32 $0xB000  }
0x78: {  	[tilespmem:s6], [sflag:$0x2] =	stream.indirect_vreg.gather [hbm4b:s5+s3], $0x80, v4, vm0, $0xb8;
	[tilespmem:$0x10800] =	vst v63  }
0x79: {  	s7 =	simm.s32 $0xB800  }
0x7a: {  	[tilespmem:s7], [sflag:$0x2] =	stream.indirect_vreg.gather [hbm4b:s1+s3], $0x80, v3, vm0, $0xb8;
	[tilespmem:$0x10800] =	vst v63  }
0x7b: {  	s9 =	simm.s32 $0xC000  }
0x7c: {  	[tilespmem:s9], [sflag:$0x2] =	stream.indirect_vreg.gather [hbm4b:s5+s3], $0x80, v3, vm0, $0xb8;
	[tilespmem:$0x10800] =	vst v63  }
0x7d: {  	v3 =	vld [tilespmem:$0xA0];
	_ =	sdelay $0x4  }
0x7e: {  	v62 =	vshll.u32 v3, $0x2  }
0x7f: {  	v3 =	vand.u32 $0x7, v3;
	v4 =	vand.u32 $0xFFFFFFE0, v62  }
0x80: {  	v3 =	vor.u32 v3, v4  }
0x81: {  	v4 =	vperm.xlane v3, v0;
	_ =	sdelay $0x1  }
0x82: {  	v4 =	vadd.s32 v1, v4;
	_ =	sdelay $0x1  }
0x83: {  	v3 =	vperm.xlane v3, v2;
	_ =	sdelay $0x1  }
0x84: {  	s10 =	simm.s32 $0xC800;
	v3 =	vadd.s32 v1, v3  }
0x85: {  	[tilespmem:s10], [sflag:$0x2] =	stream.indirect_vreg.gather [hbm4b:s1+s3], $0x80, v4, vm0, $0xb8;
	[tilespmem:$0x10800] =	vst v63  }
0x86: {  	s20 =	simm.s32 $0xD000  }
0x87: {  	[tilespmem:s20], [sflag:$0x2] =	stream.indirect_vreg.gather [hbm4b:s5+s3], $0x80, v4, vm0, $0xb8;
	[tilespmem:$0x10800] =	vst v63  }
0x88: {  	s21 =	simm.s32 $0xD800  }
0x89: {  	[tilespmem:s21], [sflag:$0x2] =	stream.indirect_vreg.gather [hbm4b:s1+s3], $0x80, v3, vm0, $0xb8;
	[tilespmem:$0x10800] =	vst v63  }
0x8a: {  	s31 =	simm.s32 $0xE000  }
0x8b: {  	[tilespmem:s31], [sflag:$0x2] =	stream.indirect_vreg.gather [hbm4b:s5+s3], $0x80, v3, vm0, $0xb8;
	[tilespmem:$0x10800] =	vst v63  }
0x8c: {  	v3 =	vld [tilespmem:$0xB0];
	_ =	sdelay $0x4  }
0x8d: {  	v63 =	vshll.u32 v3, $0x2  }
0x8e: {  	v3 =	vand.u32 $0x7, v3;
	v4 =	vand.u32 $0xFFFFFFE0, v63  }
0x8f: {  	v3 =	vor.u32 v3, v4  }
0x90: {  	v4 =	vperm.xlane v3, v0;
	_ =	sdelay $0x1  }
0x91: {  	v4 =	vadd.s32 v1, v4;
	_ =	sdelay $0x1  }
0x92: {  	v3 =	vperm.xlane v3, v2;
	_ =	sdelay $0x1  }
0x93: {  	s7 =	simm.s32 $0xE800;
	v3 =	vadd.s32 v1, v3  }
0x94: {  	[tilespmem:s7], [sflag:$0x2] =	stream.indirect_vreg.gather [hbm4b:s1+s3], $0x80, v4, vm0, $0xb8;
	[tilespmem:$0x10800] =	vst v63  }
0x95: {  	s9 =	simm.s32 $0xF000  }
0x96: {  	[tilespmem:s9], [sflag:$0x2] =	stream.indirect_vreg.gather [hbm4b:s5+s3], $0x80, v4, vm0, $0xb8;
	[tilespmem:$0x10800] =	vst v63  }
0x97: {  	s10 =	simm.s32 $0xF800  }
0x98: {  	[tilespmem:s10], [sflag:$0x2] =	stream.indirect_vreg.gather [hbm4b:s1+s3], $0x80, v3, vm0, $0xb8;
	[tilespmem:$0x10800] =	vst v63  }
0x99: {  	s21 =	simm.s32 $0x10000  }
0x9a: {  	[tilespmem:s21], [sflag:$0x2] =	stream.indirect_vreg.gather [hbm4b:s5+s3], $0x80, v3, vm0, $0xb8;
	[tilespmem:$0x10800] =	vst v63  }
0x9b: {  	_ =	swait.ge [sflag:s15], $0x8000  }
0x9c: {  	[sflag:s15] =	ssyncset.done $0x0  }
0x9d: {  	s31 =	rddreg [dreg:$0x5];
	[sflag:s15] =	ssyncadd.s32 $0xFFFF8000  }
0x9e: {  	[hbm4b:s31+s3] =	stream.linear.scatter [tilespmem:s25], [sflag:$0x4], $0x8000, $0x38;
	[tilespmem:$0x10800] =	vst v63  }
0x9f: {  	_ =	swait.ge [sflag:s16], $0x8000  }
0xa0: {  	[sflag:s16] =	ssyncset.done $0x0  }
0xa1: {  	[sflag:s16] =	ssyncadd.s32 $0xFFFF8000  }
0xa2: {  	v3 =	vld [tilespmem:$0x100];
	_ =	sdelay $0x4  }
0xa3: {  	v8 =	vshll.u32 v3, $0x2  }
0xa4: {  	v3 =	vand.u32 $0x7, v3;
	v4 =	vand.u32 $0xFFFFFFE0, v8  }
0xa5: {  	v3 =	vor.u32 v3, v4  }
0xa6: {  	v4 =	vperm.xlane v3, v0;
	_ =	sdelay $0x1  }
0xa7: {  	v4 =	vadd.s32 v1, v4;
	_ =	sdelay $0x1  }
0xa8: {  	v3 =	vperm.xlane v3, v2;
	_ =	sdelay $0x1  }
0xa9: {  	v3 =	vadd.s32 v1, v3  }
0xaa: {  	[tilespmem:s8], [sflag:$0x1] =	stream.indirect_vreg.gather [hbm4b:s1+s3], $0x80, v4, vm0, $0xb8;
	[tilespmem:$0x10800] =	vst v63  }
0xab: {  	s11 =	simm.s32 $0x1000  }
0xac: {  	[tilespmem:s11], [sflag:$0x1] =	stream.indirect_vreg.gather [hbm4b:s5+s3], $0x80, v4, vm0, $0xb8;
	[tilespmem:$0x10800] =	vst v63  }
0xad: {  	s13 =	simm.s32 $0x1800  }
0xae: {  	[tilespmem:s13], [sflag:$0x1] =	stream.indirect_vreg.gather [hbm4b:s1+s3], $0x80, v3, vm0, $0xb8;
	[tilespmem:$0x10800] =	vst v63  }
0xaf: {  	s22 =	simm.s32 $0x2000  }
0xb0: {  	[tilespmem:s22], [sflag:$0x1] =	stream.indirect_vreg.gather [hbm4b:s5+s3], $0x80, v3, vm0, $0xb8;
	[tilespmem:$0x10800] =	vst v63  }
0xb1: {  	v3 =	vld [tilespmem:$0x110];
	_ =	sdelay $0x4  }
0xb2: {  	v9 =	vshll.u32 v3, $0x2  }
0xb3: {  	v3 =	vand.u32 $0x7, v3;
	v4 =	vand.u32 $0xFFFFFFE0, v9  }
0xb4: {  	v3 =	vor.u32 v3, v4  }
0xb5: {  	v4 =	vperm.xlane v3, v0;
	_ =	sdelay $0x1  }
0xb6: {  	v4 =	vadd.s32 v1, v4;
	_ =	sdelay $0x1  }
0xb7: {  	v3 =	vperm.xlane v3, v2;
	_ =	sdelay $0x1  }
0xb8: {  	s22 =	simm.s32 $0x2800;
	v3 =	vadd.s32 v1, v3  }
0xb9: {  	[tilespmem:s22], [sflag:$0x1] =	stream.indirect_vreg.gather [hbm4b:s1+s3], $0x80, v4, vm0, $0xb8;
	[tilespmem:$0x10800] =	vst v63  }
0xba: {  	s23 =	simm.s32 $0x3000  }
0xbb: {  	[tilespmem:s23], [sflag:$0x1] =	stream.indirect_vreg.gather [hbm4b:s5+s3], $0x80, v4, vm0, $0xb8;
	[tilespmem:$0x10800] =	vst v63  }
0xbc: {  	s26 =	simm.s32 $0x3800  }
0xbd: {  	[tilespmem:s26], [sflag:$0x1] =	stream.indirect_vreg.gather [hbm4b:s1+s3], $0x80, v3, vm0, $0xb8;
	[tilespmem:$0x10800] =	vst v63  }
0xbe: {  	s31 =	simm.s32 $0x4000  }
0xbf: {  	[tilespmem:s31], [sflag:$0x1] =	stream.indirect_vreg.gather [hbm4b:s5+s3], $0x80, v3, vm0, $0xb8;
	[tilespmem:$0x10800] =	vst v63  }
0xc0: {  	v3 =	vld [tilespmem:$0x120];
	_ =	sdelay $0x4  }
0xc1: {  	v10 =	vshll.u32 v3, $0x2  }
0xc2: {  	v3 =	vand.u32 $0x7, v3;
	v4 =	vand.u32 $0xFFFFFFE0, v10  }
0xc3: {  	v3 =	vor.u32 v3, v4  }
0xc4: {  	v4 =	vperm.xlane v3, v0;
	_ =	sdelay $0x1  }
0xc5: {  	v4 =	vadd.s32 v1, v4;
	_ =	sdelay $0x1  }
0xc6: {  	v3 =	vperm.xlane v3, v2;
	_ =	sdelay $0x1  }
0xc7: {  	s28 =	simm.s32 $0x4800;
	v3 =	vadd.s32 v1, v3  }
0xc8: {  	[tilespmem:s28], [sflag:$0x1] =	stream.indirect_vreg.gather [hbm4b:s1+s3], $0x80, v4, vm0, $0xb8;
	[tilespmem:$0x10800] =	vst v63  }
0xc9: {  	s29 =	simm.s32 $0x5000  }
0xca: {  	[tilespmem:s29], [sflag:$0x1] =	stream.indirect_vreg.gather [hbm4b:s5+s3], $0x80, v4, vm0, $0xb8;
	[tilespmem:$0x10800] =	vst v63  }
0xcb: {  	s30 =	simm.s32 $0x5800  }
0xcc: {  	[tilespmem:s30], [sflag:$0x1] =	stream.indirect_vreg.gather [hbm4b:s1+s3], $0x80, v3, vm0, $0xb8;
	[tilespmem:$0x10800] =	vst v63  }
0xcd: {  	s29 =	simm.s32 $0x6000  }
0xce: {  	[tilespmem:s29], [sflag:$0x1] =	stream.indirect_vreg.gather [hbm4b:s5+s3], $0x80, v3, vm0, $0xb8;
	[tilespmem:$0x10800] =	vst v63  }
0xcf: {  	v3 =	vld [tilespmem:$0x130];
	_ =	sdelay $0x4  }
0xd0: {  	v11 =	vshll.u32 v3, $0x2  }
0xd1: {  	v3 =	vand.u32 $0x7, v3;
	v4 =	vand.u32 $0xFFFFFFE0, v11  }
0xd2: {  	v3 =	vor.u32 v3, v4  }
0xd3: {  	v4 =	vperm.xlane v3, v0;
	_ =	sdelay $0x1  }
0xd4: {  	v4 =	vadd.s32 v1, v4;
	_ =	sdelay $0x1  }
0xd5: {  	v3 =	vperm.xlane v3, v2;
	_ =	sdelay $0x1  }
0xd6: {  	s23 =	simm.s32 $0x6800;
	v3 =	vadd.s32 v1, v3  }
0xd7: {  	[tilespmem:s23], [sflag:$0x1] =	stream.indirect_vreg.gather [hbm4b:s1+s3], $0x80, v4, vm0, $0xb8;
	[tilespmem:$0x10800] =	vst v63  }
0xd8: {  	s26 =	simm.s32 $0x7000  }
0xd9: {  	[tilespmem:s26], [sflag:$0x1] =	stream.indirect_vreg.gather [hbm4b:s5+s3], $0x80, v4, vm0, $0xb8;
	[tilespmem:$0x10800] =	vst v63  }
0xda: {  	s28 =	simm.s32 $0x7800  }
0xdb: {  	[tilespmem:s28], [sflag:$0x1] =	stream.indirect_vreg.gather [hbm4b:s1+s3], $0x80, v3, vm0, $0xb8;
	[tilespmem:$0x10800] =	vst v63  }
0xdc: {  	s30 =	simm.s32 $0x8000  }
0xdd: {  	[tilespmem:s30], [sflag:$0x1] =	stream.indirect_vreg.gather [hbm4b:s5+s3], $0x80, v3, vm0, $0xb8;
	[tilespmem:$0x10800] =	vst v63  }
0xde: {  	_ =	swait.ge [sflag:s24], $0x8000  }
0xdf: {  	[sflag:s24] =	ssyncset.done $0x0  }
0xe0: {  	s13 =	rddreg [dreg:$0x6];
	[sflag:s24] =	ssyncadd.s32 $0xFFFF8000  }
0xe1: {  	[hbm4b:s13+s3] =	stream.linear.scatter [tilespmem:s8], [sflag:$0x3], $0x8000, $0x38;
	[tilespmem:$0x10800] =	vst v63  }
0xe2: {  	_ =	swait.ge [sflag:s17], $0x8000  }
0xe3: {  	[sflag:s17] =	ssyncset.done $0x0  }
0xe4: {  	[sflag:s17] =	ssyncadd.s32 $0xFFFF8000  }
0xe5: {  	v3 =	vld [tilespmem:$0x180];
	_ =	sdelay $0x4  }
0xe6: {  	v12 =	vshll.u32 v3, $0x2  }
0xe7: {  	v3 =	vand.u32 $0x7, v3;
	v4 =	vand.u32 $0xFFFFFFE0, v12  }
0xe8: {  	v3 =	vor.u32 v3, v4  }
0xe9: {  	v4 =	vperm.xlane v3, v0;
	_ =	sdelay $0x1  }
0xea: {  	v4 =	vadd.s32 v1, v4;
	_ =	sdelay $0x1  }
0xeb: {  	v3 =	vperm.xlane v3, v2;
	_ =	sdelay $0x1  }
0xec: {  	v3 =	vadd.s32 v1, v3  }
0xed: {  	[tilespmem:s25], [sflag:$0x2] =	stream.indirect_vreg.gather [hbm4b:s1+s3], $0x80, v4, vm0, $0xb8;
	[tilespmem:$0x10800] =	vst v63  }
0xee: {  	s13 =	simm.s32 $0x9000  }
0xef: {  	[tilespmem:s13], [sflag:$0x2] =	stream.indirect_vreg.gather [hbm4b:s5+s3], $0x80, v4, vm0, $0xb8;
	[tilespmem:$0x10800] =	vst v63  }
0xf0: {  	s11 =	simm.s32 $0x9800  }
0xf1: {  	[tilespmem:s11], [sflag:$0x2] =	stream.indirect_vreg.gather [hbm4b:s1+s3], $0x80, v3, vm0, $0xb8;
	[tilespmem:$0x10800] =	vst v63  }
0xf2: {  	s12 =	simm.s32 $0xA000  }
0xf3: {  	[tilespmem:s12], [sflag:$0x2] =	stream.indirect_vreg.gather [hbm4b:s5+s3], $0x80, v3, vm0, $0xb8;
	[tilespmem:$0x10800] =	vst v63  }
0xf4: {  	v3 =	vld [tilespmem:$0x190];
	_ =	sdelay $0x4  }
0xf5: {  	v13 =	vshll.u32 v3, $0x2  }
0xf6: {  	v3 =	vand.u32 $0x7, v3;
	v4 =	vand.u32 $0xFFFFFFE0, v13  }
0xf7: {  	v3 =	vor.u32 v3, v4  }
0xf8: {  	v4 =	vperm.xlane v3, v0;
	_ =	sdelay $0x1  }
0xf9: {  	v4 =	vadd.s32 v1, v4;
	_ =	sdelay $0x1  }
0xfa: {  	v3 =	vperm.xlane v3, v2;
	_ =	sdelay $0x1  }
0xfb: {  	s12 =	simm.s32 $0xA800;
	v3 =	vadd.s32 v1, v3  }
0xfc: {  	[tilespmem:s12], [sflag:$0x2] =	stream.indirect_vreg.gather [hbm4b:s1+s3], $0x80, v4, vm0, $0xb8;
	[tilespmem:$0x10800] =	vst v63  }
0xfd: {  	s14 =	simm.s32 $0xB000  }
0xfe: {  	[tilespmem:s14], [sflag:$0x2] =	stream.indirect_vreg.gather [hbm4b:s5+s3], $0x80, v4, vm0, $0xb8;
	[tilespmem:$0x10800] =	vst v63  }
0xff: {  	s0 =	simm.s32 $0xB800  }
0x100: {  	[tilespmem:s0], [sflag:$0x2] =	stream.indirect_vreg.gather [hbm4b:s1+s3], $0x80, v3, vm0, $0xb8;
	[tilespmem:$0x10800] =	vst v63  }
0x101: {  	s19 =	simm.s32 $0xC000  }
0x102: {  	[tilespmem:s19], [sflag:$0x2] =	stream.indirect_vreg.gather [hbm4b:s5+s3], $0x80, v3, vm0, $0xb8;
	[tilespmem:$0x10800] =	vst v63  }
0x103: {  	v3 =	vld [tilespmem:$0x1A0];
	_ =	sdelay $0x4  }
0x104: {  	v14 =	vshll.u32 v3, $0x2  }
0x105: {  	v3 =	vand.u32 $0x7, v3;
	v4 =	vand.u32 $0xFFFFFFE0, v14  }
0x106: {  	v3 =	vor.u32 v3, v4  }
0x107: {  	v4 =	vperm.xlane v3, v0;
	_ =	sdelay $0x1  }
0x108: {  	v4 =	vadd.s32 v1, v4;
	_ =	sdelay $0x1  }
0x109: {  	v3 =	vperm.xlane v3, v2;
	_ =	sdelay $0x1  }
0x10a: {  	s2 =	simm.s32 $0xC800;
	v3 =	vadd.s32 v1, v3  }
0x10b: {  	[tilespmem:s2], [sflag:$0x2] =	stream.indirect_vreg.gather [hbm4b:s1+s3], $0x80, v4, vm0, $0xb8;
	[tilespmem:$0x10800] =	vst v63  }
0x10c: {  	s4 =	simm.s32 $0xD000  }
0x10d: {  	[tilespmem:s4], [sflag:$0x2] =	stream.indirect_vreg.gather [hbm4b:s5+s3], $0x80, v4, vm0, $0xb8;
	[tilespmem:$0x10800] =	vst v63  }
0x10e: {  	s6 =	simm.s32 $0xD800  }
0x10f: {  	[tilespmem:s6], [sflag:$0x2] =	stream.indirect_vreg.gather [hbm4b:s1+s3], $0x80, v3, vm0, $0xb8;
	[tilespmem:$0x10800] =	vst v63  }
0x110: {  	s20 =	simm.s32 $0xE000  }
0x111: {  	[tilespmem:s20], [sflag:$0x2] =	stream.indirect_vreg.gather [hbm4b:s5+s3], $0x80, v3, vm0, $0xb8;
	[tilespmem:$0x10800] =	vst v63  }
0x112: {  	v3 =	vld [tilespmem:$0x1B0];
	_ =	sdelay $0x4  }
0x113: {  	v15 =	vshll.u32 v3, $0x2  }
0x114: {  	v3 =	vand.u32 $0x7, v3;
	v4 =	vand.u32 $0xFFFFFFE0, v15  }
0x115: {  	v3 =	vor.u32 v3, v4  }
0x116: {  	v4 =	vperm.xlane v3, v0;
	_ =	sdelay $0x1  }
0x117: {  	v4 =	vadd.s32 v1, v4;
	_ =	sdelay $0x1  }
0x118: {  	v3 =	vperm.xlane v3, v2;
	_ =	sdelay $0x1  }
0x119: {  	s7 =	simm.s32 $0xE800;
	v3 =	vadd.s32 v1, v3  }
0x11a: {  	[tilespmem:s7], [sflag:$0x2] =	stream.indirect_vreg.gather [hbm4b:s1+s3], $0x80, v4, vm0, $0xb8;
	[tilespmem:$0x10800] =	vst v63  }
0x11b: {  	s9 =	simm.s32 $0xF000  }
0x11c: {  	[tilespmem:s9], [sflag:$0x2] =	stream.indirect_vreg.gather [hbm4b:s5+s3], $0x80, v4, vm0, $0xb8;
	[tilespmem:$0x10800] =	vst v63  }
0x11d: {  	s10 =	simm.s32 $0xF800  }
0x11e: {  	[tilespmem:s10], [sflag:$0x2] =	stream.indirect_vreg.gather [hbm4b:s1+s3], $0x80, v3, vm0, $0xb8;
	[tilespmem:$0x10800] =	vst v63  }
0x11f: {  	s21 =	simm.s32 $0x10000  }
0x120: {  	[tilespmem:s21], [sflag:$0x2] =	stream.indirect_vreg.gather [hbm4b:s5+s3], $0x80, v3, vm0, $0xb8;
	[tilespmem:$0x10800] =	vst v63  }
0x121: {  	_ =	swait.ge [sflag:s15], $0x8000  }
0x122: {  	[sflag:s15] =	ssyncset.done $0x0  }
0x123: {  	s18 =	rddreg [dreg:$0x7];
	[sflag:s15] =	ssyncadd.s32 $0xFFFF8000  }
0x124: {  	[hbm4b:s18+s3] =	stream.linear.scatter [tilespmem:s25], [sflag:$0x4], $0x8000, $0x38;
	[tilespmem:$0x10800] =	vst v63  }
0x125: {  	_ =	swait.ge [sflag:s16], $0x8000  }
0x126: {  	[sflag:s16] =	ssyncset.done $0x0  }
0x127: {  	[sflag:s16] =	ssyncadd.s32 $0xFFFF8000  }
0x128: {  	v3 =	vld [tilespmem:$0x200];
	_ =	sdelay $0x4  }
0x129: {  	v16 =	vshll.u32 v3, $0x2  }
0x12a: {  	v3 =	vand.u32 $0x7, v3;
	v4 =	vand.u32 $0xFFFFFFE0, v16  }
0x12b: {  	v3 =	vor.u32 v3, v4  }
0x12c: {  	v4 =	vperm.xlane v3, v0;
	_ =	sdelay $0x1  }
0x12d: {  	v4 =	vadd.s32 v1, v4;
	_ =	sdelay $0x1  }
0x12e: {  	v3 =	vperm.xlane v3, v2;
	_ =	sdelay $0x1  }
0x12f: {  	v3 =	vadd.s32 v1, v3  }
0x130: {  	[tilespmem:s8], [sflag:$0x1] =	stream.indirect_vreg.gather [hbm4b:s1+s3], $0x80, v4, vm0, $0xb8;
	[tilespmem:$0x10800] =	vst v63  }
0x131: {  	s18 =	simm.s32 $0x1000  }
0x132: {  	[tilespmem:s18], [sflag:$0x1] =	stream.indirect_vreg.gather [hbm4b:s5+s3], $0x80, v4, vm0, $0xb8;
	[tilespmem:$0x10800] =	vst v63  }
0x133: {  	s18 =	simm.s32 $0x1800  }
0x134: {  	[tilespmem:s18], [sflag:$0x1] =	stream.indirect_vreg.gather [hbm4b:s1+s3], $0x80, v3, vm0, $0xb8;
	[tilespmem:$0x10800] =	vst v63  }
0x135: {  	s18 =	simm.s32 $0x2000  }
0x136: {  	[tilespmem:s18], [sflag:$0x1] =	stream.indirect_vreg.gather [hbm4b:s5+s3], $0x80, v3, vm0, $0xb8;
	[tilespmem:$0x10800] =	vst v63  }
0x137: {  	v3 =	vld [tilespmem:$0x210];
	_ =	sdelay $0x4  }
0x138: {  	v17 =	vshll.u32 v3, $0x2  }
0x139: {  	v3 =	vand.u32 $0x7, v3;
	v4 =	vand.u32 $0xFFFFFFE0, v17  }
0x13a: {  	v3 =	vor.u32 v3, v4  }
0x13b: {  	v4 =	vperm.xlane v3, v0;
	_ =	sdelay $0x1  }
0x13c: {  	v4 =	vadd.s32 v1, v4;
	_ =	sdelay $0x1  }
0x13d: {  	v3 =	vperm.xlane v3, v2;
	_ =	sdelay $0x1  }
0x13e: {  	v3 =	vadd.s32 v1, v3  }
0x13f: {  	[tilespmem:s22], [sflag:$0x1] =	stream.indirect_vreg.gather [hbm4b:s1+s3], $0x80, v4, vm0, $0xb8;
	[tilespmem:$0x10800] =	vst v63  }
0x140: {  	s18 =	simm.s32 $0x3000  }
0x141: {  	[tilespmem:s18], [sflag:$0x1] =	stream.indirect_vreg.gather [hbm4b:s5+s3], $0x80, v4, vm0, $0xb8;
	[tilespmem:$0x10800] =	vst v63  }
0x142: {  	s18 =	simm.s32 $0x3800  }
0x143: {  	[tilespmem:s18], [sflag:$0x1] =	stream.indirect_vreg.gather [hbm4b:s1+s3], $0x80, v3, vm0, $0xb8;
	[tilespmem:$0x10800] =	vst v63  }
0x144: {  	_ = 	snop  }
0x145: {  	[tilespmem:s31], [sflag:$0x1] =	stream.indirect_vreg.gather [hbm4b:s5+s3], $0x80, v3, vm0, $0xb8;
	[tilespmem:$0x10800] =	vst v63  }
0x146: {  	v3 =	vld [tilespmem:$0x220];
	_ =	sdelay $0x4  }
0x147: {  	v18 =	vshll.u32 v3, $0x2  }
0x148: {  	v3 =	vand.u32 $0x7, v3;
	v4 =	vand.u32 $0xFFFFFFE0, v18  }
0x149: {  	v3 =	vor.u32 v3, v4  }
0x14a: {  	v4 =	vperm.xlane v3, v0;
	_ =	sdelay $0x1  }
0x14b: {  	v4 =	vadd.s32 v1, v4;
	_ =	sdelay $0x1  }
0x14c: {  	v3 =	vperm.xlane v3, v2;
	_ =	sdelay $0x1  }
0x14d: {  	s31 =	simm.s32 $0x4800;
	v3 =	vadd.s32 v1, v3  }
0x14e: {  	[tilespmem:s31], [sflag:$0x1] =	stream.indirect_vreg.gather [hbm4b:s1+s3], $0x80, v4, vm0, $0xb8;
	[tilespmem:$0x10800] =	vst v63  }
0x14f: {  	s31 =	simm.s32 $0x5000  }
0x150: {  	[tilespmem:s31], [sflag:$0x1] =	stream.indirect_vreg.gather [hbm4b:s5+s3], $0x80, v4, vm0, $0xb8;
	[tilespmem:$0x10800] =	vst v63  }
0x151: {  	s31 =	simm.s32 $0x5800  }
0x152: {  	[tilespmem:s31], [sflag:$0x1] =	stream.indirect_vreg.gather [hbm4b:s1+s3], $0x80, v3, vm0, $0xb8;
	[tilespmem:$0x10800] =	vst v63  }
0x153: {  	_ = 	snop  }
0x154: {  	[tilespmem:s29], [sflag:$0x1] =	stream.indirect_vreg.gather [hbm4b:s5+s3], $0x80, v3, vm0, $0xb8;
	[tilespmem:$0x10800] =	vst v63  }
0x155: {  	v3 =	vld [tilespmem:$0x230];
	_ =	sdelay $0x4  }
0x156: {  	v19 =	vshll.u32 v3, $0x2  }
0x157: {  	v3 =	vand.u32 $0x7, v3;
	v4 =	vand.u32 $0xFFFFFFE0, v19  }
0x158: {  	v3 =	vor.u32 v3, v4  }
0x159: {  	v4 =	vperm.xlane v3, v0;
	_ =	sdelay $0x1  }
0x15a: {  	v4 =	vadd.s32 v1, v4;
	_ =	sdelay $0x1  }
0x15b: {  	v3 =	vperm.xlane v3, v2;
	_ =	sdelay $0x1  }
0x15c: {  	v3 =	vadd.s32 v1, v3  }
0x15d: {  	[tilespmem:s23], [sflag:$0x1] =	stream.indirect_vreg.gather [hbm4b:s1+s3], $0x80, v4, vm0, $0xb8;
	[tilespmem:$0x10800] =	vst v63  }
0x15e: {  	_ = 	snop  }
0x15f: {  	[tilespmem:s26], [sflag:$0x1] =	stream.indirect_vreg.gather [hbm4b:s5+s3], $0x80, v4, vm0, $0xb8;
	[tilespmem:$0x10800] =	vst v63  }
0x160: {  	_ = 	snop  }
0x161: {  	[tilespmem:s28], [sflag:$0x1] =	stream.indirect_vreg.gather [hbm4b:s1+s3], $0x80, v3, vm0, $0xb8;
	[tilespmem:$0x10800] =	vst v63  }
0x162: {  	_ = 	snop  }
0x163: {  	[tilespmem:s30], [sflag:$0x1] =	stream.indirect_vreg.gather [hbm4b:s5+s3], $0x80, v3, vm0, $0xb8;
	[tilespmem:$0x10800] =	vst v63  }
0x164: {  	_ =	swait.ge [sflag:s24], $0x8000  }
0x165: {  	[sflag:s24] =	ssyncset.done $0x0  }
0x166: {  	s30 =	rddreg [dreg:$0x8];
	[sflag:s24] =	ssyncadd.s32 $0xFFFF8000  }
0x167: {  	[hbm4b:s30+s3] =	stream.linear.scatter [tilespmem:s8], [sflag:$0x3], $0x8000, $0x38;
	[tilespmem:$0x10800] =	vst v63  }
0x168: {  	_ =	swait.ge [sflag:s17], $0x8000  }
0x169: {  	[sflag:s17] =	ssyncset.done $0x0  }
0x16a: {  	[sflag:s17] =	ssyncadd.s32 $0xFFFF8000  }
0x16b: {  	v3 =	vld [tilespmem:$0x280];
	_ =	sdelay $0x4  }
0x16c: {  	v20 =	vshll.u32 v3, $0x2  }
0x16d: {  	v3 =	vand.u32 $0x7, v3;
	v4 =	vand.u32 $0xFFFFFFE0, v20  }
0x16e: {  	v3 =	vor.u32 v3, v4  }
0x16f: {  	v4 =	vperm.xlane v3, v0;
	_ =	sdelay $0x1  }
0x170: {  	v4 =	vadd.s32 v1, v4;
	_ =	sdelay $0x1  }
0x171: {  	v3 =	vperm.xlane v3, v2;
	_ =	sdelay $0x1  }
0x172: {  	v3 =	vadd.s32 v1, v3  }
0x173: {  	[tilespmem:s25], [sflag:$0x2] =	stream.indirect_vreg.gather [hbm4b:s1+s3], $0x80, v4, vm0, $0xb8;
	[tilespmem:$0x10800] =	vst v63  }
0x174: {  	_ = 	snop  }
0x175: {  	[tilespmem:s13], [sflag:$0x2] =	stream.indirect_vreg.gather [hbm4b:s5+s3], $0x80, v4, vm0, $0xb8;
	[tilespmem:$0x10800] =	vst v63  }
0x176: {  	_ = 	snop  }
0x177: {  	[tilespmem:s11], [sflag:$0x2] =	stream.indirect_vreg.gather [hbm4b:s1+s3], $0x80, v3, vm0, $0xb8;
	[tilespmem:$0x10800] =	vst v63  }
0x178: {  	s30 =	simm.s32 $0xA000  }
0x179: {  	[tilespmem:s30], [sflag:$0x2] =	stream.indirect_vreg.gather [hbm4b:s5+s3], $0x80, v3, vm0, $0xb8;
	[tilespmem:$0x10800] =	vst v63  }
0x17a: {  	v3 =	vld [tilespmem:$0x290];
	_ =	sdelay $0x4  }
0x17b: {  	v21 =	vshll.u32 v3, $0x2  }
0x17c: {  	v3 =	vand.u32 $0x7, v3;
	v4 =	vand.u32 $0xFFFFFFE0, v21  }
0x17d: {  	v3 =	vor.u32 v3, v4  }
0x17e: {  	v4 =	vperm.xlane v3, v0;
	_ =	sdelay $0x1  }
0x17f: {  	v4 =	vadd.s32 v1, v4;
	_ =	sdelay $0x1  }
0x180: {  	v3 =	vperm.xlane v3, v2;
	_ =	sdelay $0x1  }
0x181: {  	v3 =	vadd.s32 v1, v3  }
0x182: {  	[tilespmem:s12], [sflag:$0x2] =	stream.indirect_vreg.gather [hbm4b:s1+s3], $0x80, v4, vm0, $0xb8;
	[tilespmem:$0x10800] =	vst v63  }
0x183: {  	s14 =	simm.s32 $0xB000  }
0x184: {  	[tilespmem:s14], [sflag:$0x2] =	stream.indirect_vreg.gather [hbm4b:s5+s3], $0x80, v4, vm0, $0xb8;
	[tilespmem:$0x10800] =	vst v63  }
0x185: {  	s0 =	simm.s32 $0xB800  }
0x186: {  	[tilespmem:s0], [sflag:$0x2] =	stream.indirect_vreg.gather [hbm4b:s1+s3], $0x80, v3, vm0, $0xb8;
	[tilespmem:$0x10800] =	vst v63  }
0x187: {  	s19 =	simm.s32 $0xC000  }
0x188: {  	[tilespmem:s19], [sflag:$0x2] =	stream.indirect_vreg.gather [hbm4b:s5+s3], $0x80, v3, vm0, $0xb8;
	[tilespmem:$0x10800] =	vst v63  }
0x189: {  	v3 =	vld [tilespmem:$0x2A0];
	_ =	sdelay $0x4  }
0x18a: {  	v22 =	vshll.u32 v3, $0x2  }
0x18b: {  	v3 =	vand.u32 $0x7, v3;
	v4 =	vand.u32 $0xFFFFFFE0, v22  }
0x18c: {  	v3 =	vor.u32 v3, v4  }
0x18d: {  	v4 =	vperm.xlane v3, v0;
	_ =	sdelay $0x1  }
0x18e: {  	v4 =	vadd.s32 v1, v4;
	_ =	sdelay $0x1  }
0x18f: {  	v3 =	vperm.xlane v3, v2;
	_ =	sdelay $0x1  }
0x190: {  	s2 =	simm.s32 $0xC800;
	v3 =	vadd.s32 v1, v3  }
0x191: {  	[tilespmem:s2], [sflag:$0x2] =	stream.indirect_vreg.gather [hbm4b:s1+s3], $0x80, v4, vm0, $0xb8;
	[tilespmem:$0x10800] =	vst v63  }
0x192: {  	s4 =	simm.s32 $0xD000  }
0x193: {  	[tilespmem:s4], [sflag:$0x2] =	stream.indirect_vreg.gather [hbm4b:s5+s3], $0x80, v4, vm0, $0xb8;
	[tilespmem:$0x10800] =	vst v63  }
0x194: {  	s6 =	simm.s32 $0xD800  }
0x195: {  	[tilespmem:s6], [sflag:$0x2] =	stream.indirect_vreg.gather [hbm4b:s1+s3], $0x80, v3, vm0, $0xb8;
	[tilespmem:$0x10800] =	vst v63  }
0x196: {  	s20 =	simm.s32 $0xE000  }
0x197: {  	[tilespmem:s20], [sflag:$0x2] =	stream.indirect_vreg.gather [hbm4b:s5+s3], $0x80, v3, vm0, $0xb8;
	[tilespmem:$0x10800] =	vst v63  }
0x198: {  	v3 =	vld [tilespmem:$0x2B0];
	_ =	sdelay $0x4  }
0x199: {  	v23 =	vshll.u32 v3, $0x2  }
0x19a: {  	v3 =	vand.u32 $0x7, v3;
	v4 =	vand.u32 $0xFFFFFFE0, v23  }
0x19b: {  	v3 =	vor.u32 v3, v4  }
0x19c: {  	v4 =	vperm.xlane v3, v0;
	_ =	sdelay $0x1  }
0x19d: {  	v4 =	vadd.s32 v1, v4;
	_ =	sdelay $0x1  }
0x19e: {  	v3 =	vperm.xlane v3, v2;
	_ =	sdelay $0x1  }
0x19f: {  	s7 =	simm.s32 $0xE800;
	v3 =	vadd.s32 v1, v3  }
0x1a0: {  	[tilespmem:s7], [sflag:$0x2] =	stream.indirect_vreg.gather [hbm4b:s1+s3], $0x80, v4, vm0, $0xb8;
	[tilespmem:$0x10800] =	vst v63  }
0x1a1: {  	s9 =	simm.s32 $0xF000  }
0x1a2: {  	[tilespmem:s9], [sflag:$0x2] =	stream.indirect_vreg.gather [hbm4b:s5+s3], $0x80, v4, vm0, $0xb8;
	[tilespmem:$0x10800] =	vst v63  }
0x1a3: {  	s10 =	simm.s32 $0xF800  }
0x1a4: {  	[tilespmem:s10], [sflag:$0x2] =	stream.indirect_vreg.gather [hbm4b:s1+s3], $0x80, v3, vm0, $0xb8;
	[tilespmem:$0x10800] =	vst v63  }
0x1a5: {  	s21 =	simm.s32 $0x10000  }
0x1a6: {  	[tilespmem:s21], [sflag:$0x2] =	stream.indirect_vreg.gather [hbm4b:s5+s3], $0x80, v3, vm0, $0xb8;
	[tilespmem:$0x10800] =	vst v63  }
0x1a7: {  	_ =	swait.ge [sflag:s15], $0x8000  }
0x1a8: {  	[sflag:s15] =	ssyncset.done $0x0  }
0x1a9: {  	s21 =	rddreg [dreg:$0x9];
	[sflag:s15] =	ssyncadd.s32 $0xFFFF8000  }
0x1aa: {  	[hbm4b:s21+s3] =	stream.linear.scatter [tilespmem:s25], [sflag:$0x4], $0x8000, $0x38;
	[tilespmem:$0x10800] =	vst v63  }
0x1ab: {  	_ =	swait.ge [sflag:s16], $0x8000  }
0x1ac: {  	[sflag:s16] =	ssyncset.done $0x0  }
0x1ad: {  	[sflag:s16] =	ssyncadd.s32 $0xFFFF8000  }
0x1ae: {  	v3 =	vld [tilespmem:$0x300];
	_ =	sdelay $0x4  }
0x1af: {  	v24 =	vshll.u32 v3, $0x2  }
0x1b0: {  	v3 =	vand.u32 $0x7, v3;
	v4 =	vand.u32 $0xFFFFFFE0, v24  }
0x1b1: {  	v3 =	vor.u32 v3, v4  }
0x1b2: {  	v4 =	vperm.xlane v3, v0;
	_ =	sdelay $0x1  }
0x1b3: {  	v4 =	vadd.s32 v1, v4;
	_ =	sdelay $0x1  }
0x1b4: {  	v3 =	vperm.xlane v3, v2;
	_ =	sdelay $0x1  }
0x1b5: {  	v3 =	vadd.s32 v1, v3  }
0x1b6: {  	[tilespmem:s8], [sflag:$0x1] =	stream.indirect_vreg.gather [hbm4b:s1+s3], $0x80, v4, vm0, $0xb8;
	[tilespmem:$0x10800] =	vst v63  }
0x1b7: {  	s21 =	simm.s32 $0x1000  }
0x1b8: {  	[tilespmem:s21], [sflag:$0x1] =	stream.indirect_vreg.gather [hbm4b:s5+s3], $0x80, v4, vm0, $0xb8;
	[tilespmem:$0x10800] =	vst v63  }
0x1b9: {  	s21 =	simm.s32 $0x1800  }
0x1ba: {  	[tilespmem:s21], [sflag:$0x1] =	stream.indirect_vreg.gather [hbm4b:s1+s3], $0x80, v3, vm0, $0xb8;
	[tilespmem:$0x10800] =	vst v63  }
0x1bb: {  	s21 =	simm.s32 $0x2000  }
0x1bc: {  	[tilespmem:s21], [sflag:$0x1] =	stream.indirect_vreg.gather [hbm4b:s5+s3], $0x80, v3, vm0, $0xb8;
	[tilespmem:$0x10800] =	vst v63  }
0x1bd: {  	v3 =	vld [tilespmem:$0x310];
	_ =	sdelay $0x4  }
0x1be: {  	v25 =	vshll.u32 v3, $0x2  }
0x1bf: {  	v3 =	vand.u32 $0x7, v3;
	v4 =	vand.u32 $0xFFFFFFE0, v25  }
0x1c0: {  	v3 =	vor.u32 v3, v4  }
0x1c1: {  	v4 =	vperm.xlane v3, v0;
	_ =	sdelay $0x1  }
0x1c2: {  	v4 =	vadd.s32 v1, v4;
	_ =	sdelay $0x1  }
0x1c3: {  	v3 =	vperm.xlane v3, v2;
	_ =	sdelay $0x1  }
0x1c4: {  	s22 =	simm.s32 $0x2800;
	v3 =	vadd.s32 v1, v3  }
0x1c5: {  	[tilespmem:s22], [sflag:$0x1] =	stream.indirect_vreg.gather [hbm4b:s1+s3], $0x80, v4, vm0, $0xb8;
	[tilespmem:$0x10800] =	vst v63  }
0x1c6: {  	s22 =	simm.s32 $0x3000  }
0x1c7: {  	[tilespmem:s22], [sflag:$0x1] =	stream.indirect_vreg.gather [hbm4b:s5+s3], $0x80, v4, vm0, $0xb8;
	[tilespmem:$0x10800] =	vst v63  }
0x1c8: {  	s22 =	simm.s32 $0x3800  }
0x1c9: {  	[tilespmem:s22], [sflag:$0x1] =	stream.indirect_vreg.gather [hbm4b:s1+s3], $0x80, v3, vm0, $0xb8;
	[tilespmem:$0x10800] =	vst v63  }
0x1ca: {  	s22 =	simm.s32 $0x4000  }
0x1cb: {  	[tilespmem:s22], [sflag:$0x1] =	stream.indirect_vreg.gather [hbm4b:s5+s3], $0x80, v3, vm0, $0xb8;
	[tilespmem:$0x10800] =	vst v63  }
0x1cc: {  	v3 =	vld [tilespmem:$0x320];
	_ =	sdelay $0x4  }
0x1cd: {  	v26 =	vshll.u32 v3, $0x2  }
0x1ce: {  	v3 =	vand.u32 $0x7, v3;
	v4 =	vand.u32 $0xFFFFFFE0, v26  }
0x1cf: {  	v3 =	vor.u32 v3, v4  }
0x1d0: {  	v4 =	vperm.xlane v3, v0;
	_ =	sdelay $0x1  }
0x1d1: {  	v4 =	vadd.s32 v1, v4;
	_ =	sdelay $0x1  }
0x1d2: {  	v3 =	vperm.xlane v3, v2;
	_ =	sdelay $0x1  }
0x1d3: {  	s22 =	simm.s32 $0x4800;
	v3 =	vadd.s32 v1, v3  }
0x1d4: {  	[tilespmem:s22], [sflag:$0x1] =	stream.indirect_vreg.gather [hbm4b:s1+s3], $0x80, v4, vm0, $0xb8;
	[tilespmem:$0x10800] =	vst v63  }
0x1d5: {  	s22 =	simm.s32 $0x5000  }
0x1d6: {  	[tilespmem:s22], [sflag:$0x1] =	stream.indirect_vreg.gather [hbm4b:s5+s3], $0x80, v4, vm0, $0xb8;
	[tilespmem:$0x10800] =	vst v63  }
0x1d7: {  	s22 =	simm.s32 $0x5800  }
0x1d8: {  	[tilespmem:s22], [sflag:$0x1] =	stream.indirect_vreg.gather [hbm4b:s1+s3], $0x80, v3, vm0, $0xb8;
	[tilespmem:$0x10800] =	vst v63  }
0x1d9: {  	s31 =	simm.s32 $0x6000  }
0x1da: {  	[tilespmem:s31], [sflag:$0x1] =	stream.indirect_vreg.gather [hbm4b:s5+s3], $0x80, v3, vm0, $0xb8;
	[tilespmem:$0x10800] =	vst v63  }
0x1db: {  	v3 =	vld [tilespmem:$0x330];
	_ =	sdelay $0x4  }
0x1dc: {  	v27 =	vshll.u32 v3, $0x2  }
0x1dd: {  	v3 =	vand.u32 $0x7, v3;
	v4 =	vand.u32 $0xFFFFFFE0, v27  }
0x1de: {  	v3 =	vor.u32 v3, v4  }
0x1df: {  	v4 =	vperm.xlane v3, v0;
	_ =	sdelay $0x1  }
0x1e0: {  	v4 =	vadd.s32 v1, v4;
	_ =	sdelay $0x1  }
0x1e1: {  	v3 =	vperm.xlane v3, v2;
	_ =	sdelay $0x1  }
0x1e2: {  	s23 =	simm.s32 $0x6800;
	v3 =	vadd.s32 v1, v3  }
0x1e3: {  	[tilespmem:s23], [sflag:$0x1] =	stream.indirect_vreg.gather [hbm4b:s1+s3], $0x80, v4, vm0, $0xb8;
	[tilespmem:$0x10800] =	vst v63  }
0x1e4: {  	s26 =	simm.s32 $0x7000  }
0x1e5: {  	[tilespmem:s26], [sflag:$0x1] =	stream.indirect_vreg.gather [hbm4b:s5+s3], $0x80, v4, vm0, $0xb8;
	[tilespmem:$0x10800] =	vst v63  }
0x1e6: {  	s28 =	simm.s32 $0x7800  }
0x1e7: {  	[tilespmem:s28], [sflag:$0x1] =	stream.indirect_vreg.gather [hbm4b:s1+s3], $0x80, v3, vm0, $0xb8;
	[tilespmem:$0x10800] =	vst v63  }
0x1e8: {  	s29 =	simm.s32 $0x8000  }
0x1e9: {  	[tilespmem:s29], [sflag:$0x1] =	stream.indirect_vreg.gather [hbm4b:s5+s3], $0x80, v3, vm0, $0xb8;
	[tilespmem:$0x10800] =	vst v63  }
0x1ea: {  	_ =	swait.ge [sflag:s24], $0x8000  }
0x1eb: {  	[sflag:s24] =	ssyncset.done $0x0  }
0x1ec: {  	s29 =	rddreg [dreg:$0xa];
	[sflag:s24] =	ssyncadd.s32 $0xFFFF8000  }
0x1ed: {  	[hbm4b:s29+s3] =	stream.linear.scatter [tilespmem:s8], [sflag:$0x3], $0x8000, $0x38;
	[tilespmem:$0x10800] =	vst v63  }
0x1ee: {  	_ =	swait.ge [sflag:s17], $0x8000  }
0x1ef: {  	[sflag:s17] =	ssyncset.done $0x0  }
0x1f0: {  	[sflag:s17] =	ssyncadd.s32 $0xFFFF8000  }
0x1f1: {  	v3 =	vld [tilespmem:$0x380];
	_ =	sdelay $0x4  }
0x1f2: {  	v28 =	vshll.u32 v3, $0x2  }
0x1f3: {  	v3 =	vand.u32 $0x7, v3;
	v4 =	vand.u32 $0xFFFFFFE0, v28  }
0x1f4: {  	v3 =	vor.u32 v3, v4  }
0x1f5: {  	v4 =	vperm.xlane v3, v0;
	_ =	sdelay $0x1  }
0x1f6: {  	v4 =	vadd.s32 v1, v4;
	_ =	sdelay $0x1  }
0x1f7: {  	v3 =	vperm.xlane v3, v2;
	_ =	sdelay $0x1  }
0x1f8: {  	v3 =	vadd.s32 v1, v3  }
0x1f9: {  	[tilespmem:s25], [sflag:$0x2] =	stream.indirect_vreg.gather [hbm4b:s1+s3], $0x80, v4, vm0, $0xb8;
	[tilespmem:$0x10800] =	vst v63  }
0x1fa: {  	s13 =	simm.s32 $0x9000  }
0x1fb: {  	[tilespmem:s13], [sflag:$0x2] =	stream.indirect_vreg.gather [hbm4b:s5+s3], $0x80, v4, vm0, $0xb8;
	[tilespmem:$0x10800] =	vst v63  }
0x1fc: {  	s11 =	simm.s32 $0x9800  }
0x1fd: {  	[tilespmem:s11], [sflag:$0x2] =	stream.indirect_vreg.gather [hbm4b:s1+s3], $0x80, v3, vm0, $0xb8;
	[tilespmem:$0x10800] =	vst v63  }
0x1fe: {  	s29 =	simm.s32 $0xA000  }
0x1ff: {  	[tilespmem:s29], [sflag:$0x2] =	stream.indirect_vreg.gather [hbm4b:s5+s3], $0x80, v3, vm0, $0xb8;
	[tilespmem:$0x10800] =	vst v63  }
0x200: {  	v3 =	vld [tilespmem:$0x390];
	_ =	sdelay $0x4  }
0x201: {  	v29 =	vshll.u32 v3, $0x2  }
0x202: {  	v3 =	vand.u32 $0x7, v3;
	v4 =	vand.u32 $0xFFFFFFE0, v29  }
0x203: {  	v3 =	vor.u32 v3, v4  }
0x204: {  	v4 =	vperm.xlane v3, v0;
	_ =	sdelay $0x1  }
0x205: {  	v4 =	vadd.s32 v1, v4;
	_ =	sdelay $0x1  }
0x206: {  	v3 =	vperm.xlane v3, v2;
	_ =	sdelay $0x1  }
0x207: {  	s12 =	simm.s32 $0xA800;
	v3 =	vadd.s32 v1, v3  }
0x208: {  	[tilespmem:s12], [sflag:$0x2] =	stream.indirect_vreg.gather [hbm4b:s1+s3], $0x80, v4, vm0, $0xb8;
	[tilespmem:$0x10800] =	vst v63  }
0x209: {  	s14 =	simm.s32 $0xB000  }
0x20a: {  	[tilespmem:s14], [sflag:$0x2] =	stream.indirect_vreg.gather [hbm4b:s5+s3], $0x80, v4, vm0, $0xb8;
	[tilespmem:$0x10800] =	vst v63  }
0x20b: {  	s0 =	simm.s32 $0xB800  }
0x20c: {  	[tilespmem:s0], [sflag:$0x2] =	stream.indirect_vreg.gather [hbm4b:s1+s3], $0x80, v3, vm0, $0xb8;
	[tilespmem:$0x10800] =	vst v63  }
0x20d: {  	s30 =	simm.s32 $0xC000  }
0x20e: {  	[tilespmem:s30], [sflag:$0x2] =	stream.indirect_vreg.gather [hbm4b:s5+s3], $0x80, v3, vm0, $0xb8;
	[tilespmem:$0x10800] =	vst v63  }
0x20f: {  	v3 =	vld [tilespmem:$0x3A0];
	_ =	sdelay $0x4  }
0x210: {  	v30 =	vshll.u32 v3, $0x2  }
0x211: {  	v3 =	vand.u32 $0x7, v3;
	v4 =	vand.u32 $0xFFFFFFE0, v30  }
0x212: {  	v3 =	vor.u32 v3, v4  }
0x213: {  	v4 =	vperm.xlane v3, v0;
	_ =	sdelay $0x1  }
0x214: {  	v4 =	vadd.s32 v1, v4;
	_ =	sdelay $0x1  }
0x215: {  	v3 =	vperm.xlane v3, v2;
	_ =	sdelay $0x1  }
0x216: {  	s19 =	simm.s32 $0xC800;
	v3 =	vadd.s32 v1, v3  }
0x217: {  	[tilespmem:s19], [sflag:$0x2] =	stream.indirect_vreg.gather [hbm4b:s1+s3], $0x80, v4, vm0, $0xb8;
	[tilespmem:$0x10800] =	vst v63  }
0x218: {  	s2 =	simm.s32 $0xD000  }
0x219: {  	[tilespmem:s2], [sflag:$0x2] =	stream.indirect_vreg.gather [hbm4b:s5+s3], $0x80, v4, vm0, $0xb8;
	[tilespmem:$0x10800] =	vst v63  }
0x21a: {  	s4 =	simm.s32 $0xD800  }
0x21b: {  	[tilespmem:s4], [sflag:$0x2] =	stream.indirect_vreg.gather [hbm4b:s1+s3], $0x80, v3, vm0, $0xb8;
	[tilespmem:$0x10800] =	vst v63  }
0x21c: {  	s20 =	simm.s32 $0xE000  }
0x21d: {  	[tilespmem:s20], [sflag:$0x2] =	stream.indirect_vreg.gather [hbm4b:s5+s3], $0x80, v3, vm0, $0xb8;
	[tilespmem:$0x10800] =	vst v63  }
0x21e: {  	v3 =	vld [tilespmem:$0x3B0];
	_ =	sdelay $0x4  }
0x21f: {  	v31 =	vshll.u32 v3, $0x2  }
0x220: {  	v3 =	vand.u32 $0x7, v3;
	v4 =	vand.u32 $0xFFFFFFE0, v31  }
0x221: {  	v3 =	vor.u32 v3, v4  }
0x222: {  	v4 =	vperm.xlane v3, v0;
	_ =	sdelay $0x1  }
0x223: {  	v4 =	vadd.s32 v1, v4;
	_ =	sdelay $0x1  }
0x224: {  	v3 =	vperm.xlane v3, v2;
	_ =	sdelay $0x1  }
0x225: {  	s6 =	simm.s32 $0xE800;
	v3 =	vadd.s32 v1, v3  }
0x226: {  	[tilespmem:s6], [sflag:$0x2] =	stream.indirect_vreg.gather [hbm4b:s1+s3], $0x80, v4, vm0, $0xb8;
	[tilespmem:$0x10800] =	vst v63  }
0x227: {  	s7 =	simm.s32 $0xF000  }
0x228: {  	[tilespmem:s7], [sflag:$0x2] =	stream.indirect_vreg.gather [hbm4b:s5+s3], $0x80, v4, vm0, $0xb8;
	[tilespmem:$0x10800] =	vst v63  }
0x229: {  	s9 =	simm.s32 $0xF800  }
0x22a: {  	[tilespmem:s9], [sflag:$0x2] =	stream.indirect_vreg.gather [hbm4b:s1+s3], $0x80, v3, vm0, $0xb8;
	[tilespmem:$0x10800] =	vst v63  }
0x22b: {  	s10 =	simm.s32 $0x10000  }
0x22c: {  	[tilespmem:s10], [sflag:$0x2] =	stream.indirect_vreg.gather [hbm4b:s5+s3], $0x80, v3, vm0, $0xb8;
	[tilespmem:$0x10800] =	vst v63  }
0x22d: {  	_ =	swait.ge [sflag:s15], $0x8000  }
0x22e: {  	[sflag:s15] =	ssyncset.done $0x0  }
0x22f: {  	s10 =	rddreg [dreg:$0xb];
	[sflag:s15] =	ssyncadd.s32 $0xFFFF8000  }
0x230: {  	[hbm4b:s10+s3] =	stream.linear.scatter [tilespmem:s25], [sflag:$0x4], $0x8000, $0x38;
	[tilespmem:$0x10800] =	vst v63  }
0x231: {  	_ =	swait.ge [sflag:s16], $0x8000  }
0x232: {  	[sflag:s16] =	ssyncset.done $0x0  }
0x233: {  	[sflag:s16] =	ssyncadd.s32 $0xFFFF8000  }
0x234: {  	v3 =	vld [tilespmem:$0x400];
	_ =	sdelay $0x4  }
0x235: {  	v32 =	vshll.u32 v3, $0x2  }
0x236: {  	v3 =	vand.u32 $0x7, v3;
	v4 =	vand.u32 $0xFFFFFFE0, v32  }
0x237: {  	v3 =	vor.u32 v3, v4  }
0x238: {  	v4 =	vperm.xlane v3, v0;
	_ =	sdelay $0x1  }
0x239: {  	v4 =	vadd.s32 v1, v4;
	_ =	sdelay $0x1  }
0x23a: {  	v3 =	vperm.xlane v3, v2;
	_ =	sdelay $0x1  }
0x23b: {  	v3 =	vadd.s32 v1, v3  }
0x23c: {  	[tilespmem:s8], [sflag:$0x1] =	stream.indirect_vreg.gather [hbm4b:s1+s3], $0x80, v4, vm0, $0xb8;
	[tilespmem:$0x10800] =	vst v63  }
0x23d: {  	s18 =	simm.s32 $0x1000  }
0x23e: {  	[tilespmem:s18], [sflag:$0x1] =	stream.indirect_vreg.gather [hbm4b:s5+s3], $0x80, v4, vm0, $0xb8;
	[tilespmem:$0x10800] =	vst v63  }
0x23f: {  	s18 =	simm.s32 $0x1800  }
0x240: {  	[tilespmem:s18], [sflag:$0x1] =	stream.indirect_vreg.gather [hbm4b:s1+s3], $0x80, v3, vm0, $0xb8;
	[tilespmem:$0x10800] =	vst v63  }
0x241: {  	s18 =	simm.s32 $0x2000  }
0x242: {  	[tilespmem:s18], [sflag:$0x1] =	stream.indirect_vreg.gather [hbm4b:s5+s3], $0x80, v3, vm0, $0xb8;
	[tilespmem:$0x10800] =	vst v63  }
0x243: {  	v3 =	vld [tilespmem:$0x410];
	_ =	sdelay $0x4  }
0x244: {  	v33 =	vshll.u32 v3, $0x2  }
0x245: {  	v3 =	vand.u32 $0x7, v3;
	v4 =	vand.u32 $0xFFFFFFE0, v33  }
0x246: {  	v3 =	vor.u32 v3, v4  }
0x247: {  	v4 =	vperm.xlane v3, v0;
	_ =	sdelay $0x1  }
0x248: {  	v4 =	vadd.s32 v1, v4;
	_ =	sdelay $0x1  }
0x249: {  	v3 =	vperm.xlane v3, v2;
	_ =	sdelay $0x1  }
0x24a: {  	s21 =	simm.s32 $0x2800;
	v3 =	vadd.s32 v1, v3  }
0x24b: {  	[tilespmem:s21], [sflag:$0x1] =	stream.indirect_vreg.gather [hbm4b:s1+s3], $0x80, v4, vm0, $0xb8;
	[tilespmem:$0x10800] =	vst v63  }
0x24c: {  	s21 =	simm.s32 $0x3000  }
0x24d: {  	[tilespmem:s21], [sflag:$0x1] =	stream.indirect_vreg.gather [hbm4b:s5+s3], $0x80, v4, vm0, $0xb8;
	[tilespmem:$0x10800] =	vst v63  }
0x24e: {  	s21 =	simm.s32 $0x3800  }
0x24f: {  	[tilespmem:s21], [sflag:$0x1] =	stream.indirect_vreg.gather [hbm4b:s1+s3], $0x80, v3, vm0, $0xb8;
	[tilespmem:$0x10800] =	vst v63  }
0x250: {  	s21 =	simm.s32 $0x4000  }
0x251: {  	[tilespmem:s21], [sflag:$0x1] =	stream.indirect_vreg.gather [hbm4b:s5+s3], $0x80, v3, vm0, $0xb8;
	[tilespmem:$0x10800] =	vst v63  }
0x252: {  	v3 =	vld [tilespmem:$0x420];
	_ =	sdelay $0x4  }
0x253: {  	v34 =	vshll.u32 v3, $0x2  }
0x254: {  	v3 =	vand.u32 $0x7, v3;
	v4 =	vand.u32 $0xFFFFFFE0, v34  }
0x255: {  	v3 =	vor.u32 v3, v4  }
0x256: {  	v4 =	vperm.xlane v3, v0;
	_ =	sdelay $0x1  }
0x257: {  	v4 =	vadd.s32 v1, v4;
	_ =	sdelay $0x1  }
0x258: {  	v3 =	vperm.xlane v3, v2;
	_ =	sdelay $0x1  }
0x259: {  	s21 =	simm.s32 $0x4800;
	v3 =	vadd.s32 v1, v3  }
0x25a: {  	[tilespmem:s21], [sflag:$0x1] =	stream.indirect_vreg.gather [hbm4b:s1+s3], $0x80, v4, vm0, $0xb8;
	[tilespmem:$0x10800] =	vst v63  }
0x25b: {  	s21 =	simm.s32 $0x5000  }
0x25c: {  	[tilespmem:s21], [sflag:$0x1] =	stream.indirect_vreg.gather [hbm4b:s5+s3], $0x80, v4, vm0, $0xb8;
	[tilespmem:$0x10800] =	vst v63  }
0x25d: {  	s21 =	simm.s32 $0x5800  }
0x25e: {  	[tilespmem:s21], [sflag:$0x1] =	stream.indirect_vreg.gather [hbm4b:s1+s3], $0x80, v3, vm0, $0xb8;
	[tilespmem:$0x10800] =	vst v63  }
0x25f: {  	s31 =	simm.s32 $0x6000  }
0x260: {  	[tilespmem:s31], [sflag:$0x1] =	stream.indirect_vreg.gather [hbm4b:s5+s3], $0x80, v3, vm0, $0xb8;
	[tilespmem:$0x10800] =	vst v63  }
0x261: {  	v3 =	vld [tilespmem:$0x430];
	_ =	sdelay $0x4  }
0x262: {  	v35 =	vshll.u32 v3, $0x2  }
0x263: {  	v3 =	vand.u32 $0x7, v3;
	v4 =	vand.u32 $0xFFFFFFE0, v35  }
0x264: {  	v3 =	vor.u32 v3, v4  }
0x265: {  	v4 =	vperm.xlane v3, v0;
	_ =	sdelay $0x1  }
0x266: {  	v4 =	vadd.s32 v1, v4;
	_ =	sdelay $0x1  }
0x267: {  	v3 =	vperm.xlane v3, v2;
	_ =	sdelay $0x1  }
0x268: {  	s22 =	simm.s32 $0x6800;
	v3 =	vadd.s32 v1, v3  }
0x269: {  	[tilespmem:s22], [sflag:$0x1] =	stream.indirect_vreg.gather [hbm4b:s1+s3], $0x80, v4, vm0, $0xb8;
	[tilespmem:$0x10800] =	vst v63  }
0x26a: {  	s23 =	simm.s32 $0x7000  }
0x26b: {  	[tilespmem:s23], [sflag:$0x1] =	stream.indirect_vreg.gather [hbm4b:s5+s3], $0x80, v4, vm0, $0xb8;
	[tilespmem:$0x10800] =	vst v63  }
0x26c: {  	s26 =	simm.s32 $0x7800  }
0x26d: {  	[tilespmem:s26], [sflag:$0x1] =	stream.indirect_vreg.gather [hbm4b:s1+s3], $0x80, v3, vm0, $0xb8;
	[tilespmem:$0x10800] =	vst v63  }
0x26e: {  	s28 =	simm.s32 $0x8000  }
0x26f: {  	[tilespmem:s28], [sflag:$0x1] =	stream.indirect_vreg.gather [hbm4b:s5+s3], $0x80, v3, vm0, $0xb8;
	[tilespmem:$0x10800] =	vst v63  }
0x270: {  	_ =	swait.ge [sflag:s24], $0x8000  }
0x271: {  	[sflag:s24] =	ssyncset.done $0x0  }
0x272: {  	s28 =	rddreg [dreg:$0xc];
	[sflag:s24] =	ssyncadd.s32 $0xFFFF8000  }
0x273: {  	[hbm4b:s28+s3] =	stream.linear.scatter [tilespmem:s8], [sflag:$0x3], $0x8000, $0x38;
	[tilespmem:$0x10800] =	vst v63  }
0x274: {  	_ =	swait.ge [sflag:s17], $0x8000  }
0x275: {  	[sflag:s17] =	ssyncset.done $0x0  }
0x276: {  	[sflag:s17] =	ssyncadd.s32 $0xFFFF8000  }
0x277: {  	v3 =	vld [tilespmem:$0x480];
	_ =	sdelay $0x4  }
0x278: {  	v36 =	vshll.u32 v3, $0x2  }
0x279: {  	v3 =	vand.u32 $0x7, v3;
	v4 =	vand.u32 $0xFFFFFFE0, v36  }
0x27a: {  	v3 =	vor.u32 v3, v4  }
0x27b: {  	v4 =	vperm.xlane v3, v0;
	_ =	sdelay $0x1  }
0x27c: {  	v4 =	vadd.s32 v1, v4;
	_ =	sdelay $0x1  }
0x27d: {  	v3 =	vperm.xlane v3, v2;
	_ =	sdelay $0x1  }
0x27e: {  	v3 =	vadd.s32 v1, v3  }
0x27f: {  	[tilespmem:s25], [sflag:$0x2] =	stream.indirect_vreg.gather [hbm4b:s1+s3], $0x80, v4, vm0, $0xb8;
	[tilespmem:$0x10800] =	vst v63  }
0x280: {  	s13 =	simm.s32 $0x9000  }
0x281: {  	[tilespmem:s13], [sflag:$0x2] =	stream.indirect_vreg.gather [hbm4b:s5+s3], $0x80, v4, vm0, $0xb8;
	[tilespmem:$0x10800] =	vst v63  }
0x282: {  	s11 =	simm.s32 $0x9800  }
0x283: {  	[tilespmem:s11], [sflag:$0x2] =	stream.indirect_vreg.gather [hbm4b:s1+s3], $0x80, v3, vm0, $0xb8;
	[tilespmem:$0x10800] =	vst v63  }
0x284: {  	s28 =	simm.s32 $0xA000  }
0x285: {  	[tilespmem:s28], [sflag:$0x2] =	stream.indirect_vreg.gather [hbm4b:s5+s3], $0x80, v3, vm0, $0xb8;
	[tilespmem:$0x10800] =	vst v63  }
0x286: {  	v3 =	vld [tilespmem:$0x490];
	_ =	sdelay $0x4  }
0x287: {  	v37 =	vshll.u32 v3, $0x2  }
0x288: {  	v3 =	vand.u32 $0x7, v3;
	v4 =	vand.u32 $0xFFFFFFE0, v37  }
0x289: {  	v3 =	vor.u32 v3, v4  }
0x28a: {  	v4 =	vperm.xlane v3, v0;
	_ =	sdelay $0x1  }
0x28b: {  	v4 =	vadd.s32 v1, v4;
	_ =	sdelay $0x1  }
0x28c: {  	v3 =	vperm.xlane v3, v2;
	_ =	sdelay $0x1  }
0x28d: {  	s12 =	simm.s32 $0xA800;
	v3 =	vadd.s32 v1, v3  }
0x28e: {  	[tilespmem:s12], [sflag:$0x2] =	stream.indirect_vreg.gather [hbm4b:s1+s3], $0x80, v4, vm0, $0xb8;
	[tilespmem:$0x10800] =	vst v63  }
0x28f: {  	s29 =	simm.s32 $0xB000  }
0x290: {  	[tilespmem:s29], [sflag:$0x2] =	stream.indirect_vreg.gather [hbm4b:s5+s3], $0x80, v4, vm0, $0xb8;
	[tilespmem:$0x10800] =	vst v63  }
0x291: {  	s0 =	simm.s32 $0xB800  }
0x292: {  	[tilespmem:s0], [sflag:$0x2] =	stream.indirect_vreg.gather [hbm4b:s1+s3], $0x80, v3, vm0, $0xb8;
	[tilespmem:$0x10800] =	vst v63  }
0x293: {  	s30 =	simm.s32 $0xC000  }
0x294: {  	[tilespmem:s30], [sflag:$0x2] =	stream.indirect_vreg.gather [hbm4b:s5+s3], $0x80, v3, vm0, $0xb8;
	[tilespmem:$0x10800] =	vst v63  }
0x295: {  	v3 =	vld [tilespmem:$0x4A0];
	_ =	sdelay $0x4  }
0x296: {  	v38 =	vshll.u32 v3, $0x2  }
0x297: {  	v3 =	vand.u32 $0x7, v3;
	v4 =	vand.u32 $0xFFFFFFE0, v38  }
0x298: {  	v3 =	vor.u32 v3, v4  }
0x299: {  	v4 =	vperm.xlane v3, v0;
	_ =	sdelay $0x1  }
0x29a: {  	v4 =	vadd.s32 v1, v4;
	_ =	sdelay $0x1  }
0x29b: {  	v3 =	vperm.xlane v3, v2;
	_ =	sdelay $0x1  }
0x29c: {  	s14 =	simm.s32 $0xC800;
	v3 =	vadd.s32 v1, v3  }
0x29d: {  	[tilespmem:s14], [sflag:$0x2] =	stream.indirect_vreg.gather [hbm4b:s1+s3], $0x80, v4, vm0, $0xb8;
	[tilespmem:$0x10800] =	vst v63  }
0x29e: {  	s19 =	simm.s32 $0xD000  }
0x29f: {  	[tilespmem:s19], [sflag:$0x2] =	stream.indirect_vreg.gather [hbm4b:s5+s3], $0x80, v4, vm0, $0xb8;
	[tilespmem:$0x10800] =	vst v63  }
0x2a0: {  	s2 =	simm.s32 $0xD800  }
0x2a1: {  	[tilespmem:s2], [sflag:$0x2] =	stream.indirect_vreg.gather [hbm4b:s1+s3], $0x80, v3, vm0, $0xb8;
	[tilespmem:$0x10800] =	vst v63  }
0x2a2: {  	s20 =	simm.s32 $0xE000  }
0x2a3: {  	[tilespmem:s20], [sflag:$0x2] =	stream.indirect_vreg.gather [hbm4b:s5+s3], $0x80, v3, vm0, $0xb8;
	[tilespmem:$0x10800] =	vst v63  }
0x2a4: {  	v3 =	vld [tilespmem:$0x4B0];
	_ =	sdelay $0x4  }
0x2a5: {  	v39 =	vshll.u32 v3, $0x2  }
0x2a6: {  	v3 =	vand.u32 $0x7, v3;
	v4 =	vand.u32 $0xFFFFFFE0, v39  }
0x2a7: {  	v3 =	vor.u32 v3, v4  }
0x2a8: {  	v4 =	vperm.xlane v3, v0;
	_ =	sdelay $0x1  }
0x2a9: {  	v4 =	vadd.s32 v1, v4;
	_ =	sdelay $0x1  }
0x2aa: {  	v3 =	vperm.xlane v3, v2;
	_ =	sdelay $0x1  }
0x2ab: {  	s4 =	simm.s32 $0xE800;
	v3 =	vadd.s32 v1, v3  }
0x2ac: {  	[tilespmem:s4], [sflag:$0x2] =	stream.indirect_vreg.gather [hbm4b:s1+s3], $0x80, v4, vm0, $0xb8;
	[tilespmem:$0x10800] =	vst v63  }
0x2ad: {  	s6 =	simm.s32 $0xF000  }
0x2ae: {  	[tilespmem:s6], [sflag:$0x2] =	stream.indirect_vreg.gather [hbm4b:s5+s3], $0x80, v4, vm0, $0xb8;
	[tilespmem:$0x10800] =	vst v63  }
0x2af: {  	s7 =	simm.s32 $0xF800  }
0x2b0: {  	[tilespmem:s7], [sflag:$0x2] =	stream.indirect_vreg.gather [hbm4b:s1+s3], $0x80, v3, vm0, $0xb8;
	[tilespmem:$0x10800] =	vst v63  }
0x2b1: {  	s9 =	simm.s32 $0x10000  }
0x2b2: {  	[tilespmem:s9], [sflag:$0x2] =	stream.indirect_vreg.gather [hbm4b:s5+s3], $0x80, v3, vm0, $0xb8;
	[tilespmem:$0x10800] =	vst v63  }
0x2b3: {  	_ =	swait.ge [sflag:s15], $0x8000  }
0x2b4: {  	[sflag:s15] =	ssyncset.done $0x0  }
0x2b5: {  	s9 =	rddreg [dreg:$0xd];
	[sflag:s15] =	ssyncadd.s32 $0xFFFF8000  }
0x2b6: {  	[hbm4b:s9+s3] =	stream.linear.scatter [tilespmem:s25], [sflag:$0x4], $0x8000, $0x38;
	[tilespmem:$0x10800] =	vst v63  }
0x2b7: {  	_ =	swait.ge [sflag:s16], $0x8000  }
0x2b8: {  	[sflag:s16] =	ssyncset.done $0x0  }
0x2b9: {  	[sflag:s16] =	ssyncadd.s32 $0xFFFF8000  }
0x2ba: {  	v3 =	vld [tilespmem:$0x500];
	_ =	sdelay $0x4  }
0x2bb: {  	v40 =	vshll.u32 v3, $0x2  }
0x2bc: {  	v3 =	vand.u32 $0x7, v3;
	v4 =	vand.u32 $0xFFFFFFE0, v40  }
0x2bd: {  	v3 =	vor.u32 v3, v4  }
0x2be: {  	v4 =	vperm.xlane v3, v0;
	_ =	sdelay $0x1  }
0x2bf: {  	v4 =	vadd.s32 v1, v4;
	_ =	sdelay $0x1  }
0x2c0: {  	v3 =	vperm.xlane v3, v2;
	_ =	sdelay $0x1  }
0x2c1: {  	v3 =	vadd.s32 v1, v3  }
0x2c2: {  	[tilespmem:s8], [sflag:$0x1] =	stream.indirect_vreg.gather [hbm4b:s1+s3], $0x80, v4, vm0, $0xb8;
	[tilespmem:$0x10800] =	vst v63  }
0x2c3: {  	s18 =	simm.s32 $0x1000  }
0x2c4: {  	[tilespmem:s18], [sflag:$0x1] =	stream.indirect_vreg.gather [hbm4b:s5+s3], $0x80, v4, vm0, $0xb8;
	[tilespmem:$0x10800] =	vst v63  }
0x2c5: {  	s18 =	simm.s32 $0x1800  }
0x2c6: {  	[tilespmem:s18], [sflag:$0x1] =	stream.indirect_vreg.gather [hbm4b:s1+s3], $0x80, v3, vm0, $0xb8;
	[tilespmem:$0x10800] =	vst v63  }
0x2c7: {  	s18 =	simm.s32 $0x2000  }
0x2c8: {  	[tilespmem:s18], [sflag:$0x1] =	stream.indirect_vreg.gather [hbm4b:s5+s3], $0x80, v3, vm0, $0xb8;
	[tilespmem:$0x10800] =	vst v63  }
0x2c9: {  	v3 =	vld [tilespmem:$0x510];
	_ =	sdelay $0x4  }
0x2ca: {  	v41 =	vshll.u32 v3, $0x2  }
0x2cb: {  	v3 =	vand.u32 $0x7, v3;
	v4 =	vand.u32 $0xFFFFFFE0, v41  }
0x2cc: {  	v3 =	vor.u32 v3, v4  }
0x2cd: {  	v4 =	vperm.xlane v3, v0;
	_ =	sdelay $0x1  }
0x2ce: {  	v4 =	vadd.s32 v1, v4;
	_ =	sdelay $0x1  }
0x2cf: {  	v3 =	vperm.xlane v3, v2;
	_ =	sdelay $0x1  }
0x2d0: {  	s10 =	simm.s32 $0x2800;
	v3 =	vadd.s32 v1, v3  }
0x2d1: {  	[tilespmem:s10], [sflag:$0x1] =	stream.indirect_vreg.gather [hbm4b:s1+s3], $0x80, v4, vm0, $0xb8;
	[tilespmem:$0x10800] =	vst v63  }
0x2d2: {  	s18 =	simm.s32 $0x3000  }
0x2d3: {  	[tilespmem:s18], [sflag:$0x1] =	stream.indirect_vreg.gather [hbm4b:s5+s3], $0x80, v4, vm0, $0xb8;
	[tilespmem:$0x10800] =	vst v63  }
0x2d4: {  	s18 =	simm.s32 $0x3800  }
0x2d5: {  	[tilespmem:s18], [sflag:$0x1] =	stream.indirect_vreg.gather [hbm4b:s1+s3], $0x80, v3, vm0, $0xb8;
	[tilespmem:$0x10800] =	vst v63  }
0x2d6: {  	s18 =	simm.s32 $0x4000  }
0x2d7: {  	[tilespmem:s18], [sflag:$0x1] =	stream.indirect_vreg.gather [hbm4b:s5+s3], $0x80, v3, vm0, $0xb8;
	[tilespmem:$0x10800] =	vst v63  }
0x2d8: {  	v3 =	vld [tilespmem:$0x520];
	_ =	sdelay $0x4  }
0x2d9: {  	v42 =	vshll.u32 v3, $0x2  }
0x2da: {  	v3 =	vand.u32 $0x7, v3;
	v4 =	vand.u32 $0xFFFFFFE0, v42  }
0x2db: {  	v3 =	vor.u32 v3, v4  }
0x2dc: {  	v4 =	vperm.xlane v3, v0;
	_ =	sdelay $0x1  }
0x2dd: {  	v4 =	vadd.s32 v1, v4;
	_ =	sdelay $0x1  }
0x2de: {  	v3 =	vperm.xlane v3, v2;
	_ =	sdelay $0x1  }
0x2df: {  	s18 =	simm.s32 $0x4800;
	v3 =	vadd.s32 v1, v3  }
0x2e0: {  	[tilespmem:s18], [sflag:$0x1] =	stream.indirect_vreg.gather [hbm4b:s1+s3], $0x80, v4, vm0, $0xb8;
	[tilespmem:$0x10800] =	vst v63  }
0x2e1: {  	s18 =	simm.s32 $0x5000  }
0x2e2: {  	[tilespmem:s18], [sflag:$0x1] =	stream.indirect_vreg.gather [hbm4b:s5+s3], $0x80, v4, vm0, $0xb8;
	[tilespmem:$0x10800] =	vst v63  }
0x2e3: {  	s18 =	simm.s32 $0x5800  }
0x2e4: {  	[tilespmem:s18], [sflag:$0x1] =	stream.indirect_vreg.gather [hbm4b:s1+s3], $0x80, v3, vm0, $0xb8;
	[tilespmem:$0x10800] =	vst v63  }
0x2e5: {  	s31 =	simm.s32 $0x6000  }
0x2e6: {  	[tilespmem:s31], [sflag:$0x1] =	stream.indirect_vreg.gather [hbm4b:s5+s3], $0x80, v3, vm0, $0xb8;
	[tilespmem:$0x10800] =	vst v63  }
0x2e7: {  	v3 =	vld [tilespmem:$0x530];
	_ =	sdelay $0x4  }
0x2e8: {  	v43 =	vshll.u32 v3, $0x2  }
0x2e9: {  	v3 =	vand.u32 $0x7, v3;
	v4 =	vand.u32 $0xFFFFFFE0, v43  }
0x2ea: {  	v3 =	vor.u32 v3, v4  }
0x2eb: {  	v4 =	vperm.xlane v3, v0;
	_ =	sdelay $0x1  }
0x2ec: {  	v4 =	vadd.s32 v1, v4;
	_ =	sdelay $0x1  }
0x2ed: {  	v3 =	vperm.xlane v3, v2;
	_ =	sdelay $0x1  }
0x2ee: {  	s21 =	simm.s32 $0x6800;
	v3 =	vadd.s32 v1, v3  }
0x2ef: {  	[tilespmem:s21], [sflag:$0x1] =	stream.indirect_vreg.gather [hbm4b:s1+s3], $0x80, v4, vm0, $0xb8;
	[tilespmem:$0x10800] =	vst v63  }
0x2f0: {  	s22 =	simm.s32 $0x7000  }
0x2f1: {  	[tilespmem:s22], [sflag:$0x1] =	stream.indirect_vreg.gather [hbm4b:s5+s3], $0x80, v4, vm0, $0xb8;
	[tilespmem:$0x10800] =	vst v63  }
0x2f2: {  	s23 =	simm.s32 $0x7800  }
0x2f3: {  	[tilespmem:s23], [sflag:$0x1] =	stream.indirect_vreg.gather [hbm4b:s1+s3], $0x80, v3, vm0, $0xb8;
	[tilespmem:$0x10800] =	vst v63  }
0x2f4: {  	s26 =	simm.s32 $0x8000  }
0x2f5: {  	[tilespmem:s26], [sflag:$0x1] =	stream.indirect_vreg.gather [hbm4b:s5+s3], $0x80, v3, vm0, $0xb8;
	[tilespmem:$0x10800] =	vst v63  }
0x2f6: {  	_ =	swait.ge [sflag:s24], $0x8000  }
0x2f7: {  	[sflag:s24] =	ssyncset.done $0x0  }
0x2f8: {  	s10 =	rddreg [dreg:$0xe];
	[sflag:s24] =	ssyncadd.s32 $0xFFFF8000  }
0x2f9: {  	[hbm4b:s10+s3] =	stream.linear.scatter [tilespmem:s8], [sflag:$0x3], $0x8000, $0x38;
	[tilespmem:$0x10800] =	vst v63  }
0x2fa: {  	_ =	swait.ge [sflag:s17], $0x8000  }
0x2fb: {  	[sflag:s17] =	ssyncset.done $0x0  }
0x2fc: {  	[sflag:s17] =	ssyncadd.s32 $0xFFFF8000  }
0x2fd: {  	v3 =	vld [tilespmem:$0x580];
	_ =	sdelay $0x4  }
0x2fe: {  	v44 =	vshll.u32 v3, $0x2  }
0x2ff: {  	v3 =	vand.u32 $0x7, v3;
	v4 =	vand.u32 $0xFFFFFFE0, v44  }
0x300: {  	v3 =	vor.u32 v3, v4  }
0x301: {  	v4 =	vperm.xlane v3, v0;
	_ =	sdelay $0x1  }
0x302: {  	v4 =	vadd.s32 v1, v4;
	_ =	sdelay $0x1  }
0x303: {  	v3 =	vperm.xlane v3, v2;
	_ =	sdelay $0x1  }
0x304: {  	v3 =	vadd.s32 v1, v3  }
0x305: {  	[tilespmem:s25], [sflag:$0x2] =	stream.indirect_vreg.gather [hbm4b:s1+s3], $0x80, v4, vm0, $0xb8;
	[tilespmem:$0x10800] =	vst v63  }
0x306: {  	s13 =	simm.s32 $0x9000  }
0x307: {  	[tilespmem:s13], [sflag:$0x2] =	stream.indirect_vreg.gather [hbm4b:s5+s3], $0x80, v4, vm0, $0xb8;
	[tilespmem:$0x10800] =	vst v63  }
0x308: {  	s11 =	simm.s32 $0x9800  }
0x309: {  	[tilespmem:s11], [sflag:$0x2] =	stream.indirect_vreg.gather [hbm4b:s1+s3], $0x80, v3, vm0, $0xb8;
	[tilespmem:$0x10800] =	vst v63  }
0x30a: {  	s18 =	simm.s32 $0xA000  }
0x30b: {  	[tilespmem:s18], [sflag:$0x2] =	stream.indirect_vreg.gather [hbm4b:s5+s3], $0x80, v3, vm0, $0xb8;
	[tilespmem:$0x10800] =	vst v63  }
0x30c: {  	v3 =	vld [tilespmem:$0x590];
	_ =	sdelay $0x4  }
0x30d: {  	v45 =	vshll.u32 v3, $0x2  }
0x30e: {  	v3 =	vand.u32 $0x7, v3;
	v4 =	vand.u32 $0xFFFFFFE0, v45  }
0x30f: {  	v3 =	vor.u32 v3, v4  }
0x310: {  	v4 =	vperm.xlane v3, v0;
	_ =	sdelay $0x1  }
0x311: {  	v4 =	vadd.s32 v1, v4;
	_ =	sdelay $0x1  }
0x312: {  	v3 =	vperm.xlane v3, v2;
	_ =	sdelay $0x1  }
0x313: {  	s12 =	simm.s32 $0xA800;
	v3 =	vadd.s32 v1, v3  }
0x314: {  	[tilespmem:s12], [sflag:$0x2] =	stream.indirect_vreg.gather [hbm4b:s1+s3], $0x80, v4, vm0, $0xb8;
	[tilespmem:$0x10800] =	vst v63  }
0x315: {  	s28 =	simm.s32 $0xB000  }
0x316: {  	[tilespmem:s28], [sflag:$0x2] =	stream.indirect_vreg.gather [hbm4b:s5+s3], $0x80, v4, vm0, $0xb8;
	[tilespmem:$0x10800] =	vst v63  }
0x317: {  	s0 =	simm.s32 $0xB800  }
0x318: {  	[tilespmem:s0], [sflag:$0x2] =	stream.indirect_vreg.gather [hbm4b:s1+s3], $0x80, v3, vm0, $0xb8;
	[tilespmem:$0x10800] =	vst v63  }
0x319: {  	s30 =	simm.s32 $0xC000  }
0x31a: {  	[tilespmem:s30], [sflag:$0x2] =	stream.indirect_vreg.gather [hbm4b:s5+s3], $0x80, v3, vm0, $0xb8;
	[tilespmem:$0x10800] =	vst v63  }
0x31b: {  	v3 =	vld [tilespmem:$0x5A0];
	_ =	sdelay $0x4  }
0x31c: {  	v46 =	vshll.u32 v3, $0x2  }
0x31d: {  	v3 =	vand.u32 $0x7, v3;
	v4 =	vand.u32 $0xFFFFFFE0, v46  }
0x31e: {  	v3 =	vor.u32 v3, v4  }
0x31f: {  	v4 =	vperm.xlane v3, v0;
	_ =	sdelay $0x1  }
0x320: {  	v4 =	vadd.s32 v1, v4;
	_ =	sdelay $0x1  }
0x321: {  	v3 =	vperm.xlane v3, v2;
	_ =	sdelay $0x1  }
0x322: {  	s14 =	simm.s32 $0xC800;
	v3 =	vadd.s32 v1, v3  }
0x323: {  	[tilespmem:s14], [sflag:$0x2] =	stream.indirect_vreg.gather [hbm4b:s1+s3], $0x80, v4, vm0, $0xb8;
	[tilespmem:$0x10800] =	vst v63  }
0x324: {  	s29 =	simm.s32 $0xD000  }
0x325: {  	[tilespmem:s29], [sflag:$0x2] =	stream.indirect_vreg.gather [hbm4b:s5+s3], $0x80, v4, vm0, $0xb8;
	[tilespmem:$0x10800] =	vst v63  }
0x326: {  	s19 =	simm.s32 $0xD800  }
0x327: {  	[tilespmem:s19], [sflag:$0x2] =	stream.indirect_vreg.gather [hbm4b:s1+s3], $0x80, v3, vm0, $0xb8;
	[tilespmem:$0x10800] =	vst v63  }
0x328: {  	s20 =	simm.s32 $0xE000  }
0x329: {  	[tilespmem:s20], [sflag:$0x2] =	stream.indirect_vreg.gather [hbm4b:s5+s3], $0x80, v3, vm0, $0xb8;
	[tilespmem:$0x10800] =	vst v63  }
0x32a: {  	v3 =	vld [tilespmem:$0x5B0];
	_ =	sdelay $0x4  }
0x32b: {  	v47 =	vshll.u32 v3, $0x2  }
0x32c: {  	v3 =	vand.u32 $0x7, v3;
	v4 =	vand.u32 $0xFFFFFFE0, v47  }
0x32d: {  	v3 =	vor.u32 v3, v4  }
0x32e: {  	v4 =	vperm.xlane v3, v0;
	_ =	sdelay $0x1  }
0x32f: {  	v4 =	vadd.s32 v1, v4;
	_ =	sdelay $0x1  }
0x330: {  	v3 =	vperm.xlane v3, v2;
	_ =	sdelay $0x1  }
0x331: {  	s2 =	simm.s32 $0xE800;
	v3 =	vadd.s32 v1, v3  }
0x332: {  	[tilespmem:s2], [sflag:$0x2] =	stream.indirect_vreg.gather [hbm4b:s1+s3], $0x80, v4, vm0, $0xb8;
	[tilespmem:$0x10800] =	vst v63  }
0x333: {  	s4 =	simm.s32 $0xF000  }
0x334: {  	[tilespmem:s4], [sflag:$0x2] =	stream.indirect_vreg.gather [hbm4b:s5+s3], $0x80, v4, vm0, $0xb8;
	[tilespmem:$0x10800] =	vst v63  }
0x335: {  	s6 =	simm.s32 $0xF800  }
0x336: {  	[tilespmem:s6], [sflag:$0x2] =	stream.indirect_vreg.gather [hbm4b:s1+s3], $0x80, v3, vm0, $0xb8;
	[tilespmem:$0x10800] =	vst v63  }
0x337: {  	s7 =	simm.s32 $0x10000  }
0x338: {  	[tilespmem:s7], [sflag:$0x2] =	stream.indirect_vreg.gather [hbm4b:s5+s3], $0x80, v3, vm0, $0xb8;
	[tilespmem:$0x10800] =	vst v63  }
0x339: {  	_ =	swait.ge [sflag:s15], $0x8000  }
0x33a: {  	[sflag:s15] =	ssyncset.done $0x0  }
0x33b: {  	s19 =	rddreg [dreg:$0xf];
	[sflag:s15] =	ssyncadd.s32 $0xFFFF8000  }
0x33c: {  	[hbm4b:s19+s3] =	stream.linear.scatter [tilespmem:s25], [sflag:$0x4], $0x8000, $0x38;
	[tilespmem:$0x10800] =	vst v63  }
0x33d: {  	_ =	swait.ge [sflag:s16], $0x8000  }
0x33e: {  	[sflag:s16] =	ssyncset.done $0x0  }
0x33f: {  	[sflag:s16] =	ssyncadd.s32 $0xFFFF8000  }
0x340: {  	v3 =	vld [tilespmem:$0x600];
	_ =	sdelay $0x4  }
0x341: {  	v48 =	vshll.u32 v3, $0x2  }
0x342: {  	v3 =	vand.u32 $0x7, v3;
	v4 =	vand.u32 $0xFFFFFFE0, v48  }
0x343: {  	v3 =	vor.u32 v3, v4  }
0x344: {  	v4 =	vperm.xlane v3, v0;
	_ =	sdelay $0x1  }
0x345: {  	v4 =	vadd.s32 v1, v4;
	_ =	sdelay $0x1  }
0x346: {  	v3 =	vperm.xlane v3, v2;
	_ =	sdelay $0x1  }
0x347: {  	v3 =	vadd.s32 v1, v3  }
0x348: {  	[tilespmem:s8], [sflag:$0x1] =	stream.indirect_vreg.gather [hbm4b:s1+s3], $0x80, v4, vm0, $0xb8;
	[tilespmem:$0x10800] =	vst v63  }
0x349: {  	s20 =	simm.s32 $0x1000  }
0x34a: {  	[tilespmem:s20], [sflag:$0x1] =	stream.indirect_vreg.gather [hbm4b:s5+s3], $0x80, v4, vm0, $0xb8;
	[tilespmem:$0x10800] =	vst v63  }
0x34b: {  	s29 =	simm.s32 $0x1800  }
0x34c: {  	[tilespmem:s29], [sflag:$0x1] =	stream.indirect_vreg.gather [hbm4b:s1+s3], $0x80, v3, vm0, $0xb8;
	[tilespmem:$0x10800] =	vst v63  }
0x34d: {  	s2 =	simm.s32 $0x2000  }
0x34e: {  	[tilespmem:s2], [sflag:$0x1] =	stream.indirect_vreg.gather [hbm4b:s5+s3], $0x80, v3, vm0, $0xb8;
	[tilespmem:$0x10800] =	vst v63  }
0x34f: {  	v3 =	vld [tilespmem:$0x610];
	_ =	sdelay $0x4  }
0x350: {  	v49 =	vshll.u32 v3, $0x2  }
0x351: {  	v3 =	vand.u32 $0x7, v3;
	v4 =	vand.u32 $0xFFFFFFE0, v49  }
0x352: {  	v3 =	vor.u32 v3, v4  }
0x353: {  	v4 =	vperm.xlane v3, v0;
	_ =	sdelay $0x1  }
0x354: {  	v4 =	vadd.s32 v1, v4;
	_ =	sdelay $0x1  }
0x355: {  	v3 =	vperm.xlane v3, v2;
	_ =	sdelay $0x1  }
0x356: {  	s9 =	simm.s32 $0x2800;
	v3 =	vadd.s32 v1, v3  }
0x357: {  	[tilespmem:s9], [sflag:$0x1] =	stream.indirect_vreg.gather [hbm4b:s1+s3], $0x80, v4, vm0, $0xb8;
	[tilespmem:$0x10800] =	vst v63  }
0x358: {  	s7 =	simm.s32 $0x3000  }
0x359: {  	[tilespmem:s7], [sflag:$0x1] =	stream.indirect_vreg.gather [hbm4b:s5+s3], $0x80, v4, vm0, $0xb8;
	[tilespmem:$0x10800] =	vst v63  }
0x35a: {  	s9 =	simm.s32 $0x3800  }
0x35b: {  	[tilespmem:s9], [sflag:$0x1] =	stream.indirect_vreg.gather [hbm4b:s1+s3], $0x80, v3, vm0, $0xb8;
	[tilespmem:$0x10800] =	vst v63  }
0x35c: {  	s18 =	simm.s32 $0x4000  }
0x35d: {  	[tilespmem:s18], [sflag:$0x1] =	stream.indirect_vreg.gather [hbm4b:s5+s3], $0x80, v3, vm0, $0xb8;
	[tilespmem:$0x10800] =	vst v63  }
0x35e: {  	v3 =	vld [tilespmem:$0x620];
	_ =	sdelay $0x4  }
0x35f: {  	v50 =	vshll.u32 v3, $0x2  }
0x360: {  	v3 =	vand.u32 $0x7, v3;
	v4 =	vand.u32 $0xFFFFFFE0, v50  }
0x361: {  	v3 =	vor.u32 v3, v4  }
0x362: {  	v4 =	vperm.xlane v3, v0;
	_ =	sdelay $0x1  }
0x363: {  	v4 =	vadd.s32 v1, v4;
	_ =	sdelay $0x1  }
0x364: {  	v3 =	vperm.xlane v3, v2;
	_ =	sdelay $0x1  }
0x365: {  	s19 =	simm.s32 $0x4800;
	v3 =	vadd.s32 v1, v3  }
0x366: {  	[tilespmem:s19], [sflag:$0x1] =	stream.indirect_vreg.gather [hbm4b:s1+s3], $0x80, v4, vm0, $0xb8;
	[tilespmem:$0x10800] =	vst v63  }
0x367: {  	s20 =	simm.s32 $0x5000  }
0x368: {  	[tilespmem:s20], [sflag:$0x1] =	stream.indirect_vreg.gather [hbm4b:s5+s3], $0x80, v4, vm0, $0xb8;
	[tilespmem:$0x10800] =	vst v63  }
0x369: {  	s7 =	simm.s32 $0x5800  }
0x36a: {  	[tilespmem:s7], [sflag:$0x1] =	stream.indirect_vreg.gather [hbm4b:s1+s3], $0x80, v3, vm0, $0xb8;
	[tilespmem:$0x10800] =	vst v63  }
0x36b: {  	s31 =	simm.s32 $0x6000  }
0x36c: {  	[tilespmem:s31], [sflag:$0x1] =	stream.indirect_vreg.gather [hbm4b:s5+s3], $0x80, v3, vm0, $0xb8;
	[tilespmem:$0x10800] =	vst v63  }
0x36d: {  	v3 =	vld [tilespmem:$0x630];
	_ =	sdelay $0x4  }
0x36e: {  	v51 =	vshll.u32 v3, $0x2  }
0x36f: {  	v3 =	vand.u32 $0x7, v3;
	v4 =	vand.u32 $0xFFFFFFE0, v51  }
0x370: {  	v3 =	vor.u32 v3, v4  }
0x371: {  	v4 =	vperm.xlane v3, v0;
	_ =	sdelay $0x1  }
0x372: {  	v4 =	vadd.s32 v1, v4;
	_ =	sdelay $0x1  }
0x373: {  	v3 =	vperm.xlane v3, v2;
	_ =	sdelay $0x1  }
0x374: {  	s21 =	simm.s32 $0x6800;
	v3 =	vadd.s32 v1, v3  }
0x375: {  	[tilespmem:s21], [sflag:$0x1] =	stream.indirect_vreg.gather [hbm4b:s1+s3], $0x80, v4, vm0, $0xb8;
	[tilespmem:$0x10800] =	vst v63  }
0x376: {  	s22 =	simm.s32 $0x7000  }
0x377: {  	[tilespmem:s22], [sflag:$0x1] =	stream.indirect_vreg.gather [hbm4b:s5+s3], $0x80, v4, vm0, $0xb8;
	[tilespmem:$0x10800] =	vst v63  }
0x378: {  	s23 =	simm.s32 $0x7800  }
0x379: {  	[tilespmem:s23], [sflag:$0x1] =	stream.indirect_vreg.gather [hbm4b:s1+s3], $0x80, v3, vm0, $0xb8;
	[tilespmem:$0x10800] =	vst v63  }
0x37a: {  	s26 =	simm.s32 $0x8000  }
0x37b: {  	[tilespmem:s26], [sflag:$0x1] =	stream.indirect_vreg.gather [hbm4b:s5+s3], $0x80, v3, vm0, $0xb8;
	[tilespmem:$0x10800] =	vst v63  }
0x37c: {  	_ =	swait.ge [sflag:s24], $0x8000  }
0x37d: {  	[sflag:s24] =	ssyncset.done $0x0  }
0x37e: {  	s9 =	rddreg [dreg:$0x10];
	[sflag:s24] =	ssyncadd.s32 $0xFFFF8000  }
0x37f: {  	[hbm4b:s9+s3] =	stream.linear.scatter [tilespmem:s8], [sflag:$0x3], $0x8000, $0x38;
	[tilespmem:$0x10800] =	vst v63  }
0x380: {  	_ =	swait.ge [sflag:s17], $0x8000  }
0x381: {  	[sflag:s17] =	ssyncset.done $0x0  }
0x382: {  	[sflag:s17] =	ssyncadd.s32 $0xFFFF8000  }
0x383: {  	v3 =	vld [tilespmem:$0x680];
	_ =	sdelay $0x4  }
0x384: {  	v52 =	vshll.u32 v3, $0x2  }
0x385: {  	v3 =	vand.u32 $0x7, v3;
	v4 =	vand.u32 $0xFFFFFFE0, v52  }
0x386: {  	v3 =	vor.u32 v3, v4  }
0x387: {  	v4 =	vperm.xlane v3, v0;
	_ =	sdelay $0x1  }
0x388: {  	v4 =	vadd.s32 v1, v4;
	_ =	sdelay $0x1  }
0x389: {  	v3 =	vperm.xlane v3, v2;
	_ =	sdelay $0x1  }
0x38a: {  	v3 =	vadd.s32 v1, v3  }
0x38b: {  	[tilespmem:s25], [sflag:$0x2] =	stream.indirect_vreg.gather [hbm4b:s1+s3], $0x80, v4, vm0, $0xb8;
	[tilespmem:$0x10800] =	vst v63  }
0x38c: {  	s10 =	simm.s32 $0x9000  }
0x38d: {  	[tilespmem:s10], [sflag:$0x2] =	stream.indirect_vreg.gather [hbm4b:s5+s3], $0x80, v4, vm0, $0xb8;
	[tilespmem:$0x10800] =	vst v63  }
0x38e: {  	s11 =	simm.s32 $0x9800  }
0x38f: {  	[tilespmem:s11], [sflag:$0x2] =	stream.indirect_vreg.gather [hbm4b:s1+s3], $0x80, v3, vm0, $0xb8;
	[tilespmem:$0x10800] =	vst v63  }
0x390: {  	s11 =	simm.s32 $0xA000  }
0x391: {  	[tilespmem:s11], [sflag:$0x2] =	stream.indirect_vreg.gather [hbm4b:s5+s3], $0x80, v3, vm0, $0xb8;
	[tilespmem:$0x10800] =	vst v63  }
0x392: {  	v3 =	vld [tilespmem:$0x690];
	_ =	sdelay $0x4  }
0x393: {  	v53 =	vshll.u32 v3, $0x2  }
0x394: {  	v3 =	vand.u32 $0x7, v3;
	v4 =	vand.u32 $0xFFFFFFE0, v53  }
0x395: {  	v3 =	vor.u32 v3, v4  }
0x396: {  	v4 =	vperm.xlane v3, v0;
	_ =	sdelay $0x1  }
0x397: {  	v4 =	vadd.s32 v1, v4;
	_ =	sdelay $0x1  }
0x398: {  	v3 =	vperm.xlane v3, v2;
	_ =	sdelay $0x1  }
0x399: {  	s12 =	simm.s32 $0xA800;
	v3 =	vadd.s32 v1, v3  }
0x39a: {  	[tilespmem:s12], [sflag:$0x2] =	stream.indirect_vreg.gather [hbm4b:s1+s3], $0x80, v4, vm0, $0xb8;
	[tilespmem:$0x10800] =	vst v63  }
0x39b: {  	s28 =	simm.s32 $0xB000  }
0x39c: {  	[tilespmem:s28], [sflag:$0x2] =	stream.indirect_vreg.gather [hbm4b:s5+s3], $0x80, v4, vm0, $0xb8;
	[tilespmem:$0x10800] =	vst v63  }
0x39d: {  	s13 =	simm.s32 $0xB800  }
0x39e: {  	[tilespmem:s13], [sflag:$0x2] =	stream.indirect_vreg.gather [hbm4b:s1+s3], $0x80, v3, vm0, $0xb8;
	[tilespmem:$0x10800] =	vst v63  }
0x39f: {  	s13 =	simm.s32 $0xC000  }
0x3a0: {  	[tilespmem:s13], [sflag:$0x2] =	stream.indirect_vreg.gather [hbm4b:s5+s3], $0x80, v3, vm0, $0xb8;
	[tilespmem:$0x10800] =	vst v63  }
0x3a1: {  	v3 =	vld [tilespmem:$0x6A0];
	_ =	sdelay $0x4  }
0x3a2: {  	v54 =	vshll.u32 v3, $0x2  }
0x3a3: {  	v3 =	vand.u32 $0x7, v3;
	v4 =	vand.u32 $0xFFFFFFE0, v54  }
0x3a4: {  	v3 =	vor.u32 v3, v4  }
0x3a5: {  	v4 =	vperm.xlane v3, v0;
	_ =	sdelay $0x1  }
0x3a6: {  	v4 =	vadd.s32 v1, v4;
	_ =	sdelay $0x1  }
0x3a7: {  	v3 =	vperm.xlane v3, v2;
	_ =	sdelay $0x1  }
0x3a8: {  	s18 =	simm.s32 $0xC800;
	v3 =	vadd.s32 v1, v3  }
0x3a9: {  	[tilespmem:s18], [sflag:$0x2] =	stream.indirect_vreg.gather [hbm4b:s1+s3], $0x80, v4, vm0, $0xb8;
	[tilespmem:$0x10800] =	vst v63  }
0x3aa: {  	s28 =	simm.s32 $0xD000  }
0x3ab: {  	[tilespmem:s28], [sflag:$0x2] =	stream.indirect_vreg.gather [hbm4b:s5+s3], $0x80, v4, vm0, $0xb8;
	[tilespmem:$0x10800] =	vst v63  }
0x3ac: {  	s30 =	simm.s32 $0xD800  }
0x3ad: {  	[tilespmem:s30], [sflag:$0x2] =	stream.indirect_vreg.gather [hbm4b:s1+s3], $0x80, v3, vm0, $0xb8;
	[tilespmem:$0x10800] =	vst v63  }
0x3ae: {  	s13 =	simm.s32 $0xE000  }
0x3af: {  	[tilespmem:s13], [sflag:$0x2] =	stream.indirect_vreg.gather [hbm4b:s5+s3], $0x80, v3, vm0, $0xb8;
	[tilespmem:$0x10800] =	vst v63  }
0x3b0: {  	v3 =	vld [tilespmem:$0x6B0];
	_ =	sdelay $0x4  }
0x3b1: {  	v55 =	vshll.u32 v3, $0x2  }
0x3b2: {  	v3 =	vand.u32 $0x7, v3;
	v4 =	vand.u32 $0xFFFFFFE0, v55  }
0x3b3: {  	v3 =	vor.u32 v3, v4  }
0x3b4: {  	v4 =	vperm.xlane v3, v0;
	_ =	sdelay $0x1  }
0x3b5: {  	v4 =	vadd.s32 v1, v4;
	_ =	sdelay $0x1  }
0x3b6: {  	v3 =	vperm.xlane v3, v2;
	_ =	sdelay $0x1  }
0x3b7: {  	s14 =	simm.s32 $0xE800;
	v3 =	vadd.s32 v1, v3  }
0x3b8: {  	[tilespmem:s14], [sflag:$0x2] =	stream.indirect_vreg.gather [hbm4b:s1+s3], $0x80, v4, vm0, $0xb8;
	[tilespmem:$0x10800] =	vst v63  }
0x3b9: {  	s4 =	simm.s32 $0xF000  }
0x3ba: {  	[tilespmem:s4], [sflag:$0x2] =	stream.indirect_vreg.gather [hbm4b:s5+s3], $0x80, v4, vm0, $0xb8;
	[tilespmem:$0x10800] =	vst v63  }
0x3bb: {  	s6 =	simm.s32 $0xF800  }
0x3bc: {  	[tilespmem:s6], [sflag:$0x2] =	stream.indirect_vreg.gather [hbm4b:s1+s3], $0x80, v3, vm0, $0xb8;
	[tilespmem:$0x10800] =	vst v63  }
0x3bd: {  	s18 =	simm.s32 $0x10000  }
0x3be: {  	[tilespmem:s18], [sflag:$0x2] =	stream.indirect_vreg.gather [hbm4b:s5+s3], $0x80, v3, vm0, $0xb8;
	[tilespmem:$0x10800] =	vst v63  }
0x3bf: {  	_ =	swait.ge [sflag:s15], $0x8000  }
0x3c0: {  	[sflag:s15] =	ssyncset.done $0x0  }
0x3c1: {  	s14 =	rddreg [dreg:$0x11];
	[sflag:s15] =	ssyncadd.s32 $0xFFFF8000  }
0x3c2: {  	[hbm4b:s14+s3] =	stream.linear.scatter [tilespmem:s25], [sflag:$0x4], $0x8000, $0x38;
	[tilespmem:$0x10800] =	vst v63  }
0x3c3: {  	_ =	swait.ge [sflag:s16], $0x8000  }
0x3c4: {  	[sflag:s16] =	ssyncset.done $0x0  }
0x3c5: {  	[sflag:s16] =	ssyncadd.s32 $0xFFFF8000  }
0x3c6: {  	v3 =	vld [tilespmem:$0x700];
	_ =	sdelay $0x4  }
0x3c7: {  	v56 =	vshll.u32 v3, $0x2  }
0x3c8: {  	v3 =	vand.u32 $0x7, v3;
	v4 =	vand.u32 $0xFFFFFFE0, v56  }
0x3c9: {  	v3 =	vor.u32 v3, v4  }
0x3ca: {  	v4 =	vperm.xlane v3, v0;
	_ =	sdelay $0x1  }
0x3cb: {  	v4 =	vadd.s32 v1, v4;
	_ =	sdelay $0x1  }
0x3cc: {  	v3 =	vperm.xlane v3, v2;
	_ =	sdelay $0x1  }
0x3cd: {  	v3 =	vadd.s32 v1, v3  }
0x3ce: {  	[tilespmem:s8], [sflag:$0x1] =	stream.indirect_vreg.gather [hbm4b:s1+s3], $0x80, v4, vm0, $0xb8;
	[tilespmem:$0x10800] =	vst v63  }
0x3cf: {  	s18 =	simm.s32 $0x1000  }
0x3d0: {  	[tilespmem:s18], [sflag:$0x1] =	stream.indirect_vreg.gather [hbm4b:s5+s3], $0x80, v4, vm0, $0xb8;
	[tilespmem:$0x10800] =	vst v63  }
0x3d1: {  	s18 =	simm.s32 $0x1800  }
0x3d2: {  	[tilespmem:s18], [sflag:$0x1] =	stream.indirect_vreg.gather [hbm4b:s1+s3], $0x80, v3, vm0, $0xb8;
	[tilespmem:$0x10800] =	vst v63  }
0x3d3: {  	s18 =	simm.s32 $0x2000  }
0x3d4: {  	[tilespmem:s18], [sflag:$0x1] =	stream.indirect_vreg.gather [hbm4b:s5+s3], $0x80, v3, vm0, $0xb8;
	[tilespmem:$0x10800] =	vst v63  }
0x3d5: {  	v3 =	vld [tilespmem:$0x710];
	_ =	sdelay $0x4  }
0x3d6: {  	v57 =	vshll.u32 v3, $0x2  }
0x3d7: {  	v3 =	vand.u32 $0x7, v3;
	v4 =	vand.u32 $0xFFFFFFE0, v57  }
0x3d8: {  	v3 =	vor.u32 v3, v4  }
0x3d9: {  	v4 =	vperm.xlane v3, v0;
	_ =	sdelay $0x1  }
0x3da: {  	v4 =	vadd.s32 v1, v4;
	_ =	sdelay $0x1  }
0x3db: {  	v3 =	vperm.xlane v3, v2;
	_ =	sdelay $0x1  }
0x3dc: {  	s0 =	simm.s32 $0x2800;
	v3 =	vadd.s32 v1, v3  }
0x3dd: {  	[tilespmem:s0], [sflag:$0x1] =	stream.indirect_vreg.gather [hbm4b:s1+s3], $0x80, v4, vm0, $0xb8;
	[tilespmem:$0x10800] =	vst v63  }
0x3de: {  	s14 =	simm.s32 $0x3000  }
0x3df: {  	[tilespmem:s14], [sflag:$0x1] =	stream.indirect_vreg.gather [hbm4b:s5+s3], $0x80, v4, vm0, $0xb8;
	[tilespmem:$0x10800] =	vst v63  }
0x3e0: {  	s18 =	simm.s32 $0x3800  }
0x3e1: {  	[tilespmem:s18], [sflag:$0x1] =	stream.indirect_vreg.gather [hbm4b:s1+s3], $0x80, v3, vm0, $0xb8;
	[tilespmem:$0x10800] =	vst v63  }
0x3e2: {  	s29 =	simm.s32 $0x4000  }
0x3e3: {  	[tilespmem:s29], [sflag:$0x1] =	stream.indirect_vreg.gather [hbm4b:s5+s3], $0x80, v3, vm0, $0xb8;
	[tilespmem:$0x10800] =	vst v63  }
0x3e4: {  	v3 =	vld [tilespmem:$0x720];
	_ =	sdelay $0x4  }
0x3e5: {  	v58 =	vshll.u32 v3, $0x2  }
0x3e6: {  	v3 =	vand.u32 $0x7, v3;
	v4 =	vand.u32 $0xFFFFFFE0, v58  }
0x3e7: {  	v3 =	vor.u32 v3, v4  }
0x3e8: {  	v4 =	vperm.xlane v3, v0;
	_ =	sdelay $0x1  }
0x3e9: {  	v4 =	vadd.s32 v1, v4;
	_ =	sdelay $0x1  }
0x3ea: {  	v3 =	vperm.xlane v3, v2;
	_ =	sdelay $0x1  }
0x3eb: {  	s14 =	simm.s32 $0x4800;
	v3 =	vadd.s32 v1, v3  }
0x3ec: {  	[tilespmem:s14], [sflag:$0x1] =	stream.indirect_vreg.gather [hbm4b:s1+s3], $0x80, v4, vm0, $0xb8;
	[tilespmem:$0x10800] =	vst v63  }
0x3ed: {  	s18 =	simm.s32 $0x5000  }
0x3ee: {  	[tilespmem:s18], [sflag:$0x1] =	stream.indirect_vreg.gather [hbm4b:s5+s3], $0x80, v4, vm0, $0xb8;
	[tilespmem:$0x10800] =	vst v63  }
0x3ef: {  	s2 =	simm.s32 $0x5800  }
0x3f0: {  	[tilespmem:s2], [sflag:$0x1] =	stream.indirect_vreg.gather [hbm4b:s1+s3], $0x80, v3, vm0, $0xb8;
	[tilespmem:$0x10800] =	vst v63  }
0x3f1: {  	s19 =	simm.s32 $0x6000  }
0x3f2: {  	[tilespmem:s19], [sflag:$0x1] =	stream.indirect_vreg.gather [hbm4b:s5+s3], $0x80, v3, vm0, $0xb8;
	[tilespmem:$0x10800] =	vst v63  }
0x3f3: {  	v3 =	vld [tilespmem:$0x730];
	_ =	sdelay $0x4  }
0x3f4: {  	v59 =	vshll.u32 v3, $0x2  }
0x3f5: {  	v3 =	vand.u32 $0x7, v3;
	v4 =	vand.u32 $0xFFFFFFE0, v59  }
0x3f6: {  	v3 =	vor.u32 v3, v4  }
0x3f7: {  	v4 =	vperm.xlane v3, v0;
	_ =	sdelay $0x1  }
0x3f8: {  	v4 =	vadd.s32 v1, v4;
	_ =	sdelay $0x1  }
0x3f9: {  	v3 =	vperm.xlane v3, v2;
	_ =	sdelay $0x1  }
0x3fa: {  	s20 =	simm.s32 $0x6800;
	v3 =	vadd.s32 v1, v3  }
0x3fb: {  	[tilespmem:s20], [sflag:$0x1] =	stream.indirect_vreg.gather [hbm4b:s1+s3], $0x80, v4, vm0, $0xb8;
	[tilespmem:$0x10800] =	vst v63  }
0x3fc: {  	s21 =	simm.s32 $0x7000  }
0x3fd: {  	[tilespmem:s21], [sflag:$0x1] =	stream.indirect_vreg.gather [hbm4b:s5+s3], $0x80, v4, vm0, $0xb8;
	[tilespmem:$0x10800] =	vst v63  }
0x3fe: {  	s22 =	simm.s32 $0x7800  }
0x3ff: {  	[tilespmem:s22], [sflag:$0x1] =	stream.indirect_vreg.gather [hbm4b:s1+s3], $0x80, v3, vm0, $0xb8;
	[tilespmem:$0x10800] =	vst v63  }
0x400: {  	s23 =	simm.s32 $0x8000  }
0x401: {  	[tilespmem:s23], [sflag:$0x1] =	stream.indirect_vreg.gather [hbm4b:s5+s3], $0x80, v3, vm0, $0xb8;
	[tilespmem:$0x10800] =	vst v63  }
0x402: {  	s19 =	rddreg [dreg:$0x15];
	_ =	swait.ge [sflag:s24], $0x8000  }
0x403: {  	[sflag:s24] =	ssyncset.done $0x0  }
0x404: {  	s22 =	rddreg [dreg:$0x12];
	[sflag:s24] =	ssyncadd.s32 $0xFFFF8000  }
0x405: {  	[hbm4b:s22+s3] =	stream.linear.scatter [tilespmem:s8], [sflag:$0x3], $0x8000, $0x38;
	[tilespmem:$0x10800] =	vst v63  }
0x406: {  	_ =	swait.ge [sflag:s17], $0x8000  }
0x407: {  	[sflag:s17] =	ssyncset.done $0x0  }
0x408: {  	[sflag:s17] =	ssyncadd.s32 $0xFFFF8000  }
0x409: {  	v3 =	vld [tilespmem:$0x780];
	_ =	sdelay $0x4  }
0x40a: {  	v60 =	vshll.u32 v3, $0x2  }
0x40b: {  	v3 =	vand.u32 $0x7, v3;
	v4 =	vand.u32 $0xFFFFFFE0, v60  }
0x40c: {  	v3 =	vor.u32 v3, v4  }
0x40d: {  	v4 =	vperm.xlane v3, v0;
	_ =	sdelay $0x1  }
0x40e: {  	v4 =	vadd.s32 v1, v4;
	_ =	sdelay $0x1  }
0x40f: {  	v3 =	vperm.xlane v3, v2;
	_ =	sdelay $0x1  }
0x410: {  	v3 =	vadd.s32 v1, v3  }
0x411: {  	[tilespmem:s25], [sflag:$0x2] =	stream.indirect_vreg.gather [hbm4b:s1+s3], $0x80, v4, vm0, $0xb8;
	[tilespmem:$0x10800] =	vst v63  }
0x412: {  	s7 =	simm.s32 $0x9000  }
0x413: {  	[tilespmem:s7], [sflag:$0x2] =	stream.indirect_vreg.gather [hbm4b:s5+s3], $0x80, v4, vm0, $0xb8;
	[tilespmem:$0x10800] =	vst v63  }
0x414: {  	s9 =	simm.s32 $0x9800  }
0x415: {  	[tilespmem:s9], [sflag:$0x2] =	stream.indirect_vreg.gather [hbm4b:s1+s3], $0x80, v3, vm0, $0xb8;
	[tilespmem:$0x10800] =	vst v63  }
0x416: {  	s23 =	simm.s32 $0xA000  }
0x417: {  	[tilespmem:s23], [sflag:$0x2] =	stream.indirect_vreg.gather [hbm4b:s5+s3], $0x80, v3, vm0, $0xb8;
	[tilespmem:$0x10800] =	vst v63  }
0x418: {  	v3 =	vld [tilespmem:$0x790];
	_ =	sdelay $0x4  }
0x419: {  	v61 =	vshll.u32 v3, $0x2  }
0x41a: {  	v3 =	vand.u32 $0x7, v3;
	v4 =	vand.u32 $0xFFFFFFE0, v61  }
0x41b: {  	v3 =	vor.u32 v3, v4  }
0x41c: {  	v4 =	vperm.xlane v3, v0;
	_ =	sdelay $0x1  }
0x41d: {  	v4 =	vadd.s32 v1, v4;
	_ =	sdelay $0x1  }
0x41e: {  	v3 =	vperm.xlane v3, v2;
	_ =	sdelay $0x1  }
0x41f: {  	s10 =	simm.s32 $0xA800;
	v3 =	vadd.s32 v1, v3  }
0x420: {  	[tilespmem:s10], [sflag:$0x2] =	stream.indirect_vreg.gather [hbm4b:s1+s3], $0x80, v4, vm0, $0xb8;
	[tilespmem:$0x10800] =	vst v63  }
0x421: {  	s26 =	simm.s32 $0xB000  }
0x422: {  	[tilespmem:s26], [sflag:$0x2] =	stream.indirect_vreg.gather [hbm4b:s5+s3], $0x80, v4, vm0, $0xb8;
	[tilespmem:$0x10800] =	vst v63  }
0x423: {  	s11 =	simm.s32 $0xB800  }
0x424: {  	[tilespmem:s11], [sflag:$0x2] =	stream.indirect_vreg.gather [hbm4b:s1+s3], $0x80, v3, vm0, $0xb8;
	[tilespmem:$0x10800] =	vst v63  }
0x425: {  	s26 =	simm.s32 $0xC000  }
0x426: {  	[tilespmem:s26], [sflag:$0x2] =	stream.indirect_vreg.gather [hbm4b:s5+s3], $0x80, v3, vm0, $0xb8;
	[tilespmem:$0x10800] =	vst v63  }
0x427: {  	v3 =	vld [tilespmem:$0x7A0];
	_ =	sdelay $0x4  }
0x428: {  	v62 =	vshll.u32 v3, $0x2  }
0x429: {  	v3 =	vand.u32 $0x7, v3;
	v4 =	vand.u32 $0xFFFFFFE0, v62  }
0x42a: {  	v3 =	vor.u32 v3, v4  }
0x42b: {  	v4 =	vperm.xlane v3, v0;
	_ =	sdelay $0x1  }
0x42c: {  	v4 =	vadd.s32 v1, v4;
	_ =	sdelay $0x1  }
0x42d: {  	v3 =	vperm.xlane v3, v2;
	_ =	sdelay $0x1  }
0x42e: {  	s31 =	simm.s32 $0xC800;
	v3 =	vadd.s32 v1, v3  }
0x42f: {  	[tilespmem:s31], [sflag:$0x2] =	stream.indirect_vreg.gather [hbm4b:s1+s3], $0x80, v4, vm0, $0xb8;
	[tilespmem:$0x10800] =	vst v63  }
0x430: {  	s29 =	simm.s32 $0xD000  }
0x431: {  	[tilespmem:s29], [sflag:$0x2] =	stream.indirect_vreg.gather [hbm4b:s5+s3], $0x80, v4, vm0, $0xb8;
	[tilespmem:$0x10800] =	vst v63  }
0x432: {  	s28 =	simm.s32 $0xD800  }
0x433: {  	[tilespmem:s28], [sflag:$0x2] =	stream.indirect_vreg.gather [hbm4b:s1+s3], $0x80, v3, vm0, $0xb8;
	[tilespmem:$0x10800] =	vst v63  }
0x434: {  	s30 =	simm.s32 $0xE000  }
0x435: {  	[tilespmem:s30], [sflag:$0x2] =	stream.indirect_vreg.gather [hbm4b:s5+s3], $0x80, v3, vm0, $0xb8;
	[tilespmem:$0x10800] =	vst v63  }
0x436: {  	v3 =	vld [tilespmem:$0x7B0];
	_ =	sdelay $0x4  }
0x437: {  	v63 =	vshll.u32 v3, $0x2  }
0x438: {  	v3 =	vand.u32 $0x7, v3;
	v4 =	vand.u32 $0xFFFFFFE0, v63  }
0x439: {  	v3 =	vor.u32 v3, v4  }
0x43a: {  	v4 =	vperm.xlane v3, v0;
	_ =	sdelay $0x1  }
0x43b: {  	v4 =	vadd.s32 v1, v4;
	_ =	sdelay $0x1  }
0x43c: {  	v3 =	vperm.xlane v3, v2;
	_ =	sdelay $0x1  }
0x43d: {  	s12 =	simm.s32 $0xE800;
	v3 =	vadd.s32 v1, v3  }
0x43e: {  	[tilespmem:s12], [sflag:$0x2] =	stream.indirect_vreg.gather [hbm4b:s1+s3], $0x80, v4, vm0, $0xb8;
	[tilespmem:$0x10800] =	vst v63  }
0x43f: {  	s13 =	simm.s32 $0xF000  }
0x440: {  	[tilespmem:s13], [sflag:$0x2] =	stream.indirect_vreg.gather [hbm4b:s5+s3], $0x80, v4, vm0, $0xb8;
	[tilespmem:$0x10800] =	vst v63  }
0x441: {  	s4 =	simm.s32 $0xF800  }
0x442: {  	[tilespmem:s4], [sflag:$0x2] =	stream.indirect_vreg.gather [hbm4b:s1+s3], $0x80, v3, vm0, $0xb8;
	[tilespmem:$0x10800] =	vst v63  }
0x443: {  	s6 =	simm.s32 $0x10000  }
0x444: {  	[tilespmem:s6], [sflag:$0x2] =	stream.indirect_vreg.gather [hbm4b:s5+s3], $0x80, v3, vm0, $0xb8;
	[tilespmem:$0x10800] =	vst v63  }
0x445: {  	_ =	swait.ge [sflag:s15], $0x8000  }
0x446: {  	[sflag:s15] =	ssyncset.done $0x0  }
0x447: {  	s31 =	rddreg [dreg:$0x13];
	[sflag:s15] =	ssyncadd.s32 $0xFFFF8000  }
0x448: {  	[hbm4b:s31+s3] =	stream.linear.scatter [tilespmem:s25], [sflag:$0x4], $0x8000, $0x38;
	[tilespmem:$0x10800] =	vst v63  }
0x449: {  	p0 =	sne.s32 s19, $0x1;
	_ =	swait.ge [sflag:s16], $0x8000  }
.Ltmp0:
0x44a: {  	[sflag:s16] =	ssyncset.done $0x0;
	(pc) =	sbr.rel @p0 .LBB2_1-.Ltmp0, $4  }
0x44b: {  	[sflag:s16] =	ssyncadd.s32 $0xFFFF8000  }
0x44c: {  	_ =	swait.ge [sflag:s17], $0x8000  }
0x44d: {  	[sflag:s17] =	ssyncset.done $0x0  }
0x44e: {  	s0 =	sadd.s32 $0xFFFFFFFF, s19;
	[sflag:s17] =	ssyncadd.s32 $0xFFFF8000  }
0x44f: {  	_ =	sfence.sel $0x180000  }
0x450: {  	[bflag:$0x0] =	sbarrier.arrive $0xFFFF  }
0x451: {  	_ =	strace $0x9000004A  }
0x452: {  	s0 =	stileid.u32;
	[bflag:$0x2] =	sbarrier.arrive $0xFFFF  }
0x453: {  	p0 =	sne.s32 s0, $0x0;
	s0 =	rddreg [dreg:$0x3]  }
0x454: {  	s0 =	sadd.s32 @!p0 $0x100000, s0  }
0x455: {  	[sflag:s0] =	ssyncadd.tile.s32 @!p0 $0x1;
	_ =	shalt  }
.Lfunc_end2:
_tile_overlayer_lowered:
.L_overlay_start_2:
0x456: {  	(tag) =	ssettag $0x2  }
0x457: {  	s0 =	rddreg [dreg:$0x0];
	s2 =	stileid.u32  }
0x458: {  	s1 =	rddreg [dreg:$0x1];
	p0 =	sne.s32 s2, $0x0  }
0x459: {  	s3 =	rddreg [dreg:$0x2];
	[bflag:$0x3] =	sbarrier.arrive $0xFFFF;
	s2 =	simm.s32 @!p0 $0x1C05  }
0x45a: {  	[timem:s3], [sflag:s2] =	dma.local @!p0 [hbm:s0], s1  }
0x45b: {  	s0 =	simm.s32 @!p0 $0x5  }
0x45c: {  	_ =	swait.ge @!p0 [sflag:s0], s1  }
0x45d: {  	s1 =	ssub.s32 @!p0 $0x0, s1;
	[sflag:s0] =	ssyncset.done @!p0 $0x0  }
0x45e: {  	[sflag:s0] =	ssyncadd.s32 @!p0 s1  }
0x45f: {  	[bflag:$0x3] =	sbarrier.arrive $0xFFFF  }
0x460: {  	_ =	shalt  }

// kernel: kernel.7.cloned.1.call-start
scs
__scs_entry_jumppad:
0x0: {  	(pc) =	sbr.rel $0x88, $3  }
0x1: {  	(tag) =	ssettag $0x0;
	lr =	simm.s32 $0x1  }
0x2: {  	[smem:$0x3F9F] =	sst lr;
	_ =	strace $0xD0000000  }
0x3: {  	_ = 	snop  }
0x4: {  	_ = 	snop  }
0x5: {  	_ = 	snop  }
0x6: {  	_ = 	snop  }
0x7: {  	_ = 	snop  }
__scs_overlays_trampoline_lowered:
0x8: {  	[smem:$0x3FAE] =	sst s0  }
0x9: {  	[smem:$0x3FAF] =	sst s1  }
0xa: {  	[smem:$0x3FB0] =	sst s2  }
0xb: {  	[smem:$0x3FB1] =	sst s3  }
0xc: {  	[smem:$0x3FB2] =	sst s4  }
0xd: {  	[smem:$0x3FB3] =	sst s5  }
0xe: {  	[smem:$0x3FB4] =	sst s6  }
0xf: {  	[smem:$0x3FB5] =	sst s7  }
0x10: {  	[smem:$0x3FB6] =	sst s8  }
0x11: {  	[smem:$0x3FB7] =	sst s9;
	s0 =	simm.s32 @!p0 $0x0  }
0x12: {  	s1 =	sld [smem:$0x3F9D];
	s0 =	simm.s32 @p0 $0x1  }
0x13: {  	[smem:$0x3FB8] =	sst s0;
	s0 =	simm.s32 @!p1 $0x0  }
0x14: {  	s2 =	sld [smem:$0x3F9C];
	s0 =	simm.s32 @p1 $0x1  }
0x15: {  	[smem:$0x3FB9] =	sst s0;
	s0 =	simm.s32 @!p2 $0x0  }
0x16: {  	s3 =	sld [smem:$0x3FDB];
	s0 =	simm.s32 @p2 $0x1  }
0x17: {  	s4 =	simm.s32 $0x1BF5;
	[smem:$0x3FBB] =	sst s0  }
0x18: {  	s0 =	sld [smem:$0x3F9E];
	_ =	swait.ge [sflag:s4], $0x0  }
0x19: {  	s7 =	sld [smem:$0x3F9F]  }
0x1a: {  	s8 =	sadd.s32 $0xFFFFE003, lr  }
0x1b: {  	s9 =	sadd.s32 $0xFFFFFEF7, lr;
	s5 =	simm.s32 $0xFFFFFFFF;
	p2 =	slt.u32 s8, $0xFFFFF086  }
0x1c: {  	p1 =	slt.u32 s9, $0xF7A;
	s5 =	simm.s32 @!p2 $0x0  }
0x1d: {  	s5 =	simm.s32 @p1 $0x1;
	p0 =	seq.s32 s7, s2  }
0x1e: {  	s7 =	smul.u32 @!p0 $0xF7A, s2;
	p2 =	seq.s32 @!p0 s5, $0x0  }
0x1f: {  	s9 =	smul.u32 $0xF7A, s1;
	s8 =	simm.s32 @!p0 $0x1BF5;
	p2 =	por !p2, p0  }
0x20: {  	[sflag:s8] =	ssyncset.s32 @!p0 $0xFFFFF086;
	s6 =	sadd.s32 @!p0 s3, s7;
	s7 =	simm.s32 @!p0 $0x108  }
0x21: {  	s3 =	sadd.s32 s3, s9;
	s6 =	sadd.s32 @!p0 $0x88, s6;
	s7 =	simm.s32 @p2 $0x1082  }
0x22: {  	[simem:s7], [sflag:s8] =	dma.local @!p0 [hbm:s6], $0xF7A  }
0x23: {  	s9 =	sor.u32 $0xD0000000, s2;
	s6 =	simm.s32 $0x108;
	_ =	swait.ge @!p0 [sflag:s8], $0x0  }
0x24: {  	s3 =	sadd.s32 $0x88, s3;
	s6 =	simm.s32 @!p1 $0x1082;
	[sflag:s4] =	ssyncset.s32 $0xFFFFF086  }
0x25: {  	[simem:s6], [sflag:s4] =	dma.local [hbm:s3], $0xF7A  }
0x26: {  	[smem:$0x3F9F] =	sst s1;
	(tag) =	ssettag s2;
	_ =	strace s9  }
0x27: {  	s1 =	sld [smem:$0x3FAF]  }
0x28: {  	s2 =	sld [smem:$0x3FB0]  }
0x29: {  	s4 =	sld [smem:$0x3FB2]  }
0x2a: {  	p0 =	seq.s32 s5, $0x0;
	s5 =	sld [smem:$0x3FB3]  }
0x2b: {  	s6 =	sld [smem:$0x3FB4]  }
0x2c: {  	s7 =	sld [smem:$0x3FB5]  }
0x2d: {  	s3 =	simm.s32 $0x108;
	s8 =	sld [smem:$0x3FB6]  }
0x2e: {  	s3 =	simm.s32 @!p0 $0x1082;
	s9 =	sld [smem:$0x3FB7]  }
0x2f: {  	lr =	sadd.s32 s0, s3;
	s0 =	sld [smem:$0x3FAE]  }
0x30: {  	s3 =	sld [smem:$0x3FB1]  }
0x31: {  	[smem:$0x3FBA] =	sst s10  }
0x32: {  	s10 =	sld [smem:$0x3FB8];
	_ =	sdelay $0x3  }
0x33: {  	p0 =	seq.s32 s10, $0x1;
	s10 =	sld [smem:$0x3FBA];
	_ =	sdelay $0x3  }
0x34: {  	[smem:$0x3FBA] =	sst s10  }
0x35: {  	s10 =	sld [smem:$0x3FB9];
	_ =	sdelay $0x3  }
0x36: {  	p1 =	seq.s32 s10, $0x1;
	s10 =	sld [smem:$0x3FBA];
	_ =	sdelay $0x3  }
0x37: {  	[smem:$0x3FBA] =	sst s10  }
0x38: {  	s10 =	sld [smem:$0x3FBB]  }
0x39: {  	_ = 	snop;
	(pc) =	sbr.ind lr, $3  }
0x3a: {  	_ = 	snop  }
0x3b: {  	_ = 	snop  }
0x3c: {  	p2 =	seq.s32 s10, $0x1;
	s10 =	sld [smem:$0x3FBA]  }
0x3d: {  	_ =	shalt  }
0x3e: {  	_ =	shalt  }
0x3f: {  	_ =	shalt  }
0x40: {  	_ =	shalt  }
0x41: {  	_ =	shalt  }
0x42: {  	_ =	shalt  }
0x43: {  	_ =	shalt  }
0x44: {  	_ =	shalt  }
0x45: {  	_ =	shalt  }
0x46: {  	_ =	shalt  }
0x47: {  	_ =	shalt  }
0x48: {  	_ =	shalt  }
0x49: {  	_ =	shalt  }
0x4a: {  	_ =	shalt  }
0x4b: {  	_ =	shalt  }
0x4c: {  	_ =	shalt  }
0x4d: {  	_ =	shalt  }
0x4e: {  	_ =	shalt  }
0x4f: {  	_ =	shalt  }
0x50: {  	_ =	shalt  }
0x51: {  	_ =	shalt  }
0x52: {  	_ =	shalt  }
0x53: {  	_ =	shalt  }
0x54: {  	_ =	shalt  }
0x55: {  	_ =	shalt  }
0x56: {  	_ =	shalt  }
0x57: {  	_ =	shalt  }
0x58: {  	_ =	shalt  }
0x59: {  	_ =	shalt  }
0x5a: {  	_ =	shalt  }
0x5b: {  	_ =	shalt  }
0x5c: {  	_ =	shalt  }
0x5d: {  	_ =	shalt  }
0x5e: {  	_ =	shalt  }
0x5f: {  	_ =	shalt  }
0x60: {  	_ =	shalt  }
0x61: {  	_ =	shalt  }
0x62: {  	_ =	shalt  }
0x63: {  	_ =	shalt  }
0x64: {  	_ =	shalt  }
0x65: {  	_ =	shalt  }
0x66: {  	_ =	shalt  }
0x67: {  	_ =	shalt  }
0x68: {  	_ =	shalt  }
0x69: {  	_ =	shalt  }
0x6a: {  	_ =	shalt  }
0x6b: {  	_ =	shalt  }
0x6c: {  	_ =	shalt  }
0x6d: {  	_ =	shalt  }
0x6e: {  	_ =	shalt  }
0x6f: {  	_ =	shalt  }
0x70: {  	_ =	shalt  }
0x71: {  	_ =	shalt  }
0x72: {  	_ =	shalt  }
0x73: {  	_ =	shalt  }
0x74: {  	_ =	shalt  }
0x75: {  	_ =	shalt  }
0x76: {  	_ =	shalt  }
0x77: {  	_ =	shalt  }
0x78: {  	_ =	shalt  }
0x79: {  	_ =	shalt  }
0x7a: {  	_ =	shalt  }
0x7b: {  	_ =	shalt  }
0x7c: {  	_ =	shalt  }
0x7d: {  	_ =	shalt  }
0x7e: {  	_ =	shalt  }
0x7f: {  	_ =	shalt  }
0x80: {  	_ =	shalt  }
0x81: {  	_ =	shalt  }
0x82: {  	_ =	shalt  }
0x83: {  	_ =	shalt  }
0x84: {  	_ =	shalt  }
0x85: {  	_ =	shalt  }
0x86: {  	_ =	shalt  }
0x87: {  	_ =	shalt  }
.Lfunc_end0:
.L_simem_size_0:
called_computation_lowered:
.L_overlay_start_0:
0x88: {  	s2 =	sld [smem:$0x3FD9]  }
0x89: {  	s3 =	sld [smem:$0x3FFE];
	_ =	sdelay $0x1  }
0x8a: {  	s1 =	srdreg.scid  }
0x8b: {  	s0 =	sand.u32 $0x1, s1  }
0x8c: {  	s14 =	sshll.u32 s0, $0xA;
	s2 =	sadd.s32 s3, s2  }
0x8d: {  	s2 =	sadd.s32 s2, s14  }
0x8e: {  	[smem:$0x3FC6] =	sst s2  }
0x8f: {  	_ = 	snop  }
0x90: {  	s2 =	sld [smem:$0x3FD0];
	_ =	sdelay $0x2  }
0x91: {  	s15 =	simm.s32 $0xA;
	s4 =	simm.s32 $0x10  }
0x92: {  	[smem:s4], [sflag:s15] =	dma.local [hbm:s2], $0x1  }
0x93: {  	_ =	swait.eq [sflag:s15], $0x1  }
0x94: {  	[sflag:s15] =	ssyncset.done $0x0  }
0x95: {  	s16 =	sld [smem:$0x10];
	[sflag:s15] =	ssyncadd.s32 $0xFFFFFFFF  }
0x96: {  	s17 =	sld [smem:$0x11];
	(tm) =	ssettm $0x1  }
0x97: {  	s18 =	sld [smem:$0x3FFB];
	_ =	sdelay $0x3  }
0x98: {  	_ =	strace s18  }
0x99: {  	s4 =	sld [smem:$0x3FFC];
	_ =	sdelay $0x3  }
0x9a: {  	_ =	strace s4  }
0x9b: {  	s4 =	sld [smem:$0x3FFD];
	_ =	sdelay $0x3  }
0x9c: {  	_ =	strace s4  }
0x9d: {  	_ =	strace $0x8FFFFFFF  }
0x9e: {  	s19 =	sld [smem:$0x3FDB];
	_ =	sdelay $0x1  }
0x9f: {  	s5 =	simm.s32 $_scs_section_size  }
0xa0: {  	s6 =	simm.s32 $_size__tile_overlayer_lowered;
	s7 =	simm.s32 $_tile_overlayer_lowered  }
0xa1: {  	s22 =	simm.s32 $0x1BFF;
	s21 =	sshll.u32 s7, $0x1;
	s4 =	sadd.s32 s5, s19  }
0xa2: {  	s8 =	simm.s32 $0x0;
	s20 =	sshll.u32 s6, $0x1;
	s6 =	sadd.s32 s21, s4  }
0xa3: {  	[timem:s8], [sflag:s22] =	dma.local [hbm:s6], s20  }
0xa4: {  	_ =	swait.ge [sflag:s22], s20  }
0xa5: {  	s5 =	ssub.s32 $0x0, s20;
	[sflag:s22] =	ssyncset.done $0x0  }
0xa6: {  	[sflag:s22] =	ssyncadd.s32 s5;
	_ =	sdelay $0x1  }
0xa7: {  	s23 =	simm.s32 $0x1B8B  }
0xa8: {  	_ =	swait.ge [sflag:s23], $0x1  }
0xa9: {  	[sflag:s23] =	ssyncset.done $0x0  }
0xaa: {  	s25 =	simm.s32 $0x1B8E;
	s24 =	sld [smem:$0x3FFE];
	[sflag:s23] =	ssyncadd.s32 $0xFFFFFFFF  }
0xab: {  	s26 =	simm.s32 $execute0_lowered;
	[smem:$0x3FD2] =	sst s25  }
0xac: {  	s6 =	sshll.u32 s26, $0x1;
	_ =	strace $0x80000046;
	[dreg:$0x1] =	wrdreg $0xFFFFFFFF  }
0xad: {  	s28 =	simm.s32 $_size_execute0_lowered;
	s4 =	sadd.s32 s4, s6;
	[dreg:$0x0] =	wrdreg $0x0  }
0xae: {  	s6 =	sshll.u32 s28, $0x1;
	[dreg:$0x2] =	wrdreg s4  }
0xaf: {  	[dreg:$0x3] =	wrdreg s6  }
0xb0: {  	[dreg:$0x4] =	wrdreg $0xC0  }
0xb1: {  	_ =	task [dreg:s8], $0x5FFFF  }
0xb2: {  	[dreg:$0x1] =	wrdreg $0xFFFFFFFF  }
0xb3: {  	[dreg:$0x0] =	wrdreg $0x60  }
0xb4: {  	[dreg:$0x2] =	wrdreg s24  }
0xb5: {  	[dreg:$0x3] =	wrdreg s17  }
0xb6: {  	[dreg:$0x4] =	wrdreg s16  }
0xb7: {  	[dreg:$0x5] =	wrdreg $0x9  }
0xb8: {  	_ =	task.clear_ibuf [dreg:s8], $0x6FFFF;
	_ =	strace $0x90000046  }
0xb9: {  	s29 =	simm.s32 $0x9;
	_ =	strace $0x80000048  }
0xba: {  	_ =	swait.ge [sflag:s29], $0x1  }
0xbb: {  	[sflag:s29] =	ssyncadd.s32 $0xFFFFFFFF  }
0xbc: {  	_ =	strace $0x90000048  }
0xbd: {  	_ =	sfence  }
0xbe: {  	s30 =	sld [smem:$0x0];
	_ =	sdelay $0x2  }
0xbf: {  	s31 =	sshll.u32 s1, $0xD;
	s1 =	sshrl.u32 s1, $0x2  }
0xc0: {  	s3 =	sand.u32 $0x4000, s31;
	s1 =	sadd.s32 s1, s30  }
0xc1: {  	s0 =	sor.u32 s3, s0;
	s1 =	sshll.u32 s1, $0x11  }
0xc2: {  	s0 =	sor.u32 s1, s0  }
0xc3: {  	s0 =	sadd.s32 $0x8F2B, s0  }
0xc4: {  	[sflag:s0] =	ssyncadd.remote.s32 $0x1  }
0xc5: {  	_ =	sfence.sel $0xFFFF  }
0xc6: {  	[dreg:$0x0] =	wrdreg $0xFFFFFFFF;
	(pc) =	sbr.abs _section_cstart, $3  }
0xc7: {  	[dreg:$0x1] =	wrdreg $0xFFFFFFFF  }
0xc8: {  	_ =	task.clear_ibuf [dreg:s8], $0x2FFFF;
	_ =	strace $0x9FFFFFFF  }
0xc9: {  	(tm) =	ssettm $0x7FFFFFFF  }
tec
execute0_lowered:
.L_overlay_start_1:
0x0: {  	(tag) =	ssettag $0x1  }
0x1: {  	s5 =	rddreg [dreg:$0x0]  }
0x2: {  	s3 =	rddreg [dreg:$0x1]  }
0x3: {  	s1 =	srdreg.scid;
	s0 =	stileid.u32  }
0x4: {  	s9 =	rddreg [dreg:$0x2];
	s26 =	sand.u32 $0x1, s1;
	s4 =	sshll.u32 s0, $0x1  }
0x5: {  	s2 =	simm.s32 $0x0;
	s1 =	rddreg [dreg:$0x3];
	s10 =	sor.u32 s26, s4  }
0x6: {  	[smem:$0x7FF] =	sst s2;
	s4 =	sshll.u32 s10, $0x7  }
0x7: {  	_ =	strace $0x80000047;
	s3 =	sadd.s32 s3, s4;
	s4 =	simm.s32 $0x5  }
0x8: {  	[tilespmem:s2], [sflag:$0x5] =	stream.linear.gather [hbm4b:s3+s2], $0x400, $0x38;
	[tilespmem:$0x8400] =	vst v63  }
0x9: {  	_ =	swait.ge [sflag:s4], $0x400  }
0xa: {  	s6 =	simm.s32 $0x80;
	s7 =	simm.s32 $0x400;
	[sflag:s4] =	ssyncset.done $0x0  }
0xb: {  	s8 =	simm.s32 $0x1;
	s5 =	sadd.s32 $0xC3D600, s5;
	[sflag:s4] =	ssyncadd.s32 $0xFFFFFC00  }
0xc: {  	[tilespmem:s7], [sflag:$0x1] =	stream.indirect.gather [hbm4b:s5+s6], $0x80, s2, s6, $0xb8;
	[tilespmem:$0x8400] =	vst v63  }
0xd: {  	_ =	swait.ge [sflag:s8], $0x4000  }
0xe: {  	s10 =	sshll.u32 s10, $0xE;
	[sflag:s8] =	ssyncset.done $0x0  }
0xf: {  	s9 =	sadd.s32 s9, s10;
	[sflag:s8] =	ssyncadd.s32 $0xFFFFC000  }
0x10: {  	[hbm4b:s9+s2] =	stream.linear.scatter [tilespmem:s7], [sflag:$0x3], $0x4000, $0x38;
	[tilespmem:$0x8400] =	vst v63  }
0x11: {  	s11 =	simm.s32 $0x2;
	s10 =	simm.s32 $0x4400  }
0x12: {  	[tilespmem:s10], [sflag:$0x2] =	stream.indirect.gather [hbm4b:s5+s6], $0x80, s6, s6, $0xb8;
	[tilespmem:$0x8400] =	vst v63  }
0x13: {  	_ =	swait.ge [sflag:s11], $0x4000  }
0x14: {  	[sflag:s11] =	ssyncset.done $0x0  }
0x15: {  	s13 =	simm.s32 $0x3;
	s12 =	sadd.s32 $0x800, s9;
	[sflag:s11] =	ssyncadd.s32 $0xFFFFC000  }
0x16: {  	[hbm4b:s12+s2] =	stream.linear.scatter [tilespmem:s10], [sflag:$0x4], $0x4000, $0x38;
	[tilespmem:$0x8400] =	vst v63  }
0x17: {  	_ =	swait.ge [sflag:s13], $0x4000  }
0x18: {  	[sflag:s13] =	ssyncset.done $0x0  }
0x19: {  	s14 =	simm.s32 $0x100;
	[sflag:s13] =	ssyncadd.s32 $0xFFFFC000  }
0x1a: {  	[tilespmem:s7], [sflag:$0x1] =	stream.indirect.gather [hbm4b:s5+s6], $0x80, s14, s6, $0xb8;
	[tilespmem:$0x8400] =	vst v63  }
0x1b: {  	_ =	swait.ge [sflag:s8], $0x4000  }
0x1c: {  	[sflag:s8] =	ssyncset.done $0x0  }
0x1d: {  	s15 =	simm.s32 $0x4;
	s16 =	sadd.s32 $0x1000, s9;
	[sflag:s8] =	ssyncadd.s32 $0xFFFFC000  }
0x1e: {  	[hbm4b:s16+s2] =	stream.linear.scatter [tilespmem:s7], [sflag:$0x3], $0x4000, $0x38;
	[tilespmem:$0x8400] =	vst v63  }
0x1f: {  	_ =	swait.ge [sflag:s15], $0x4000  }
0x20: {  	[sflag:s15] =	ssyncset.done $0x0  }
0x21: {  	s17 =	simm.s32 $0x180;
	[sflag:s15] =	ssyncadd.s32 $0xFFFFC000  }
0x22: {  	[tilespmem:s10], [sflag:$0x2] =	stream.indirect.gather [hbm4b:s5+s6], $0x80, s17, s6, $0xb8;
	[tilespmem:$0x8400] =	vst v63  }
0x23: {  	_ =	swait.ge [sflag:s11], $0x4000  }
0x24: {  	[sflag:s11] =	ssyncset.done $0x0  }
0x25: {  	s18 =	sadd.s32 $0x1800, s9;
	[sflag:s11] =	ssyncadd.s32 $0xFFFFC000  }
0x26: {  	[hbm4b:s18+s2] =	stream.linear.scatter [tilespmem:s10], [sflag:$0x4], $0x4000, $0x38;
	[tilespmem:$0x8400] =	vst v63  }
0x27: {  	_ =	swait.ge [sflag:s13], $0x4000  }
0x28: {  	[sflag:s13] =	ssyncset.done $0x0  }
0x29: {  	s19 =	simm.s32 $0x200;
	[sflag:s13] =	ssyncadd.s32 $0xFFFFC000  }
0x2a: {  	[tilespmem:s7], [sflag:$0x1] =	stream.indirect.gather [hbm4b:s5+s6], $0x80, s19, s6, $0xb8;
	[tilespmem:$0x8400] =	vst v63  }
0x2b: {  	_ =	swait.ge [sflag:s8], $0x4000  }
0x2c: {  	[sflag:s8] =	ssyncset.done $0x0  }
0x2d: {  	s20 =	sadd.s32 $0x2000, s9;
	[sflag:s8] =	ssyncadd.s32 $0xFFFFC000  }
0x2e: {  	[hbm4b:s20+s2] =	stream.linear.scatter [tilespmem:s7], [sflag:$0x3], $0x4000, $0x38;
	[tilespmem:$0x8400] =	vst v63  }
0x2f: {  	_ =	swait.ge [sflag:s15], $0x4000  }
0x30: {  	[sflag:s15] =	ssyncset.done $0x0  }
0x31: {  	s21 =	simm.s32 $0x280;
	[sflag:s15] =	ssyncadd.s32 $0xFFFFC000  }
0x32: {  	[tilespmem:s10], [sflag:$0x2] =	stream.indirect.gather [hbm4b:s5+s6], $0x80, s21, s6, $0xb8;
	[tilespmem:$0x8400] =	vst v63  }
0x33: {  	_ =	swait.ge [sflag:s11], $0x4000  }
0x34: {  	[sflag:s11] =	ssyncset.done $0x0  }
0x35: {  	s22 =	sadd.s32 $0x2800, s9;
	[sflag:s11] =	ssyncadd.s32 $0xFFFFC000  }
0x36: {  	[hbm4b:s22+s2] =	stream.linear.scatter [tilespmem:s10], [sflag:$0x4], $0x4000, $0x38;
	[tilespmem:$0x8400] =	vst v63  }
0x37: {  	_ =	swait.ge [sflag:s13], $0x4000  }
0x38: {  	[sflag:s13] =	ssyncset.done $0x0  }
0x39: {  	s23 =	simm.s32 $0x300;
	[sflag:s13] =	ssyncadd.s32 $0xFFFFC000  }
0x3a: {  	[tilespmem:s7], [sflag:$0x1] =	stream.indirect.gather [hbm4b:s5+s6], $0x80, s23, s6, $0xb8;
	[tilespmem:$0x8400] =	vst v63  }
0x3b: {  	_ =	swait.ge [sflag:s8], $0x4000  }
0x3c: {  	[sflag:s8] =	ssyncset.done $0x0  }
0x3d: {  	s24 =	sadd.s32 $0x3000, s9;
	[sflag:s8] =	ssyncadd.s32 $0xFFFFC000  }
0x3e: {  	[hbm4b:s24+s2] =	stream.linear.scatter [tilespmem:s7], [sflag:$0x3], $0x4000, $0x38;
	[tilespmem:$0x8400] =	vst v63  }
0x3f: {  	_ =	swait.ge [sflag:s15], $0x4000  }
0x40: {  	s28 =	ssub.s32 $0x2, s26;
	[sflag:s15] =	ssyncset.done $0x0  }
0x41: {  	s25 =	simm.s32 $0x380;
	s29 =	sshrl.u32 s28, $0x1;
	[sflag:s15] =	ssyncadd.s32 $0xFFFFC000  }
0x42: {  	[tilespmem:s10], [sflag:$0x2] =	stream.indirect.gather [hbm4b:s5+s6], $0x80, s25, s6, $0xb8;
	[tilespmem:$0x8400] =	vst v63  }
0x43: {  	s28 =	ssub.s32 s28, s29;
	_ =	swait.ge [sflag:s11], $0x4000  }
0x44: {  	s28 =	smax.u32 s28, $0x1;
	[sflag:s11] =	ssyncset.done $0x0  }
0x45: {  	s26 =	sadd.s32 $0x3800, s9;
	p0 =	sne.s32 s28, $0x1;
	[sflag:s11] =	ssyncadd.s32 $0xFFFFC000  }
0x46: {  	[hbm4b:s26+s2] =	stream.linear.scatter [tilespmem:s10], [sflag:$0x4], $0x4000, $0x38;
	[tilespmem:$0x8400] =	vst v63  }
.Ltmp0:
0x47: {  	_ =	swait.ge [sflag:s13], $0x4000;
	(pc) =	sbr.rel @!p0 .LBB2_2-.Ltmp0, $4  }
0x48: {  	[sflag:s13] =	ssyncset.done $0x0  }
0x49: {  	[sflag:s13] =	ssyncadd.s32 $0xFFFFC000  }
0x4a: {  	_ =	swait.ge [sflag:s15], $0x4000  }
0x4b: {  	s28 =	sadd.s32 $0xFFFFFFFF, s28;
	[sflag:s15] =	ssyncset.done $0x0  }
.LBB2_1:
0x4c: {  	p0 =	sne.s32 s28, $0x1;
	s28 =	sadd.s32 $0xFFFFFFFF, s28;
	[sflag:s15] =	ssyncadd.s32 $0xFFFFC000  }
0x4d: {  	[tilespmem:s2], [sflag:$0x5] =	stream.linear.gather [hbm4b:s3+s2], $0x400, $0x38;
	[tilespmem:$0x8400] =	vst v63  }
0x4e: {  	_ =	swait.ge [sflag:s4], $0x400  }
0x4f: {  	[sflag:s4] =	ssyncset.done $0x0  }
0x50: {  	[sflag:s4] =	ssyncadd.s32 $0xFFFFFC00  }
0x51: {  	[tilespmem:s7], [sflag:$0x1] =	stream.indirect.gather [hbm4b:s5+s6], $0x80, s2, s6, $0xb8;
	[tilespmem:$0x8400] =	vst v63  }
0x52: {  	_ =	swait.ge [sflag:s8], $0x4000  }
0x53: {  	[sflag:s8] =	ssyncset.done $0x0  }
0x54: {  	[sflag:s8] =	ssyncadd.s32 $0xFFFFC000  }
0x55: {  	[hbm4b:s9+s2] =	stream.linear.scatter [tilespmem:s7], [sflag:$0x3], $0x4000, $0x38;
	[tilespmem:$0x8400] =	vst v63  }
0x56: {  	_ = 	snop  }
0x57: {  	[tilespmem:s10], [sflag:$0x2] =	stream.indirect.gather [hbm4b:s5+s6], $0x80, s6, s6, $0xb8;
	[tilespmem:$0x8400] =	vst v63  }
0x58: {  	_ =	swait.ge [sflag:s11], $0x4000  }
0x59: {  	[sflag:s11] =	ssyncset.done $0x0  }
0x5a: {  	[sflag:s11] =	ssyncadd.s32 $0xFFFFC000  }
0x5b: {  	[hbm4b:s12+s2] =	stream.linear.scatter [tilespmem:s10], [sflag:$0x4], $0x4000, $0x38;
	[tilespmem:$0x8400] =	vst v63  }
0x5c: {  	_ =	swait.ge [sflag:s13], $0x4000  }
0x5d: {  	[sflag:s13] =	ssyncset.done $0x0  }
0x5e: {  	[sflag:s13] =	ssyncadd.s32 $0xFFFFC000  }
0x5f: {  	[tilespmem:s7], [sflag:$0x1] =	stream.indirect.gather [hbm4b:s5+s6], $0x80, s14, s6, $0xb8;
	[tilespmem:$0x8400] =	vst v63  }
0x60: {  	_ =	swait.ge [sflag:s8], $0x4000  }
0x61: {  	[sflag:s8] =	ssyncset.done $0x0  }
0x62: {  	[sflag:s8] =	ssyncadd.s32 $0xFFFFC000  }
0x63: {  	[hbm4b:s16+s2] =	stream.linear.scatter [tilespmem:s7], [sflag:$0x3], $0x4000, $0x38;
	[tilespmem:$0x8400] =	vst v63  }
0x64: {  	_ =	swait.ge [sflag:s15], $0x4000  }
0x65: {  	[sflag:s15] =	ssyncset.done $0x0  }
0x66: {  	[sflag:s15] =	ssyncadd.s32 $0xFFFFC000  }
0x67: {  	[tilespmem:s10], [sflag:$0x2] =	stream.indirect.gather [hbm4b:s5+s6], $0x80, s17, s6, $0xb8;
	[tilespmem:$0x8400] =	vst v63  }
0x68: {  	_ =	swait.ge [sflag:s11], $0x4000  }
0x69: {  	[sflag:s11] =	ssyncset.done $0x0  }
0x6a: {  	[sflag:s11] =	ssyncadd.s32 $0xFFFFC000  }
0x6b: {  	[hbm4b:s18+s2] =	stream.linear.scatter [tilespmem:s10], [sflag:$0x4], $0x4000, $0x38;
	[tilespmem:$0x8400] =	vst v63  }
0x6c: {  	_ =	swait.ge [sflag:s13], $0x4000  }
0x6d: {  	[sflag:s13] =	ssyncset.done $0x0  }
0x6e: {  	[sflag:s13] =	ssyncadd.s32 $0xFFFFC000  }
0x6f: {  	[tilespmem:s7], [sflag:$0x1] =	stream.indirect.gather [hbm4b:s5+s6], $0x80, s19, s6, $0xb8;
	[tilespmem:$0x8400] =	vst v63  }
0x70: {  	_ =	swait.ge [sflag:s8], $0x4000  }
0x71: {  	[sflag:s8] =	ssyncset.done $0x0  }
0x72: {  	[sflag:s8] =	ssyncadd.s32 $0xFFFFC000  }
0x73: {  	[hbm4b:s20+s2] =	stream.linear.scatter [tilespmem:s7], [sflag:$0x3], $0x4000, $0x38;
	[tilespmem:$0x8400] =	vst v63  }
0x74: {  	_ =	swait.ge [sflag:s15], $0x4000  }
0x75: {  	[sflag:s15] =	ssyncset.done $0x0  }
0x76: {  	[sflag:s15] =	ssyncadd.s32 $0xFFFFC000  }
0x77: {  	[tilespmem:s10], [sflag:$0x2] =	stream.indirect.gather [hbm4b:s5+s6], $0x80, s21, s6, $0xb8;
	[tilespmem:$0x8400] =	vst v63  }
0x78: {  	_ =	swait.ge [sflag:s11], $0x4000  }
0x79: {  	[sflag:s11] =	ssyncset.done $0x0  }
0x7a: {  	[sflag:s11] =	ssyncadd.s32 $0xFFFFC000  }
0x7b: {  	[hbm4b:s22+s2] =	stream.linear.scatter [tilespmem:s10], [sflag:$0x4], $0x4000, $0x38;
	[tilespmem:$0x8400] =	vst v63  }
0x7c: {  	_ =	swait.ge [sflag:s13], $0x4000  }
0x7d: {  	[sflag:s13] =	ssyncset.done $0x0  }
0x7e: {  	[sflag:s13] =	ssyncadd.s32 $0xFFFFC000  }
0x7f: {  	[tilespmem:s7], [sflag:$0x1] =	stream.indirect.gather [hbm4b:s5+s6], $0x80, s23, s6, $0xb8;
	[tilespmem:$0x8400] =	vst v63  }
0x80: {  	_ =	swait.ge [sflag:s8], $0x4000  }
0x81: {  	[sflag:s8] =	ssyncset.done $0x0  }
0x82: {  	[sflag:s8] =	ssyncadd.s32 $0xFFFFC000  }
0x83: {  	[hbm4b:s24+s2] =	stream.linear.scatter [tilespmem:s7], [sflag:$0x3], $0x4000, $0x38;
	[tilespmem:$0x8400] =	vst v63  }
0x84: {  	_ =	swait.ge [sflag:s15], $0x4000  }
0x85: {  	[sflag:s15] =	ssyncset.done $0x0  }
0x86: {  	[sflag:s15] =	ssyncadd.s32 $0xFFFFC000  }
0x87: {  	[tilespmem:s10], [sflag:$0x2] =	stream.indirect.gather [hbm4b:s5+s6], $0x80, s25, s6, $0xb8;
	[tilespmem:$0x8400] =	vst v63  }
0x88: {  	_ =	swait.ge [sflag:s11], $0x4000  }
0x89: {  	[sflag:s11] =	ssyncset.done $0x0  }
0x8a: {  	[sflag:s11] =	ssyncadd.s32 $0xFFFFC000  }
0x8b: {  	[hbm4b:s26+s2] =	stream.linear.scatter [tilespmem:s10], [sflag:$0x4], $0x4000, $0x38;
	[tilespmem:$0x8400] =	vst v63  }
.Ltmp1:
0x8c: {  	_ =	swait.ge [sflag:s13], $0x4000;
	(pc) =	sbr.rel @p0 .LBB2_1-.Ltmp1, $4  }
0x8d: {  	[sflag:s13] =	ssyncset.done $0x0  }
0x8e: {  	[sflag:s13] =	ssyncadd.s32 $0xFFFFC000  }
0x8f: {  	_ =	swait.ge [sflag:s15], $0x4000  }
0x90: {  	[sflag:s15] =	ssyncset.done $0x0  }
.LBB2_2:
0x91: {  	[sflag:s15] =	ssyncadd.s32 $0xFFFFC000  }
0x92: {  	_ =	sfence.sel $0x180000  }
0x93: {  	[bflag:$0x0] =	sbarrier.arrive $0xFFFF  }
0x94: {  	p0 =	sne.s32 s0, $0x0;
	_ =	strace $0x90000047  }
0x95: {  	s0 =	sadd.s32 @!p0 $0x100000, s1;
	[bflag:$0x2] =	sbarrier.arrive $0xFFFF  }
0x96: {  	[sflag:s0] =	ssyncadd.tile.s32 @!p0 $0x1;
	_ =	shalt  }
.Lfunc_end2:
_tile_overlayer_lowered:
.L_overlay_start_2:
0x97: {  	(tag) =	ssettag $0x2  }
0x98: {  	s0 =	rddreg [dreg:$0x0];
	s2 =	stileid.u32  }
0x99: {  	s1 =	rddreg [dreg:$0x1];
	p0 =	sne.s32 s2, $0x0  }
0x9a: {  	s3 =	rddreg [dreg:$0x2];
	[bflag:$0x3] =	sbarrier.arrive $0xFFFF;
	s2 =	simm.s32 @!p0 $0x1C05  }
0x9b: {  	[timem:s3], [sflag:s2] =	dma.local @!p0 [hbm:s0], s1  }
0x9c: {  	s0 =	simm.s32 @!p0 $0x5  }
0x9d: {  	_ =	swait.ge @!p0 [sflag:s0], s1  }
0x9e: {  	s1 =	ssub.s32 @!p0 $0x0, s1;
	[sflag:s0] =	ssyncset.done @!p0 $0x0  }
0x9f: {  	[sflag:s0] =	ssyncadd.s32 @!p0 s1  }
0xa0: {  	[bflag:$0x3] =	sbarrier.arrive $0xFFFF  }
0xa1: {  	_ =	shalt  }

</sc_bundles>
